<compile_context>
chip_gen: v7x
topology: tpu7x:2x2x1
jax: 0.10.2.dev20260603
libtpu: 0.0.44.dev20260713+nightly
codegen_flags: <defaults>
</compile_context>

<pallas_src>
import functools

import jax
import jax.numpy as jnp
from jax import lax
from jax.experimental import pallas as pl
from jax.experimental.pallas import tpu as pltpu
from jax.experimental.pallas import tpu_sc as plsc

_N = 8388608
_NW = 32
_NBLK = _N // 128
_BLKW = _NBLK // _NW
_CBLK = 128
_NCHUNK = _BLKW // _CBLK
_NBINS = 1536
_LANES = 16


@functools.partial(
    pl.kernel,
    out_type=jax.ShapeDtypeStruct((_NW, _NBINS), jnp.float32),
    mesh=plsc.VectorSubcoreMesh(core_axis_name="c", subcore_axis_name="s"),
    scratch_types=[
        pltpu.VMEM((_CBLK, 2, 128), jnp.float32),
        pltpu.VMEM((_CBLK, 2, 128), jnp.float32),
        pltpu.VMEM((_CBLK, 1, 128), jnp.float32),
        pltpu.VMEM((_CBLK, 1, 128), jnp.float32),
        pltpu.VMEM((_NBINS * _LANES,), jnp.float32),
        pltpu.VMEM((_NBINS,), jnp.float32),
        pltpu.SemaphoreType.DMA,
        pltpu.SemaphoreType.DMA,
        pltpu.SemaphoreType.DMA,
        pltpu.SemaphoreType.DMA,
    ],
    compiler_params=pltpu.CompilerParams(needs_layout_passes=False),
)
def _sc_hist(ev_hbm, out_hbm, bufxy0, bufxy1, bufp0, bufp1, hist, part,
             semxy0, semxy1, semp0, semp1):
    wid = lax.axis_index("s") * 2 + lax.axis_index("c")
    iota = lax.iota(jnp.int32, _LANES)
    lane_base = iota * _NBINS
    lane_base_neg = lane_base + 768
    zeros = jnp.zeros((_LANES,), jnp.float32)
    ones = jnp.full((_LANES,), 1.0, jnp.float32)

    def zbody(i, c):
        hist[pl.ds(i * _LANES, _LANES)] = zeros
        return c

    lax.fori_loop(0, _NBINS * _LANES // _LANES, zbody, 0)

    bufxy = (bufxy0, bufxy1)
    bufp = (bufp0, bufp1)
    semxy = (semxy0, semxy1)
    semp = (semp0, semp1)
    base_blk = wid * _BLKW

    def make_copies(k, slot):
        b0 = base_blk + k * _CBLK
        return (
            pltpu.make_async_copy(
                ev_hbm.at[pl.ds(b0, _CBLK), pl.ds(0, 2), :],
                bufxy[slot], semxy[slot]),
            pltpu.make_async_copy(
                ev_hbm.at[pl.ds(b0, _CBLK), pl.ds(3, 1), :],
                bufp[slot], semp[slot]),
        )

    def start(k, slot):
        cxy, cp = make_copies(k, slot)
        cxy.start()
        cp.start()

    def wait(k, slot):
        cxy, cp = make_copies(k, slot)
        cxy.wait()
        cp.wait()

    def process(bxy, bp):
        @plsc.parallel_loop(0, _CBLK, unroll=2)
        def _(bb):
            for l in range(8):
                xv = bxy[bb, 0, pl.ds(l * _LANES, _LANES)]
                yv = bxy[bb, 1, pl.ds(l * _LANES, _LANES)]
                pv = bp[bb, 0, pl.ds(l * _LANES, _LANES)]
                xb = jnp.minimum((xv * jnp.float32(0.05)).astype(jnp.int32), 31)
                yb = jnp.minimum((yv * jnp.float32(0.05)).astype(jnp.int32), 23)
                base = jnp.where(pv > 0.0, lane_base, lane_base_neg)
                idx = base + (yb * 32 + xb)
                plsc.addupdate_scatter(hist, [idx], ones)

    start(0, 0)
    start(1, 1)

    def cbody(g, c):
        k = g * 2
        for slot in (0, 1):
            wait(k + slot, slot)
            process(bufxy[slot], bufp[slot])

            @pl.when(k + slot + 2 < _NCHUNK)
            def _():
                start(k + slot + 2, slot)

        return c

    lax.fori_loop(0, _NCHUNK // 2, cbody, 0)

    def rbody(j, c):
        acc = zeros
        for l in range(_LANES):
            acc = acc + hist[pl.ds(l * _NBINS + j * _LANES, _LANES)]
        part[pl.ds(j * _LANES, _LANES)] = acc
        return c

    lax.fori_loop(0, _NBINS // _LANES, rbody, 0)
    pltpu.sync_copy(part, out_hbm.at[wid])


def _finish_body(parts_ref, o_ref):
    parts = parts_ref[...]
    hist = jnp.sum(parts, axis=0, keepdims=True)
    total = jnp.sum(hist)
    o_ref[...] = jnp.where(total > 0.0, hist / total, hist)


def kernel(events):
    ev_blocks = events.reshape(_NBLK, 128, 4).transpose(0, 2, 1)
    parts = _sc_hist(ev_blocks)
    out = pl.pallas_call(
        _finish_body,
        out_shape=jax.ShapeDtypeStruct((1, _NBINS), jnp.float32),
    )(parts)
    return out.reshape(2, 24, 32)

# --- scband reference (transcript-rebuilt; emitter-appended) ---
"""Pipeline reference for scband-spatial-encoder-16578573762771 (READ-ONLY COPY).

The authoritative reference and input builder live on the scoring server;
editing this copy changes nothing except your own understanding.
"""

import jax, jax.numpy as jnp
import numpy as np

N = 8388608
SENSOR = (640, 480)
BINS = (32, 24)  # (x_bins, y_bins)

def setup_inputs(seed: int = 0) -> dict:
    key = jax.random.key(seed)
    k1, k2, k3, k4 = jax.random.split(key, 4)
    x = jax.random.uniform(k1, (N,), dtype=jnp.float32) * SENSOR[0]
    y = jax.random.uniform(k2, (N,), dtype=jnp.float32) * SENSOR[1]
    t = jax.random.uniform(k3, (N,), dtype=jnp.float32) * 50.0
    p = jnp.where(jax.random.uniform(k4, (N,), dtype=jnp.float32) > 0.5, 1.0, -1.0).astype(jnp.float32)
    events = jnp.stack([x, y, t, p], axis=1)
    return {"events": events}

def reference(events):
    x_factor = BINS[0] / SENSOR[0]
    y_factor = BINS[1] / SENSOR[1]
    x_coords = events[:, 0]
    y_coords = events[:, 1]
    polarities = events[:, 3]
    # torch .long() truncates toward zero; coords are non-negative so int cast == floor
    x_bins = jnp.clip((x_coords * x_factor).astype(jnp.int32), 0, BINS[0] - 1)
    y_bins = jnp.clip((y_coords * y_factor).astype(jnp.int32), 0, BINS[1] - 1)
    pos_w = (polarities > 0).astype(jnp.float32)
    neg_w = (polarities <= 0).astype(jnp.float32)
    # histogramdd over already-integer bin coords with unit-width bins == count per (y_bin, x_bin)
    pos_hist = jnp.zeros((BINS[1], BINS[0]), dtype=jnp.float32).at[y_bins, x_bins].add(pos_w)
    neg_hist = jnp.zeros((BINS[1], BINS[0]), dtype=jnp.float32).at[y_bins, x_bins].add(neg_w)
    histogram = jnp.stack([pos_hist, neg_hist], axis=0)
    total = histogram.sum()
    histogram = jnp.where(total > 0, histogram / total, histogram)
    return histogram

if __name__ == "__main__":
    import jax
    _d = setup_inputs()
    print(jax.jit(kernel)(*tuple(_d.values())))

</pallas_src>

<mosaic_0001>
#map = affine_map<(d0, d1) -> (0, 0, 0)>
#map1 = affine_map<(d0, d1) -> (0, 0)>
module attributes {stable_mosaic.version = 14 : i64} {
  func.func @_sc_hist(%arg0: i32, %arg1: i32, %arg2: memref<65536x4x128xf32, #tpu.memory_space<hbm>>, %arg3: memref<32x1536xf32, #tpu.memory_space<hbm>>, %arg4: memref<128x2x128xf32, #tpu.memory_space<vmem>>, %arg5: memref<128x2x128xf32, #tpu.memory_space<vmem>>, %arg6: memref<128x1x128xf32, #tpu.memory_space<vmem>>, %arg7: memref<128x1x128xf32, #tpu.memory_space<vmem>>, %arg8: memref<24576xf32, #tpu.memory_space<vmem>>, %arg9: memref<1536xf32, #tpu.memory_space<vmem>>, %arg10: memref<!tpu.dma_semaphore, #tpu.memory_space<semaphore_mem>>, %arg11: memref<!tpu.dma_semaphore, #tpu.memory_space<semaphore_mem>>, %arg12: memref<!tpu.dma_semaphore, #tpu.memory_space<semaphore_mem>>, %arg13: memref<!tpu.dma_semaphore, #tpu.memory_space<semaphore_mem>>) attributes {dimension_semantics = [#tpu.dimension_semantics<core_parallel>, #tpu.dimension_semantics<subcore_parallel>], iteration_bounds = array<i64: 2, 16>, scalar_prefetch = 0 : i64, scratch_operands = 10 : i64, tpu.core_type = #tpu.core_type<sc_vector_subcore>, window_params = [{transform_indices = #map}, {transform_indices = #map1}]} {
    %mul3A = arith.constant 2 : i32
    %mul3A_0 = arith.muli %arg1, %mul3A : i32
    %add3A = arith.addi %mul3A_0, %arg0 : i32
    %iota3A = tpu.iota {dimensions = array<i32: 0>} : vector<16xi32>
    %mul3A_1 = arith.constant 1536 : i32
    %mul3A_2 = vector.broadcast %mul3A_1 : i32 to vector<16xi32>
    %mul3A_3 = arith.muli %iota3A, %mul3A_2 : vector<16xi32>
    %add3A_4 = arith.constant 768 : i32
    %add3A_5 = vector.broadcast %add3A_4 : i32 to vector<16xi32>
    %add3A_6 = arith.addi %mul3A_3, %add3A_5 : vector<16xi32>
    %broadcast_in_dim3A = arith.constant 0.000000e+00 : f32
    %broadcast_in_dim3A_7 = vector.broadcast %broadcast_in_dim3A : f32 to vector<16xf32>
    %broadcast_in_dim3A_8 = arith.constant 1.000000e+00 : f32
    %broadcast_in_dim3A_9 = vector.broadcast %broadcast_in_dim3A_8 : f32 to vector<16xf32>
    %scan3A = arith.constant 0 : i32
    %scan3A_10 = arith.constant 0 : i32
    %scan3A_11 = arith.constant 1536 : i32
    %scan3A_12 = arith.addi %scan3A_10, %scan3A_11 : i32
    %scan3A_13 = arith.constant 1 : i32
    scf.for %scan3A_56 = %scan3A_10 to %scan3A_12 step %scan3A_13  : i32 {
      %mul3A_57 = arith.constant 16 : i32
      %mul3A_58 = arith.muli %scan3A_56, %mul3A_57 : i32
      %swap3A = arith.index_cast %mul3A_58 : i32 to index
      %swap3A_59 = tpu.vector_load %arg8[%swap3A] {strides = array<i32>} : memref<24576xf32, #tpu.memory_space<vmem>>, vector<16xf32>,
      tpu.vector_store %arg8[%swap3A], %broadcast_in_dim3A_7 {strides = array<i32>} : memref<24576xf32, #tpu.memory_space<vmem>>, vector<16xf32>,
    }
    %scan3A_14 = arith.constant 1536 : i32
    %mul3A_15 = arith.constant 2048 : i32
    %mul3A_16 = arith.muli %add3A, %mul3A_15 : i32
    %add3A_17 = arith.constant 0 : i32
    %add3A_18 = arith.addi %mul3A_16, %add3A_17 : i32
    %dma_start3A = arith.constant 0 : i32
    %dma_start3A_19 = arith.constant 0 : i32
    %dma_start3A_20 = tpu.memref_slice %arg2[%add3A_18, %dma_start3A, %dma_start3A_19] : memref<65536x4x128xf32, #tpu.memory_space<hbm>> -> memref<128x2x128xf32, #tpu.memory_space<hbm>>
    %dma_start3A_21 = arith.constant 0 : i32
    %dma_start3A_22 = arith.constant 0 : i32
    %dma_start3A_23 = tpu.memref_slice %arg2[%add3A_18, %dma_start3A_21, %dma_start3A_22] : memref<65536x4x128xf32, #tpu.memory_space<hbm>> -> memref<128x2x128xf32, #tpu.memory_space<hbm>>
    tpu.enqueue_dma source(%dma_start3A_23 : memref<128x2x128xf32, #tpu.memory_space<hbm>>) target(%arg4 : memref<128x2x128xf32, #tpu.memory_space<vmem>>) target_semaphore(%arg10 : memref<!tpu.dma_semaphore, #tpu.memory_space<semaphore_mem>>)
    %dma_start3A_24 = arith.constant 3 : i32
    %dma_start3A_25 = arith.constant 0 : i32
    %dma_start3A_26 = tpu.memref_slice %arg2[%add3A_18, %dma_start3A_24, %dma_start3A_25] : memref<65536x4x128xf32, #tpu.memory_space<hbm>> -> memref<128x1x128xf32, #tpu.memory_space<hbm>>
    %dma_start3A_27 = arith.constant 3 : i32
    %dma_start3A_28 = arith.constant 0 : i32
    %dma_start3A_29 = tpu.memref_slice %arg2[%add3A_18, %dma_start3A_27, %dma_start3A_28] : memref<65536x4x128xf32, #tpu.memory_space<hbm>> -> memref<128x1x128xf32, #tpu.memory_space<hbm>>
    tpu.enqueue_dma source(%dma_start3A_29 : memref<128x1x128xf32, #tpu.memory_space<hbm>>) target(%arg6 : memref<128x1x128xf32, #tpu.memory_space<vmem>>) target_semaphore(%arg12 : memref<!tpu.dma_semaphore, #tpu.memory_space<semaphore_mem>>)
    %add3A_30 = arith.constant 128 : i32
    %add3A_31 = arith.addi %mul3A_16, %add3A_30 : i32
    %dma_start3A_32 = arith.constant 0 : i32
    %dma_start3A_33 = arith.constant 0 : i32
    %dma_start3A_34 = tpu.memref_slice %arg2[%add3A_31, %dma_start3A_32, %dma_start3A_33] : memref<65536x4x128xf32, #tpu.memory_space<hbm>> -> memref<128x2x128xf32, #tpu.memory_space<hbm>>
    %dma_start3A_35 = arith.constant 0 : i32
    %dma_start3A_36 = arith.constant 0 : i32
    %dma_start3A_37 = tpu.memref_slice %arg2[%add3A_31, %dma_start3A_35, %dma_start3A_36] : memref<65536x4x128xf32, #tpu.memory_space<hbm>> -> memref<128x2x128xf32, #tpu.memory_space<hbm>>
    tpu.enqueue_dma source(%dma_start3A_37 : memref<128x2x128xf32, #tpu.memory_space<hbm>>) target(%arg5 : memref<128x2x128xf32, #tpu.memory_space<vmem>>) target_semaphore(%arg11 : memref<!tpu.dma_semaphore, #tpu.memory_space<semaphore_mem>>)
    %dma_start3A_38 = arith.constant 3 : i32
    %dma_start3A_39 = arith.constant 0 : i32
    %dma_start3A_40 = tpu.memref_slice %arg2[%add3A_31, %dma_start3A_38, %dma_start3A_39] : memref<65536x4x128xf32, #tpu.memory_space<hbm>> -> memref<128x1x128xf32, #tpu.memory_space<hbm>>
    %dma_start3A_41 = arith.constant 3 : i32
    %dma_start3A_42 = arith.constant 0 : i32
    %dma_start3A_43 = tpu.memref_slice %arg2[%add3A_31, %dma_start3A_41, %dma_start3A_42] : memref<65536x4x128xf32, #tpu.memory_space<hbm>> -> memref<128x1x128xf32, #tpu.memory_space<hbm>>
    tpu.enqueue_dma source(%dma_start3A_43 : memref<128x1x128xf32, #tpu.memory_space<hbm>>) target(%arg7 : memref<128x1x128xf32, #tpu.memory_space<vmem>>) target_semaphore(%arg13 : memref<!tpu.dma_semaphore, #tpu.memory_space<semaphore_mem>>)
    %scan3A_44 = arith.constant 0 : i32
    %scan3A_45 = arith.constant 0 : i32
    %scan3A_46 = arith.constant 8 : i32
    %scan3A_47 = arith.addi %scan3A_45, %scan3A_46 : i32
    %scan3A_48 = arith.constant 1 : i32
    scf.for %scan3A_56 = %scan3A_45 to %scan3A_47 step %scan3A_48  : i32 {
      %mul3A_57 = arith.constant 2 : i32
      %mul3A_58 = arith.muli %scan3A_56, %mul3A_57 : i32
      %add3A_59 = arith.constant 0 : i32
      %add3A_60 = arith.addi %mul3A_58, %add3A_59 : i32
      %mul3A_61 = arith.constant 128 : i32
      %mul3A_62 = arith.muli %add3A_60, %mul3A_61 : i32
      %add3A_63 = arith.addi %mul3A_16, %mul3A_62 : i32
      %dma_wait3A = arith.constant 0 : i32
      %dma_wait3A_64 = arith.constant 0 : i32
      %dma_wait3A_65 = tpu.memref_slice %arg2[%add3A_63, %dma_wait3A, %dma_wait3A_64] : memref<65536x4x128xf32, #tpu.memory_space<hbm>> -> memref<128x2x128xf32, #tpu.memory_space<hbm>>
      %dma_wait3A_66 = arith.constant 0 : i32
      %dma_wait3A_67 = arith.constant 0 : i32
      %dma_wait3A_68 = tpu.memref_slice %arg2[%add3A_63, %dma_wait3A_66, %dma_wait3A_67] : memref<65536x4x128xf32, #tpu.memory_space<hbm>> -> memref<128x2x128xf32, #tpu.memory_space<hbm>>
      tpu.wait_dma2 semaphore(%arg10 : memref<!tpu.dma_semaphore, #tpu.memory_space<semaphore_mem>>) src(%dma_wait3A_68 : memref<128x2x128xf32, #tpu.memory_space<hbm>>) dst(%arg4 : memref<128x2x128xf32, #tpu.memory_space<vmem>>)
      %dma_wait3A_69 = arith.constant 3 : i32
      %dma_wait3A_70 = arith.constant 0 : i32
      %dma_wait3A_71 = tpu.memref_slice %arg2[%add3A_63, %dma_wait3A_69, %dma_wait3A_70] : memref<65536x4x128xf32, #tpu.memory_space<hbm>> -> memref<128x1x128xf32, #tpu.memory_space<hbm>>
      %dma_wait3A_72 = arith.constant 3 : i32
      %dma_wait3A_73 = arith.constant 0 : i32
      %dma_wait3A_74 = tpu.memref_slice %arg2[%add3A_63, %dma_wait3A_72, %dma_wait3A_73] : memref<65536x4x128xf32, #tpu.memory_space<hbm>> -> memref<128x1x128xf32, #tpu.memory_space<hbm>>
      tpu.wait_dma2 semaphore(%arg12 : memref<!tpu.dma_semaphore, #tpu.memory_space<semaphore_mem>>) src(%dma_wait3A_74 : memref<128x1x128xf32, #tpu.memory_space<hbm>>) dst(%arg6 : memref<128x1x128xf32, #tpu.memory_space<vmem>>)
      %parallel_loop3A = arith.constant 0 : i32
      %parallel_loop3A_75 = arith.constant 128 : i32
      %parallel_loop3A_76 = arith.constant 1 : i32
      scf.for %parallel_loop3A_112 = %parallel_loop3A to %parallel_loop3A_75 step %parallel_loop3A_76  : i32 {
        %parallel_loop3A_113 = arith.constant 0 : i32
        %parallel_loop3A_114 = arith.index_cast %parallel_loop3A_112 : i32 to index
        %parallel_loop3A_115 = arith.index_cast %parallel_loop3A_113 : i32 to index
        %parallel_loop3A_116 = arith.constant 0 : index
        %parallel_loop3A_117 = tpu.vector_load %arg4[%parallel_loop3A_114, %parallel_loop3A_115, %parallel_loop3A_116] {strides = array<i32>} : memref<128x2x128xf32, #tpu.memory_space<vmem>>, vector<16xf32>,
        %parallel_loop3A_118 = arith.constant 1 : i32
        %parallel_loop3A_119 = arith.index_cast %parallel_loop3A_112 : i32 to index
        %parallel_loop3A_120 = arith.index_cast %parallel_loop3A_118 : i32 to index
        %parallel_loop3A_121 = arith.constant 0 : index
        %parallel_loop3A_122 = tpu.vector_load %arg4[%parallel_loop3A_119, %parallel_loop3A_120, %parallel_loop3A_121] {strides = array<i32>} : memref<128x2x128xf32, #tpu.memory_space<vmem>>, vector<16xf32>,
        %parallel_loop3A_123 = arith.constant 0 : i32
        %parallel_loop3A_124 = arith.index_cast %parallel_loop3A_112 : i32 to index
        %parallel_loop3A_125 = arith.index_cast %parallel_loop3A_123 : i32 to index
        %parallel_loop3A_126 = arith.constant 0 : index
        %parallel_loop3A_127 = tpu.vector_load %arg6[%parallel_loop3A_124, %parallel_loop3A_125, %parallel_loop3A_126] {strides = array<i32>} : memref<128x1x128xf32, #tpu.memory_space<vmem>>, vector<16xf32>,
        %parallel_loop3A_128 = arith.constant 5.000000e-02 : f32
        %parallel_loop3A_129 = vector.broadcast %parallel_loop3A_128 : f32 to vector<16xf32>
        %parallel_loop3A_130 = arith.mulf %parallel_loop3A_117, %parallel_loop3A_129 : vector<16xf32>
        %parallel_loop3A_131 = arith.fptosi %parallel_loop3A_130 : vector<16xf32> to vector<16xi32>
        %parallel_loop3A_132 = arith.constant 31 : i32
        %parallel_loop3A_133 = vector.broadcast %parallel_loop3A_132 : i32 to vector<16xi32>
        %parallel_loop3A_134 = arith.minsi %parallel_loop3A_131, %parallel_loop3A_133 : vector<16xi32>
        %parallel_loop3A_135 = arith.constant 5.000000e-02 : f32
        %parallel_loop3A_136 = vector.broadcast %parallel_loop3A_135 : f32 to vector<16xf32>
        %parallel_loop3A_137 = arith.mulf %parallel_loop3A_122, %parallel_loop3A_136 : vector<16xf32>
        %parallel_loop3A_138 = arith.fptosi %parallel_loop3A_137 : vector<16xf32> to vector<16xi32>
        %parallel_loop3A_139 = arith.constant 23 : i32
        %parallel_loop3A_140 = vector.broadcast %parallel_loop3A_139 : i32 to vector<16xi32>
        %parallel_loop3A_141 = arith.minsi %parallel_loop3A_138, %parallel_loop3A_140 : vector<16xi32>
        %parallel_loop3A_142 = arith.constant 0.000000e+00 : f32
        %parallel_loop3A_143 = vector.broadcast %parallel_loop3A_142 : f32 to vector<16xf32>
        %parallel_loop3A_144 = arith.cmpf ogt, %parallel_loop3A_127, %parallel_loop3A_143 : vector<16xf32>
        %parallel_loop3A_145 = arith.select %parallel_loop3A_144, %mul3A_3, %add3A_6 : vector<16xi1>, vector<16xi32>
        %parallel_loop3A_146 = arith.constant 32 : i32
        %parallel_loop3A_147 = vector.broadcast %parallel_loop3A_146 : i32 to vector<16xi32>
        %parallel_loop3A_148 = arith.muli %parallel_loop3A_141, %parallel_loop3A_147 : vector<16xi32>
        %parallel_loop3A_149 = arith.addi %parallel_loop3A_148, %parallel_loop3A_134 : vector<16xi32>
        %parallel_loop3A_150 = arith.addi %parallel_loop3A_145, %parallel_loop3A_149 : vector<16xi32>
        tpu.vector_store_idx %arg8[%parallel_loop3A_150], %broadcast_in_dim3A_9 {add = true} : memref<24576xf32, #tpu.memory_space<vmem>>[vector<16xi32>], vector<16xf32>,
        %parallel_loop3A_151 = arith.constant 0 : i32
        %parallel_loop3A_152 = arith.index_cast %parallel_loop3A_112 : i32 to index
        %parallel_loop3A_153 = arith.index_cast %parallel_loop3A_151 : i32 to index
        %parallel_loop3A_154 = arith.constant 16 : index
        %parallel_loop3A_155 = tpu.vector_load %arg4[%parallel_loop3A_152, %parallel_loop3A_153, %parallel_loop3A_154] {strides = array<i32>} : memref<128x2x128xf32, #tpu.memory_space<vmem>>, vector<16xf32>,
        %parallel_loop3A_156 = arith.constant 1 : i32
        %parallel_loop3A_157 = arith.index_cast %parallel_loop3A_112 : i32 to index
        %parallel_loop3A_158 = arith.index_cast %parallel_loop3A_156 : i32 to index
        %parallel_loop3A_159 = arith.constant 16 : index
        %parallel_loop3A_160 = tpu.vector_load %arg4[%parallel_loop3A_157, %parallel_loop3A_158, %parallel_loop3A_159] {strides = array<i32>} : memref<128x2x128xf32, #tpu.memory_space<vmem>>, vector<16xf32>,
        %parallel_loop3A_161 = arith.constant 0 : i32
        %parallel_loop3A_162 = arith.index_cast %parallel_loop3A_112 : i32 to index
        %parallel_loop3A_163 = arith.index_cast %parallel_loop3A_161 : i32 to index
        %parallel_loop3A_164 = arith.constant 16 : index
        %parallel_loop3A_165 = tpu.vector_load %arg6[%parallel_loop3A_162, %parallel_loop3A_163, %parallel_loop3A_164] {strides = array<i32>} : memref<128x1x128xf32, #tpu.memory_space<vmem>>, vector<16xf32>,
        %parallel_loop3A_166 = arith.constant 5.000000e-02 : f32
        %parallel_loop3A_167 = vector.broadcast %parallel_loop3A_166 : f32 to vector<16xf32>
        %parallel_loop3A_168 = arith.mulf %parallel_loop3A_155, %parallel_loop3A_167 : vector<16xf32>
        %parallel_loop3A_169 = arith.fptosi %parallel_loop3A_168 : vector<16xf32> to vector<16xi32>
        %parallel_loop3A_170 = arith.constant 31 : i32
        %parallel_loop3A_171 = vector.broadcast %parallel_loop3A_170 : i32 to vector<16xi32>
        %parallel_loop3A_172 = arith.minsi %parallel_loop3A_169, %parallel_loop3A_171 : vector<16xi32>
        %parallel_loop3A_173 = arith.constant 5.000000e-02 : f32
        %parallel_loop3A_174 = vector.broadcast %parallel_loop3A_173 : f32 to vector<16xf32>
        %parallel_loop3A_175 = arith.mulf %parallel_loop3A_160, %parallel_loop3A_174 : vector<16xf32>
        %parallel_loop3A_176 = arith.fptosi %parallel_loop3A_175 : vector<16xf32> to vector<16xi32>
        %parallel_loop3A_177 = arith.constant 23 : i32
        %parallel_loop3A_178 = vector.broadcast %parallel_loop3A_177 : i32 to vector<16xi32>
        %parallel_loop3A_179 = arith.minsi %parallel_loop3A_176, %parallel_loop3A_178 : vector<16xi32>
        %parallel_loop3A_180 = arith.constant 0.000000e+00 : f32
        %parallel_loop3A_181 = vector.broadcast %parallel_loop3A_180 : f32 to vector<16xf32>
        %parallel_loop3A_182 = arith.cmpf ogt, %parallel_loop3A_165, %parallel_loop3A_181 : vector<16xf32>
        %parallel_loop3A_183 = arith.select %parallel_loop3A_182, %mul3A_3, %add3A_6 : vector<16xi1>, vector<16xi32>
        %parallel_loop3A_184 = arith.constant 32 : i32
        %parallel_loop3A_185 = vector.broadcast %parallel_loop3A_184 : i32 to vector<16xi32>
        %parallel_loop3A_186 = arith.muli %parallel_loop3A_179, %parallel_loop3A_185 : vector<16xi32>
        %parallel_loop3A_187 = arith.addi %parallel_loop3A_186, %parallel_loop3A_172 : vector<16xi32>
        %parallel_loop3A_188 = arith.addi %parallel_loop3A_183, %parallel_loop3A_187 : vector<16xi32>
        tpu.vector_store_idx %arg8[%parallel_loop3A_188], %broadcast_in_dim3A_9 {add = true} : memref<24576xf32, #tpu.memory_space<vmem>>[vector<16xi32>], vector<16xf32>,
        %parallel_loop3A_189 = arith.constant 0 : i32
        %parallel_loop3A_190 = arith.index_cast %parallel_loop3A_112 : i32 to index
        %parallel_loop3A_191 = arith.index_cast %parallel_loop3A_189 : i32 to index
        %parallel_loop3A_192 = arith.constant 32 : index
        %parallel_loop3A_193 = tpu.vector_load %arg4[%parallel_loop3A_190, %parallel_loop3A_191, %parallel_loop3A_192] {strides = array<i32>} : memref<128x2x128xf32, #tpu.memory_space<vmem>>, vector<16xf32>,
        %parallel_loop3A_194 = arith.constant 1 : i32
        %parallel_loop3A_195 = arith.index_cast %parallel_loop3A_112 : i32 to index
        %parallel_loop3A_196 = arith.index_cast %parallel_loop3A_194 : i32 to index
        %parallel_loop3A_197 = arith.constant 32 : index
        %parallel_loop3A_198 = tpu.vector_load %arg4[%parallel_loop3A_195, %parallel_loop3A_196, %parallel_loop3A_197] {strides = array<i32>} : memref<128x2x128xf32, #tpu.memory_space<vmem>>, vector<16xf32>,
        %parallel_loop3A_199 = arith.constant 0 : i32
        %parallel_loop3A_200 = arith.index_cast %parallel_loop3A_112 : i32 to index
        %parallel_loop3A_201 = arith.index_cast %parallel_loop3A_199 : i32 to index
        %parallel_loop3A_202 = arith.constant 32 : index
        %parallel_loop3A_203 = tpu.vector_load %arg6[%parallel_loop3A_200, %parallel_loop3A_201, %parallel_loop3A_202] {strides = array<i32>} : memref<128x1x128xf32, #tpu.memory_space<vmem>>, vector<16xf32>,
        %parallel_loop3A_204 = arith.constant 5.000000e-02 : f32
        %parallel_loop3A_205 = vector.broadcast %parallel_loop3A_204 : f32 to vector<16xf32>
        %parallel_loop3A_206 = arith.mulf %parallel_loop3A_193, %parallel_loop3A_205 : vector<16xf32>
        %parallel_loop3A_207 = arith.fptosi %parallel_loop3A_206 : vector<16xf32> to vector<16xi32>
        %parallel_loop3A_208 = arith.constant 31 : i32
        %parallel_loop3A_209 = vector.broadcast %parallel_loop3A_208 : i32 to vector<16xi32>
        %parallel_loop3A_210 = arith.minsi %parallel_loop3A_207, %parallel_loop3A_209 : vector<16xi32>
        %parallel_loop3A_211 = arith.constant 5.000000e-02 : f32
        %parallel_loop3A_212 = vector.broadcast %parallel_loop3A_211 : f32 to vector<16xf32>
        %parallel_loop3A_213 = arith.mulf %parallel_loop3A_198, %parallel_loop3A_212 : vector<16xf32>
        %parallel_loop3A_214 = arith.fptosi %parallel_loop3A_213 : vector<16xf32> to vector<16xi32>
        %parallel_loop3A_215 = arith.constant 23 : i32
        %parallel_loop3A_216 = vector.broadcast %parallel_loop3A_215 : i32 to vector<16xi32>
        %parallel_loop3A_217 = arith.minsi %parallel_loop3A_214, %parallel_loop3A_216 : vector<16xi32>
        %parallel_loop3A_218 = arith.constant 0.000000e+00 : f32
        %parallel_loop3A_219 = vector.broadcast %parallel_loop3A_218 : f32 to vector<16xf32>
        %parallel_loop3A_220 = arith.cmpf ogt, %parallel_loop3A_203, %parallel_loop3A_219 : vector<16xf32>
        %parallel_loop3A_221 = arith.select %parallel_loop3A_220, %mul3A_3, %add3A_6 : vector<16xi1>, vector<16xi32>
        %parallel_loop3A_222 = arith.constant 32 : i32
        %parallel_loop3A_223 = vector.broadcast %parallel_loop3A_222 : i32 to vector<16xi32>
        %parallel_loop3A_224 = arith.muli %parallel_loop3A_217, %parallel_loop3A_223 : vector<16xi32>
        %parallel_loop3A_225 = arith.addi %parallel_loop3A_224, %parallel_loop3A_210 : vector<16xi32>
        %parallel_loop3A_226 = arith.addi %parallel_loop3A_221, %parallel_loop3A_225 : vector<16xi32>
        tpu.vector_store_idx %arg8[%parallel_loop3A_226], %broadcast_in_dim3A_9 {add = true} : memref<24576xf32, #tpu.memory_space<vmem>>[vector<16xi32>], vector<16xf32>,
        %parallel_loop3A_227 = arith.constant 0 : i32
        %parallel_loop3A_228 = arith.index_cast %parallel_loop3A_112 : i32 to index
        %parallel_loop3A_229 = arith.index_cast %parallel_loop3A_227 : i32 to index
        %parallel_loop3A_230 = arith.constant 48 : index
        %parallel_loop3A_231 = tpu.vector_load %arg4[%parallel_loop3A_228, %parallel_loop3A_229, %parallel_loop3A_230] {strides = array<i32>} : memref<128x2x128xf32, #tpu.memory_space<vmem>>, vector<16xf32>,
        %parallel_loop3A_232 = arith.constant 1 : i32
        %parallel_loop3A_233 = arith.index_cast %parallel_loop3A_112 : i32 to index
        %parallel_loop3A_234 = arith.index_cast %parallel_loop3A_232 : i32 to index
        %parallel_loop3A_235 = arith.constant 48 : index
        %parallel_loop3A_236 = tpu.vector_load %arg4[%parallel_loop3A_233, %parallel_loop3A_234, %parallel_loop3A_235] {strides = array<i32>} : memref<128x2x128xf32, #tpu.memory_space<vmem>>, vector<16xf32>,
        %parallel_loop3A_237 = arith.constant 0 : i32
        %parallel_loop3A_238 = arith.index_cast %parallel_loop3A_112 : i32 to index
        %parallel_loop3A_239 = arith.index_cast %parallel_loop3A_237 : i32 to index
        %parallel_loop3A_240 = arith.constant 48 : index
        %parallel_loop3A_241 = tpu.vector_load %arg6[%parallel_loop3A_238, %parallel_loop3A_239, %parallel_loop3A_240] {strides = array<i32>} : memref<128x1x128xf32, #tpu.memory_space<vmem>>, vector<16xf32>,
        %parallel_loop3A_242 = arith.constant 5.000000e-02 : f32
        %parallel_loop3A_243 = vector.broadcast %parallel_loop3A_242 : f32 to vector<16xf32>
        %parallel_loop3A_244 = arith.mulf %parallel_loop3A_231, %parallel_loop3A_243 : vector<16xf32>
        %parallel_loop3A_245 = arith.fptosi %parallel_loop3A_244 : vector<16xf32> to vector<16xi32>
        %parallel_loop3A_246 = arith.constant 31 : i32
        %parallel_loop3A_247 = vector.broadcast %parallel_loop3A_246 : i32 to vector<16xi32>
        %parallel_loop3A_248 = arith.minsi %parallel_loop3A_245, %parallel_loop3A_247 : vector<16xi32>
        %parallel_loop3A_249 = arith.constant 5.000000e-02 : f32
        %parallel_loop3A_250 = vector.broadcast %parallel_loop3A_249 : f32 to vector<16xf32>
        %parallel_loop3A_251 = arith.mulf %parallel_loop3A_236, %parallel_loop3A_250 : vector<16xf32>
        %parallel_loop3A_252 = arith.fptosi %parallel_loop3A_251 : vector<16xf32> to vector<16xi32>
        %parallel_loop3A_253 = arith.constant 23 : i32
        %parallel_loop3A_254 = vector.broadcast %parallel_loop3A_253 : i32 to vector<16xi32>
        %parallel_loop3A_255 = arith.minsi %parallel_loop3A_252, %parallel_loop3A_254 : vector<16xi32>
        %parallel_loop3A_256 = arith.constant 0.000000e+00 : f32
        %parallel_loop3A_257 = vector.broadcast %parallel_loop3A_256 : f32 to vector<16xf32>
        %parallel_loop3A_258 = arith.cmpf ogt, %parallel_loop3A_241, %parallel_loop3A_257 : vector<16xf32>
        %parallel_loop3A_259 = arith.select %parallel_loop3A_258, %mul3A_3, %add3A_6 : vector<16xi1>, vector<16xi32>
        %parallel_loop3A_260 = arith.constant 32 : i32
        %parallel_loop3A_261 = vector.broadcast %parallel_loop3A_260 : i32 to vector<16xi32>
        %parallel_loop3A_262 = arith.muli %parallel_loop3A_255, %parallel_loop3A_261 : vector<16xi32>
        %parallel_loop3A_263 = arith.addi %parallel_loop3A_262, %parallel_loop3A_248 : vector<16xi32>
        %parallel_loop3A_264 = arith.addi %parallel_loop3A_259, %parallel_loop3A_263 : vector<16xi32>
        tpu.vector_store_idx %arg8[%parallel_loop3A_264], %broadcast_in_dim3A_9 {add = true} : memref<24576xf32, #tpu.memory_space<vmem>>[vector<16xi32>], vector<16xf32>,
        %parallel_loop3A_265 = arith.constant 0 : i32
        %parallel_loop3A_266 = arith.index_cast %parallel_loop3A_112 : i32 to index
        %parallel_loop3A_267 = arith.index_cast %parallel_loop3A_265 : i32 to index
        %parallel_loop3A_268 = arith.constant 64 : index
        %parallel_loop3A_269 = tpu.vector_load %arg4[%parallel_loop3A_266, %parallel_loop3A_267, %parallel_loop3A_268] {strides = array<i32>} : memref<128x2x128xf32, #tpu.memory_space<vmem>>, vector<16xf32>,
        %parallel_loop3A_270 = arith.constant 1 : i32
        %parallel_loop3A_271 = arith.index_cast %parallel_loop3A_112 : i32 to index
        %parallel_loop3A_272 = arith.index_cast %parallel_loop3A_270 : i32 to index
        %parallel_loop3A_273 = arith.constant 64 : index
        %parallel_loop3A_274 = tpu.vector_load %arg4[%parallel_loop3A_271, %parallel_loop3A_272, %parallel_loop3A_273] {strides = array<i32>} : memref<128x2x128xf32, #tpu.memory_space<vmem>>, vector<16xf32>,
        %parallel_loop3A_275 = arith.constant 0 : i32
        %parallel_loop3A_276 = arith.index_cast %parallel_loop3A_112 : i32 to index
        %parallel_loop3A_277 = arith.index_cast %parallel_loop3A_275 : i32 to index
        %parallel_loop3A_278 = arith.constant 64 : index
        %parallel_loop3A_279 = tpu.vector_load %arg6[%parallel_loop3A_276, %parallel_loop3A_277, %parallel_loop3A_278] {strides = array<i32>} : memref<128x1x128xf32, #tpu.memory_space<vmem>>, vector<16xf32>,
        %parallel_loop3A_280 = arith.constant 5.000000e-02 : f32
        %parallel_loop3A_281 = vector.broadcast %parallel_loop3A_280 : f32 to vector<16xf32>
        %parallel_loop3A_282 = arith.mulf %parallel_loop3A_269, %parallel_loop3A_281 : vector<16xf32>
        %parallel_loop3A_283 = arith.fptosi %parallel_loop3A_282 : vector<16xf32> to vector<16xi32>
        %parallel_loop3A_284 = arith.constant 31 : i32
        %parallel_loop3A_285 = vector.broadcast %parallel_loop3A_284 : i32 to vector<16xi32>
        %parallel_loop3A_286 = arith.minsi %parallel_loop3A_283, %parallel_loop3A_285 : vector<16xi32>
        %parallel_loop3A_287 = arith.constant 5.000000e-02 : f32
        %parallel_loop3A_288 = vector.broadcast %parallel_loop3A_287 : f32 to vector<16xf32>
        %parallel_loop3A_289 = arith.mulf %parallel_loop3A_274, %parallel_loop3A_288 : vector<16xf32>
        %parallel_loop3A_290 = arith.fptosi %parallel_loop3A_289 : vector<16xf32> to vector<16xi32>
        %parallel_loop3A_291 = arith.constant 23 : i32
        %parallel_loop3A_292 = vector.broadcast %parallel_loop3A_291 : i32 to vector<16xi32>
        %parallel_loop3A_293 = arith.minsi %parallel_loop3A_290, %parallel_loop3A_292 : vector<16xi32>
        %parallel_loop3A_294 = arith.constant 0.000000e+00 : f32
        %parallel_loop3A_295 = vector.broadcast %parallel_loop3A_294 : f32 to vector<16xf32>
        %parallel_loop3A_296 = arith.cmpf ogt, %parallel_loop3A_279, %parallel_loop3A_295 : vector<16xf32>
        %parallel_loop3A_297 = arith.select %parallel_loop3A_296, %mul3A_3, %add3A_6 : vector<16xi1>, vector<16xi32>
        %parallel_loop3A_298 = arith.constant 32 : i32
        %parallel_loop3A_299 = vector.broadcast %parallel_loop3A_298 : i32 to vector<16xi32>
        %parallel_loop3A_300 = arith.muli %parallel_loop3A_293, %parallel_loop3A_299 : vector<16xi32>
        %parallel_loop3A_301 = arith.addi %parallel_loop3A_300, %parallel_loop3A_286 : vector<16xi32>
        %parallel_loop3A_302 = arith.addi %parallel_loop3A_297, %parallel_loop3A_301 : vector<16xi32>
        tpu.vector_store_idx %arg8[%parallel_loop3A_302], %broadcast_in_dim3A_9 {add = true} : memref<24576xf32, #tpu.memory_space<vmem>>[vector<16xi32>], vector<16xf32>,
        %parallel_loop3A_303 = arith.constant 0 : i32
        %parallel_loop3A_304 = arith.index_cast %parallel_loop3A_112 : i32 to index
        %parallel_loop3A_305 = arith.index_cast %parallel_loop3A_303 : i32 to index
        %parallel_loop3A_306 = arith.constant 80 : index
        %parallel_loop3A_307 = tpu.vector_load %arg4[%parallel_loop3A_304, %parallel_loop3A_305, %parallel_loop3A_306] {strides = array<i32>} : memref<128x2x128xf32, #tpu.memory_space<vmem>>, vector<16xf32>,
        %parallel_loop3A_308 = arith.constant 1 : i32
        %parallel_loop3A_309 = arith.index_cast %parallel_loop3A_112 : i32 to index
        %parallel_loop3A_310 = arith.index_cast %parallel_loop3A_308 : i32 to index
        %parallel_loop3A_311 = arith.constant 80 : index
        %parallel_loop3A_312 = tpu.vector_load %arg4[%parallel_loop3A_309, %parallel_loop3A_310, %parallel_loop3A_311] {strides = array<i32>} : memref<128x2x128xf32, #tpu.memory_space<vmem>>, vector<16xf32>,
        %parallel_loop3A_313 = arith.constant 0 : i32
        %parallel_loop3A_314 = arith.index_cast %parallel_loop3A_112 : i32 to index
        %parallel_loop3A_315 = arith.index_cast %parallel_loop3A_313 : i32 to index
        %parallel_loop3A_316 = arith.constant 80 : index
        %parallel_loop3A_317 = tpu.vector_load %arg6[%parallel_loop3A_314, %parallel_loop3A_315, %parallel_loop3A_316] {strides = array<i32>} : memref<128x1x128xf32, #tpu.memory_space<vmem>>, vector<16xf32>,
        %parallel_loop3A_318 = arith.constant 5.000000e-02 : f32
        %parallel_loop3A_319 = vector.broadcast %parallel_loop3A_318 : f32 to vector<16xf32>
        %parallel_loop3A_320 = arith.mulf %parallel_loop3A_307, %parallel_loop3A_319 : vector<16xf32>
        %parallel_loop3A_321 = arith.fptosi %parallel_loop3A_320 : vector<16xf32> to vector<16xi32>
        %parallel_loop3A_322 = arith.constant 31 : i32
        %parallel_loop3A_323 = vector.broadcast %parallel_loop3A_322 : i32 to vector<16xi32>
        %parallel_loop3A_324 = arith.minsi %parallel_loop3A_321, %parallel_loop3A_323 : vector<16xi32>
        %parallel_loop3A_325 = arith.constant 5.000000e-02 : f32
        %parallel_loop3A_326 = vector.broadcast %parallel_loop3A_325 : f32 to vector<16xf32>
        %parallel_loop3A_327 = arith.mulf %parallel_loop3A_312, %parallel_loop3A_326 : vector<16xf32>
        %parallel_loop3A_328 = arith.fptosi %parallel_loop3A_327 : vector<16xf32> to vector<16xi32>
        %parallel_loop3A_329 = arith.constant 23 : i32
        %parallel_loop3A_330 = vector.broadcast %parallel_loop3A_329 : i32 to vector<16xi32>
        %parallel_loop3A_331 = arith.minsi %parallel_loop3A_328, %parallel_loop3A_330 : vector<16xi32>
        %parallel_loop3A_332 = arith.constant 0.000000e+00 : f32
        %parallel_loop3A_333 = vector.broadcast %parallel_loop3A_332 : f32 to vector<16xf32>
        %parallel_loop3A_334 = arith.cmpf ogt, %parallel_loop3A_317, %parallel_loop3A_333 : vector<16xf32>
        %parallel_loop3A_335 = arith.select %parallel_loop3A_334, %mul3A_3, %add3A_6 : vector<16xi1>, vector<16xi32>
        %parallel_loop3A_336 = arith.constant 32 : i32
        %parallel_loop3A_337 = vector.broadcast %parallel_loop3A_336 : i32 to vector<16xi32>
        %parallel_loop3A_338 = arith.muli %parallel_loop3A_331, %parallel_loop3A_337 : vector<16xi32>
        %parallel_loop3A_339 = arith.addi %parallel_loop3A_338, %parallel_loop3A_324 : vector<16xi32>
        %parallel_loop3A_340 = arith.addi %parallel_loop3A_335, %parallel_loop3A_339 : vector<16xi32>
        tpu.vector_store_idx %arg8[%parallel_loop3A_340], %broadcast_in_dim3A_9 {add = true} : memref<24576xf32, #tpu.memory_space<vmem>>[vector<16xi32>], vector<16xf32>,
        %parallel_loop3A_341 = arith.constant 0 : i32
        %parallel_loop3A_342 = arith.index_cast %parallel_loop3A_112 : i32 to index
        %parallel_loop3A_343 = arith.index_cast %parallel_loop3A_341 : i32 to index
        %parallel_loop3A_344 = arith.constant 96 : index
        %parallel_loop3A_345 = tpu.vector_load %arg4[%parallel_loop3A_342, %parallel_loop3A_343, %parallel_loop3A_344] {strides = array<i32>} : memref<128x2x128xf32, #tpu.memory_space<vmem>>, vector<16xf32>,
        %parallel_loop3A_346 = arith.constant 1 : i32
        %parallel_loop3A_347 = arith.index_cast %parallel_loop3A_112 : i32 to index
        %parallel_loop3A_348 = arith.index_cast %parallel_loop3A_346 : i32 to index
        %parallel_loop3A_349 = arith.constant 96 : index
        %parallel_loop3A_350 = tpu.vector_load %arg4[%parallel_loop3A_347, %parallel_loop3A_348, %parallel_loop3A_349] {strides = array<i32>} : memref<128x2x128xf32, #tpu.memory_space<vmem>>, vector<16xf32>,
        %parallel_loop3A_351 = arith.constant 0 : i32
        %parallel_loop3A_352 = arith.index_cast %parallel_loop3A_112 : i32 to index
        %parallel_loop3A_353 = arith.index_cast %parallel_loop3A_351 : i32 to index
        %parallel_loop3A_354 = arith.constant 96 : index
        %parallel_loop3A_355 = tpu.vector_load %arg6[%parallel_loop3A_352, %parallel_loop3A_353, %parallel_loop3A_354] {strides = array<i32>} : memref<128x1x128xf32, #tpu.memory_space<vmem>>, vector<16xf32>,
        %parallel_loop3A_356 = arith.constant 5.000000e-02 : f32
        %parallel_loop3A_357 = vector.broadcast %parallel_loop3A_356 : f32 to vector<16xf32>
        %parallel_loop3A_358 = arith.mulf %parallel_loop3A_345, %parallel_loop3A_357 : vector<16xf32>
        %parallel_loop3A_359 = arith.fptosi %parallel_loop3A_358 : vector<16xf32> to vector<16xi32>
        %parallel_loop3A_360 = arith.constant 31 : i32
        %parallel_loop3A_361 = vector.broadcast %parallel_loop3A_360 : i32 to vector<16xi32>
        %parallel_loop3A_362 = arith.minsi %parallel_loop3A_359, %parallel_loop3A_361 : vector<16xi32>
        %parallel_loop3A_363 = arith.constant 5.000000e-02 : f32
        %parallel_loop3A_364 = vector.broadcast %parallel_loop3A_363 : f32 to vector<16xf32>
        %parallel_loop3A_365 = arith.mulf %parallel_loop3A_350, %parallel_loop3A_364 : vector<16xf32>
        %parallel_loop3A_366 = arith.fptosi %parallel_loop3A_365 : vector<16xf32> to vector<16xi32>
        %parallel_loop3A_367 = arith.constant 23 : i32
        %parallel_loop3A_368 = vector.broadcast %parallel_loop3A_367 : i32 to vector<16xi32>
        %parallel_loop3A_369 = arith.minsi %parallel_loop3A_366, %parallel_loop3A_368 : vector<16xi32>
        %parallel_loop3A_370 = arith.constant 0.000000e+00 : f32
        %parallel_loop3A_371 = vector.broadcast %parallel_loop3A_370 : f32 to vector<16xf32>
        %parallel_loop3A_372 = arith.cmpf ogt, %parallel_loop3A_355, %parallel_loop3A_371 : vector<16xf32>
        %parallel_loop3A_373 = arith.select %parallel_loop3A_372, %mul3A_3, %add3A_6 : vector<16xi1>, vector<16xi32>
        %parallel_loop3A_374 = arith.constant 32 : i32
        %parallel_loop3A_375 = vector.broadcast %parallel_loop3A_374 : i32 to vector<16xi32>
        %parallel_loop3A_376 = arith.muli %parallel_loop3A_369, %parallel_loop3A_375 : vector<16xi32>
        %parallel_loop3A_377 = arith.addi %parallel_loop3A_376, %parallel_loop3A_362 : vector<16xi32>
        %parallel_loop3A_378 = arith.addi %parallel_loop3A_373, %parallel_loop3A_377 : vector<16xi32>
        tpu.vector_store_idx %arg8[%parallel_loop3A_378], %broadcast_in_dim3A_9 {add = true} : memref<24576xf32, #tpu.memory_space<vmem>>[vector<16xi32>], vector<16xf32>,
        %parallel_loop3A_379 = arith.constant 0 : i32
        %parallel_loop3A_380 = arith.index_cast %parallel_loop3A_112 : i32 to index
        %parallel_loop3A_381 = arith.index_cast %parallel_loop3A_379 : i32 to index
        %parallel_loop3A_382 = arith.constant 112 : index
        %parallel_loop3A_383 = tpu.vector_load %arg4[%parallel_loop3A_380, %parallel_loop3A_381, %parallel_loop3A_382] {strides = array<i32>} : memref<128x2x128xf32, #tpu.memory_space<vmem>>, vector<16xf32>,
        %parallel_loop3A_384 = arith.constant 1 : i32
        %parallel_loop3A_385 = arith.index_cast %parallel_loop3A_112 : i32 to index
        %parallel_loop3A_386 = arith.index_cast %parallel_loop3A_384 : i32 to index
        %parallel_loop3A_387 = arith.constant 112 : index
        %parallel_loop3A_388 = tpu.vector_load %arg4[%parallel_loop3A_385, %parallel_loop3A_386, %parallel_loop3A_387] {strides = array<i32>} : memref<128x2x128xf32, #tpu.memory_space<vmem>>, vector<16xf32>,
        %parallel_loop3A_389 = arith.constant 0 : i32
        %parallel_loop3A_390 = arith.index_cast %parallel_loop3A_112 : i32 to index
        %parallel_loop3A_391 = arith.index_cast %parallel_loop3A_389 : i32 to index
        %parallel_loop3A_392 = arith.constant 112 : index
        %parallel_loop3A_393 = tpu.vector_load %arg6[%parallel_loop3A_390, %parallel_loop3A_391, %parallel_loop3A_392] {strides = array<i32>} : memref<128x1x128xf32, #tpu.memory_space<vmem>>, vector<16xf32>,
        %parallel_loop3A_394 = arith.constant 5.000000e-02 : f32
        %parallel_loop3A_395 = vector.broadcast %parallel_loop3A_394 : f32 to vector<16xf32>
        %parallel_loop3A_396 = arith.mulf %parallel_loop3A_383, %parallel_loop3A_395 : vector<16xf32>
        %parallel_loop3A_397 = arith.fptosi %parallel_loop3A_396 : vector<16xf32> to vector<16xi32>
        %parallel_loop3A_398 = arith.constant 31 : i32
        %parallel_loop3A_399 = vector.broadcast %parallel_loop3A_398 : i32 to vector<16xi32>
        %parallel_loop3A_400 = arith.minsi %parallel_loop3A_397, %parallel_loop3A_399 : vector<16xi32>
        %parallel_loop3A_401 = arith.constant 5.000000e-02 : f32
        %parallel_loop3A_402 = vector.broadcast %parallel_loop3A_401 : f32 to vector<16xf32>
        %parallel_loop3A_403 = arith.mulf %parallel_loop3A_388, %parallel_loop3A_402 : vector<16xf32>
        %parallel_loop3A_404 = arith.fptosi %parallel_loop3A_403 : vector<16xf32> to vector<16xi32>
        %parallel_loop3A_405 = arith.constant 23 : i32
        %parallel_loop3A_406 = vector.broadcast %parallel_loop3A_405 : i32 to vector<16xi32>
        %parallel_loop3A_407 = arith.minsi %parallel_loop3A_404, %parallel_loop3A_406 : vector<16xi32>
        %parallel_loop3A_408 = arith.constant 0.000000e+00 : f32
        %parallel_loop3A_409 = vector.broadcast %parallel_loop3A_408 : f32 to vector<16xf32>
        %parallel_loop3A_410 = arith.cmpf ogt, %parallel_loop3A_393, %parallel_loop3A_409 : vector<16xf32>
        %parallel_loop3A_411 = arith.select %parallel_loop3A_410, %mul3A_3, %add3A_6 : vector<16xi1>, vector<16xi32>
        %parallel_loop3A_412 = arith.constant 32 : i32
        %parallel_loop3A_413 = vector.broadcast %parallel_loop3A_412 : i32 to vector<16xi32>
        %parallel_loop3A_414 = arith.muli %parallel_loop3A_407, %parallel_loop3A_413 : vector<16xi32>
        %parallel_loop3A_415 = arith.addi %parallel_loop3A_414, %parallel_loop3A_400 : vector<16xi32>
        %parallel_loop3A_416 = arith.addi %parallel_loop3A_411, %parallel_loop3A_415 : vector<16xi32>
        tpu.vector_store_idx %arg8[%parallel_loop3A_416], %broadcast_in_dim3A_9 {add = true} : memref<24576xf32, #tpu.memory_space<vmem>>[vector<16xi32>], vector<16xf32>,
      } {sc.loop_unroll_factor = 2 : i64, sc.parallel_access}
      %add3A_77 = arith.constant 0 : i32
      %add3A_78 = arith.addi %mul3A_58, %add3A_77 : i32
      %add3A_79 = arith.constant 2 : i32
      %add3A_80 = arith.addi %add3A_78, %add3A_79 : i32
      %lt3A = arith.constant 16 : i32
      %lt3A_81 = arith.cmpi slt, %add3A_80, %lt3A : i32
      %convert_element_type3A = arith.extui %lt3A_81 : i1 to i32
      %cond3A = arith.constant 0 : i32
      %cond3A_82 = arith.cmpi ne, %convert_element_type3A, %cond3A : i32
      scf.if %cond3A_82 {
        %add3A_112 = arith.constant 0 : i32
        %add3A_113 = arith.addi %mul3A_58, %add3A_112 : i32
        %add3A_114 = arith.constant 2 : i32
        %add3A_115 = arith.addi %add3A_113, %add3A_114 : i32
        %mul3A_116 = arith.constant 128 : i32
        %mul3A_117 = arith.muli %add3A_115, %mul3A_116 : i32
        %add3A_118 = arith.addi %mul3A_16, %mul3A_117 : i32
        %dma_start3A_119 = arith.constant 0 : i32
        %dma_start3A_120 = arith.constant 0 : i32
        %dma_start3A_121 = tpu.memref_slice %arg2[%add3A_118, %dma_start3A_119, %dma_start3A_120] : memref<65536x4x128xf32, #tpu.memory_space<hbm>> -> memref<128x2x128xf32, #tpu.memory_space<hbm>>
        %dma_start3A_122 = arith.constant 0 : i32
        %dma_start3A_123 = arith.constant 0 : i32
        %dma_start3A_124 = tpu.memref_slice %arg2[%add3A_118, %dma_start3A_122, %dma_start3A_123] : memref<65536x4x128xf32, #tpu.memory_space<hbm>> -> memref<128x2x128xf32, #tpu.memory_space<hbm>>
        tpu.enqueue_dma source(%dma_start3A_124 : memref<128x2x128xf32, #tpu.memory_space<hbm>>) target(%arg4 : memref<128x2x128xf32, #tpu.memory_space<vmem>>) target_semaphore(%arg10 : memref<!tpu.dma_semaphore, #tpu.memory_space<semaphore_mem>>)
        %dma_start3A_125 = arith.constant 3 : i32
        %dma_start3A_126 = arith.constant 0 : i32
        %dma_start3A_127 = tpu.memref_slice %arg2[%add3A_118, %dma_start3A_125, %dma_start3A_126] : memref<65536x4x128xf32, #tpu.memory_space<hbm>> -> memref<128x1x128xf32, #tpu.memory_space<hbm>>
        %dma_start3A_128 = arith.constant 3 : i32
        %dma_start3A_129 = arith.constant 0 : i32
        %dma_start3A_130 = tpu.memref_slice %arg2[%add3A_118, %dma_start3A_128, %dma_start3A_129] : memref<65536x4x128xf32, #tpu.memory_space<hbm>> -> memref<128x1x128xf32, #tpu.memory_space<hbm>>
        tpu.enqueue_dma source(%dma_start3A_130 : memref<128x1x128xf32, #tpu.memory_space<hbm>>) target(%arg6 : memref<128x1x128xf32, #tpu.memory_space<vmem>>) target_semaphore(%arg12 : memref<!tpu.dma_semaphore, #tpu.memory_space<semaphore_mem>>)
      } else {
      }
      %add3A_83 = arith.constant 1 : i32
      %add3A_84 = arith.addi %mul3A_58, %add3A_83 : i32
      %mul3A_85 = arith.constant 128 : i32
      %mul3A_86 = arith.muli %add3A_84, %mul3A_85 : i32
      %add3A_87 = arith.addi %mul3A_16, %mul3A_86 : i32
      %dma_wait3A_88 = arith.constant 0 : i32
      %dma_wait3A_89 = arith.constant 0 : i32
      %dma_wait3A_90 = tpu.memref_slice %arg2[%add3A_87, %dma_wait3A_88, %dma_wait3A_89] : memref<65536x4x128xf32, #tpu.memory_space<hbm>> -> memref<128x2x128xf32, #tpu.memory_space<hbm>>
      %dma_wait3A_91 = arith.constant 0 : i32
      %dma_wait3A_92 = arith.constant 0 : i32
      %dma_wait3A_93 = tpu.memref_slice %arg2[%add3A_87, %dma_wait3A_91, %dma_wait3A_92] : memref<65536x4x128xf32, #tpu.memory_space<hbm>> -> memref<128x2x128xf32, #tpu.memory_space<hbm>>
      tpu.wait_dma2 semaphore(%arg11 : memref<!tpu.dma_semaphore, #tpu.memory_space<semaphore_mem>>) src(%dma_wait3A_93 : memref<128x2x128xf32, #tpu.memory_space<hbm>>) dst(%arg5 : memref<128x2x128xf32, #tpu.memory_space<vmem>>)
      %dma_wait3A_94 = arith.constant 3 : i32
      %dma_wait3A_95 = arith.constant 0 : i32
      %dma_wait3A_96 = tpu.memref_slice %arg2[%add3A_87, %dma_wait3A_94, %dma_wait3A_95] : memref<65536x4x128xf32, #tpu.memory_space<hbm>> -> memref<128x1x128xf32, #tpu.memory_space<hbm>>
      %dma_wait3A_97 = arith.constant 3 : i32
      %dma_wait3A_98 = arith.constant 0 : i32
      %dma_wait3A_99 = tpu.memref_slice %arg2[%add3A_87, %dma_wait3A_97, %dma_wait3A_98] : memref<65536x4x128xf32, #tpu.memory_space<hbm>> -> memref<128x1x128xf32, #tpu.memory_space<hbm>>
      tpu.wait_dma2 semaphore(%arg13 : memref<!tpu.dma_semaphore, #tpu.memory_space<semaphore_mem>>) src(%dma_wait3A_99 : memref<128x1x128xf32, #tpu.memory_space<hbm>>) dst(%arg7 : memref<128x1x128xf32, #tpu.memory_space<vmem>>)
      %parallel_loop3A_100 = arith.constant 0 : i32
      %parallel_loop3A_101 = arith.constant 128 : i32
      %parallel_loop3A_102 = arith.constant 1 : i32
      scf.for %parallel_loop3A_112 = %parallel_loop3A_100 to %parallel_loop3A_101 step %parallel_loop3A_102  : i32 {
        %parallel_loop3A_113 = arith.constant 0 : i32
        %parallel_loop3A_114 = arith.index_cast %parallel_loop3A_112 : i32 to index
        %parallel_loop3A_115 = arith.index_cast %parallel_loop3A_113 : i32 to index
        %parallel_loop3A_116 = arith.constant 0 : index
        %parallel_loop3A_117 = tpu.vector_load %arg5[%parallel_loop3A_114, %parallel_loop3A_115, %parallel_loop3A_116] {strides = array<i32>} : memref<128x2x128xf32, #tpu.memory_space<vmem>>, vector<16xf32>,
        %parallel_loop3A_118 = arith.constant 1 : i32
        %parallel_loop3A_119 = arith.index_cast %parallel_loop3A_112 : i32 to index
        %parallel_loop3A_120 = arith.index_cast %parallel_loop3A_118 : i32 to index
        %parallel_loop3A_121 = arith.constant 0 : index
        %parallel_loop3A_122 = tpu.vector_load %arg5[%parallel_loop3A_119, %parallel_loop3A_120, %parallel_loop3A_121] {strides = array<i32>} : memref<128x2x128xf32, #tpu.memory_space<vmem>>, vector<16xf32>,
        %parallel_loop3A_123 = arith.constant 0 : i32
        %parallel_loop3A_124 = arith.index_cast %parallel_loop3A_112 : i32 to index
        %parallel_loop3A_125 = arith.index_cast %parallel_loop3A_123 : i32 to index
        %parallel_loop3A_126 = arith.constant 0 : index
        %parallel_loop3A_127 = tpu.vector_load %arg7[%parallel_loop3A_124, %parallel_loop3A_125, %parallel_loop3A_126] {strides = array<i32>} : memref<128x1x128xf32, #tpu.memory_space<vmem>>, vector<16xf32>,
        %parallel_loop3A_128 = arith.constant 5.000000e-02 : f32
        %parallel_loop3A_129 = vector.broadcast %parallel_loop3A_128 : f32 to vector<16xf32>
        %parallel_loop3A_130 = arith.mulf %parallel_loop3A_117, %parallel_loop3A_129 : vector<16xf32>
        %parallel_loop3A_131 = arith.fptosi %parallel_loop3A_130 : vector<16xf32> to vector<16xi32>
        %parallel_loop3A_132 = arith.constant 31 : i32
        %parallel_loop3A_133 = vector.broadcast %parallel_loop3A_132 : i32 to vector<16xi32>
        %parallel_loop3A_134 = arith.minsi %parallel_loop3A_131, %parallel_loop3A_133 : vector<16xi32>
        %parallel_loop3A_135 = arith.constant 5.000000e-02 : f32
        %parallel_loop3A_136 = vector.broadcast %parallel_loop3A_135 : f32 to vector<16xf32>
        %parallel_loop3A_137 = arith.mulf %parallel_loop3A_122, %parallel_loop3A_136 : vector<16xf32>
        %parallel_loop3A_138 = arith.fptosi %parallel_loop3A_137 : vector<16xf32> to vector<16xi32>
        %parallel_loop3A_139 = arith.constant 23 : i32
        %parallel_loop3A_140 = vector.broadcast %parallel_loop3A_139 : i32 to vector<16xi32>
        %parallel_loop3A_141 = arith.minsi %parallel_loop3A_138, %parallel_loop3A_140 : vector<16xi32>
        %parallel_loop3A_142 = arith.constant 0.000000e+00 : f32
        %parallel_loop3A_143 = vector.broadcast %parallel_loop3A_142 : f32 to vector<16xf32>
        %parallel_loop3A_144 = arith.cmpf ogt, %parallel_loop3A_127, %parallel_loop3A_143 : vector<16xf32>
        %parallel_loop3A_145 = arith.select %parallel_loop3A_144, %mul3A_3, %add3A_6 : vector<16xi1>, vector<16xi32>
        %parallel_loop3A_146 = arith.constant 32 : i32
        %parallel_loop3A_147 = vector.broadcast %parallel_loop3A_146 : i32 to vector<16xi32>
        %parallel_loop3A_148 = arith.muli %parallel_loop3A_141, %parallel_loop3A_147 : vector<16xi32>
        %parallel_loop3A_149 = arith.addi %parallel_loop3A_148, %parallel_loop3A_134 : vector<16xi32>
        %parallel_loop3A_150 = arith.addi %parallel_loop3A_145, %parallel_loop3A_149 : vector<16xi32>
        tpu.vector_store_idx %arg8[%parallel_loop3A_150], %broadcast_in_dim3A_9 {add = true} : memref<24576xf32, #tpu.memory_space<vmem>>[vector<16xi32>], vector<16xf32>,
        %parallel_loop3A_151 = arith.constant 0 : i32
        %parallel_loop3A_152 = arith.index_cast %parallel_loop3A_112 : i32 to index
        %parallel_loop3A_153 = arith.index_cast %parallel_loop3A_151 : i32 to index
        %parallel_loop3A_154 = arith.constant 16 : index
        %parallel_loop3A_155 = tpu.vector_load %arg5[%parallel_loop3A_152, %parallel_loop3A_153, %parallel_loop3A_154] {strides = array<i32>} : memref<128x2x128xf32, #tpu.memory_space<vmem>>, vector<16xf32>,
        %parallel_loop3A_156 = arith.constant 1 : i32
        %parallel_loop3A_157 = arith.index_cast %parallel_loop3A_112 : i32 to index
        %parallel_loop3A_158 = arith.index_cast %parallel_loop3A_156 : i32 to index
        %parallel_loop3A_159 = arith.constant 16 : index
        %parallel_loop3A_160 = tpu.vector_load %arg5[%parallel_loop3A_157, %parallel_loop3A_158, %parallel_loop3A_159] {strides = array<i32>} : memref<128x2x128xf32, #tpu.memory_space<vmem>>, vector<16xf32>,
        %parallel_loop3A_161 = arith.constant 0 : i32
        %parallel_loop3A_162 = arith.index_cast %parallel_loop3A_112 : i32 to index
        %parallel_loop3A_163 = arith.index_cast %parallel_loop3A_161 : i32 to index
        %parallel_loop3A_164 = arith.constant 16 : index
        %parallel_loop3A_165 = tpu.vector_load %arg7[%parallel_loop3A_162, %parallel_loop3A_163, %parallel_loop3A_164] {strides = array<i32>} : memref<128x1x128xf32, #tpu.memory_space<vmem>>, vector<16xf32>,
        %parallel_loop3A_166 = arith.constant 5.000000e-02 : f32
        %parallel_loop3A_167 = vector.broadcast %parallel_loop3A_166 : f32 to vector<16xf32>
        %parallel_loop3A_168 = arith.mulf %parallel_loop3A_155, %parallel_loop3A_167 : vector<16xf32>
        %parallel_loop3A_169 = arith.fptosi %parallel_loop3A_168 : vector<16xf32> to vector<16xi32>
        %parallel_loop3A_170 = arith.constant 31 : i32
        %parallel_loop3A_171 = vector.broadcast %parallel_loop3A_170 : i32 to vector<16xi32>
        %parallel_loop3A_172 = arith.minsi %parallel_loop3A_169, %parallel_loop3A_171 : vector<16xi32>
        %parallel_loop3A_173 = arith.constant 5.000000e-02 : f32
        %parallel_loop3A_174 = vector.broadcast %parallel_loop3A_173 : f32 to vector<16xf32>
        %parallel_loop3A_175 = arith.mulf %parallel_loop3A_160, %parallel_loop3A_174 : vector<16xf32>
        %parallel_loop3A_176 = arith.fptosi %parallel_loop3A_175 : vector<16xf32> to vector<16xi32>
        %parallel_loop3A_177 = arith.constant 23 : i32
        %parallel_loop3A_178 = vector.broadcast %parallel_loop3A_177 : i32 to vector<16xi32>
        %parallel_loop3A_179 = arith.minsi %parallel_loop3A_176, %parallel_loop3A_178 : vector<16xi32>
        %parallel_loop3A_180 = arith.constant 0.000000e+00 : f32
        %parallel_loop3A_181 = vector.broadcast %parallel_loop3A_180 : f32 to vector<16xf32>
        %parallel_loop3A_182 = arith.cmpf ogt, %parallel_loop3A_165, %parallel_loop3A_181 : vector<16xf32>
        %parallel_loop3A_183 = arith.select %parallel_loop3A_182, %mul3A_3, %add3A_6 : vector<16xi1>, vector<16xi32>
        %parallel_loop3A_184 = arith.constant 32 : i32
        %parallel_loop3A_185 = vector.broadcast %parallel_loop3A_184 : i32 to vector<16xi32>
        %parallel_loop3A_186 = arith.muli %parallel_loop3A_179, %parallel_loop3A_185 : vector<16xi32>
        %parallel_loop3A_187 = arith.addi %parallel_loop3A_186, %parallel_loop3A_172 : vector<16xi32>
        %parallel_loop3A_188 = arith.addi %parallel_loop3A_183, %parallel_loop3A_187 : vector<16xi32>
        tpu.vector_store_idx %arg8[%parallel_loop3A_188], %broadcast_in_dim3A_9 {add = true} : memref<24576xf32, #tpu.memory_space<vmem>>[vector<16xi32>], vector<16xf32>,
        %parallel_loop3A_189 = arith.constant 0 : i32
        %parallel_loop3A_190 = arith.index_cast %parallel_loop3A_112 : i32 to index
        %parallel_loop3A_191 = arith.index_cast %parallel_loop3A_189 : i32 to index
        %parallel_loop3A_192 = arith.constant 32 : index
        %parallel_loop3A_193 = tpu.vector_load %arg5[%parallel_loop3A_190, %parallel_loop3A_191, %parallel_loop3A_192] {strides = array<i32>} : memref<128x2x128xf32, #tpu.memory_space<vmem>>, vector<16xf32>,
        %parallel_loop3A_194 = arith.constant 1 : i32
        %parallel_loop3A_195 = arith.index_cast %parallel_loop3A_112 : i32 to index
        %parallel_loop3A_196 = arith.index_cast %parallel_loop3A_194 : i32 to index
        %parallel_loop3A_197 = arith.constant 32 : index
        %parallel_loop3A_198 = tpu.vector_load %arg5[%parallel_loop3A_195, %parallel_loop3A_196, %parallel_loop3A_197] {strides = array<i32>} : memref<128x2x128xf32, #tpu.memory_space<vmem>>, vector<16xf32>,
        %parallel_loop3A_199 = arith.constant 0 : i32
        %parallel_loop3A_200 = arith.index_cast %parallel_loop3A_112 : i32 to index
        %parallel_loop3A_201 = arith.index_cast %parallel_loop3A_199 : i32 to index
        %parallel_loop3A_202 = arith.constant 32 : index
        %parallel_loop3A_203 = tpu.vector_load %arg7[%parallel_loop3A_200, %parallel_loop3A_201, %parallel_loop3A_202] {strides = array<i32>} : memref<128x1x128xf32, #tpu.memory_space<vmem>>, vector<16xf32>,
        %parallel_loop3A_204 = arith.constant 5.000000e-02 : f32
        %parallel_loop3A_205 = vector.broadcast %parallel_loop3A_204 : f32 to vector<16xf32>
        %parallel_loop3A_206 = arith.mulf %parallel_loop3A_193, %parallel_loop3A_205 : vector<16xf32>
        %parallel_loop3A_207 = arith.fptosi %parallel_loop3A_206 : vector<16xf32> to vector<16xi32>
        %parallel_loop3A_208 = arith.constant 31 : i32
        %parallel_loop3A_209 = vector.broadcast %parallel_loop3A_208 : i32 to vector<16xi32>
        %parallel_loop3A_210 = arith.minsi %parallel_loop3A_207, %parallel_loop3A_209 : vector<16xi32>
        %parallel_loop3A_211 = arith.constant 5.000000e-02 : f32
        %parallel_loop3A_212 = vector.broadcast %parallel_loop3A_211 : f32 to vector<16xf32>
        %parallel_loop3A_213 = arith.mulf %parallel_loop3A_198, %parallel_loop3A_212 : vector<16xf32>
        %parallel_loop3A_214 = arith.fptosi %parallel_loop3A_213 : vector<16xf32> to vector<16xi32>
        %parallel_loop3A_215 = arith.constant 23 : i32
        %parallel_loop3A_216 = vector.broadcast %parallel_loop3A_215 : i32 to vector<16xi32>
        %parallel_loop3A_217 = arith.minsi %parallel_loop3A_214, %parallel_loop3A_216 : vector<16xi32>
        %parallel_loop3A_218 = arith.constant 0.000000e+00 : f32
        %parallel_loop3A_219 = vector.broadcast %parallel_loop3A_218 : f32 to vector<16xf32>
        %parallel_loop3A_220 = arith.cmpf ogt, %parallel_loop3A_203, %parallel_loop3A_219 : vector<16xf32>
        %parallel_loop3A_221 = arith.select %parallel_loop3A_220, %mul3A_3, %add3A_6 : vector<16xi1>, vector<16xi32>
        %parallel_loop3A_222 = arith.constant 32 : i32
        %parallel_loop3A_223 = vector.broadcast %parallel_loop3A_222 : i32 to vector<16xi32>
        %parallel_loop3A_224 = arith.muli %parallel_loop3A_217, %parallel_loop3A_223 : vector<16xi32>
        %parallel_loop3A_225 = arith.addi %parallel_loop3A_224, %parallel_loop3A_210 : vector<16xi32>
        %parallel_loop3A_226 = arith.addi %parallel_loop3A_221, %parallel_loop3A_225 : vector<16xi32>
        tpu.vector_store_idx %arg8[%parallel_loop3A_226], %broadcast_in_dim3A_9 {add = true} : memref<24576xf32, #tpu.memory_space<vmem>>[vector<16xi32>], vector<16xf32>,
        %parallel_loop3A_227 = arith.constant 0 : i32
        %parallel_loop3A_228 = arith.index_cast %parallel_loop3A_112 : i32 to index
        %parallel_loop3A_229 = arith.index_cast %parallel_loop3A_227 : i32 to index
        %parallel_loop3A_230 = arith.constant 48 : index
        %parallel_loop3A_231 = tpu.vector_load %arg5[%parallel_loop3A_228, %parallel_loop3A_229, %parallel_loop3A_230] {strides = array<i32>} : memref<128x2x128xf32, #tpu.memory_space<vmem>>, vector<16xf32>,
        %parallel_loop3A_232 = arith.constant 1 : i32
        %parallel_loop3A_233 = arith.index_cast %parallel_loop3A_112 : i32 to index
        %parallel_loop3A_234 = arith.index_cast %parallel_loop3A_232 : i32 to index
        %parallel_loop3A_235 = arith.constant 48 : index
        %parallel_loop3A_236 = tpu.vector_load %arg5[%parallel_loop3A_233, %parallel_loop3A_234, %parallel_loop3A_235] {strides = array<i32>} : memref<128x2x128xf32, #tpu.memory_space<vmem>>, vector<16xf32>,
        %parallel_loop3A_237 = arith.constant 0 : i32
        %parallel_loop3A_238 = arith.index_cast %parallel_loop3A_112 : i32 to index
        %parallel_loop3A_239 = arith.index_cast %parallel_loop3A_237 : i32 to index
        %parallel_loop3A_240 = arith.constant 48 : index
        %parallel_loop3A_241 = tpu.vector_load %arg7[%parallel_loop3A_238, %parallel_loop3A_239, %parallel_loop3A_240] {strides = array<i32>} : memref<128x1x128xf32, #tpu.memory_space<vmem>>, vector<16xf32>,
        %parallel_loop3A_242 = arith.constant 5.000000e-02 : f32
        %parallel_loop3A_243 = vector.broadcast %parallel_loop3A_242 : f32 to vector<16xf32>
        %parallel_loop3A_244 = arith.mulf %parallel_loop3A_231, %parallel_loop3A_243 : vector<16xf32>
        %parallel_loop3A_245 = arith.fptosi %parallel_loop3A_244 : vector<16xf32> to vector<16xi32>
        %parallel_loop3A_246 = arith.constant 31 : i32
        %parallel_loop3A_247 = vector.broadcast %parallel_loop3A_246 : i32 to vector<16xi32>
        %parallel_loop3A_248 = arith.minsi %parallel_loop3A_245, %parallel_loop3A_247 : vector<16xi32>
        %parallel_loop3A_249 = arith.constant 5.000000e-02 : f32
        %parallel_loop3A_250 = vector.broadcast %parallel_loop3A_249 : f32 to vector<16xf32>
        %parallel_loop3A_251 = arith.mulf %parallel_loop3A_236, %parallel_loop3A_250 : vector<16xf32>
        %parallel_loop3A_252 = arith.fptosi %parallel_loop3A_251 : vector<16xf32> to vector<16xi32>
        %parallel_loop3A_253 = arith.constant 23 : i32
        %parallel_loop3A_254 = vector.broadcast %parallel_loop3A_253 : i32 to vector<16xi32>
        %parallel_loop3A_255 = arith.minsi %parallel_loop3A_252, %parallel_loop3A_254 : vector<16xi32>
        %parallel_loop3A_256 = arith.constant 0.000000e+00 : f32
        %parallel_loop3A_257 = vector.broadcast %parallel_loop3A_256 : f32 to vector<16xf32>
        %parallel_loop3A_258 = arith.cmpf ogt, %parallel_loop3A_241, %parallel_loop3A_257 : vector<16xf32>
        %parallel_loop3A_259 = arith.select %parallel_loop3A_258, %mul3A_3, %add3A_6 : vector<16xi1>, vector<16xi32>
        %parallel_loop3A_260 = arith.constant 32 : i32
        %parallel_loop3A_261 = vector.broadcast %parallel_loop3A_260 : i32 to vector<16xi32>
        %parallel_loop3A_262 = arith.muli %parallel_loop3A_255, %parallel_loop3A_261 : vector<16xi32>
        %parallel_loop3A_263 = arith.addi %parallel_loop3A_262, %parallel_loop3A_248 : vector<16xi32>
        %parallel_loop3A_264 = arith.addi %parallel_loop3A_259, %parallel_loop3A_263 : vector<16xi32>
        tpu.vector_store_idx %arg8[%parallel_loop3A_264], %broadcast_in_dim3A_9 {add = true} : memref<24576xf32, #tpu.memory_space<vmem>>[vector<16xi32>], vector<16xf32>,
        %parallel_loop3A_265 = arith.constant 0 : i32
        %parallel_loop3A_266 = arith.index_cast %parallel_loop3A_112 : i32 to index
        %parallel_loop3A_267 = arith.index_cast %parallel_loop3A_265 : i32 to index
        %parallel_loop3A_268 = arith.constant 64 : index
        %parallel_loop3A_269 = tpu.vector_load %arg5[%parallel_loop3A_266, %parallel_loop3A_267, %parallel_loop3A_268] {strides = array<i32>} : memref<128x2x128xf32, #tpu.memory_space<vmem>>, vector<16xf32>,
        %parallel_loop3A_270 = arith.constant 1 : i32
        %parallel_loop3A_271 = arith.index_cast %parallel_loop3A_112 : i32 to index
        %parallel_loop3A_272 = arith.index_cast %parallel_loop3A_270 : i32 to index
        %parallel_loop3A_273 = arith.constant 64 : index
        %parallel_loop3A_274 = tpu.vector_load %arg5[%parallel_loop3A_271, %parallel_loop3A_272, %parallel_loop3A_273] {strides = array<i32>} : memref<128x2x128xf32, #tpu.memory_space<vmem>>, vector<16xf32>,
        %parallel_loop3A_275 = arith.constant 0 : i32
        %parallel_loop3A_276 = arith.index_cast %parallel_loop3A_112 : i32 to index
        %parallel_loop3A_277 = arith.index_cast %parallel_loop3A_275 : i32 to index
        %parallel_loop3A_278 = arith.constant 64 : index
        %parallel_loop3A_279 = tpu.vector_load %arg7[%parallel_loop3A_276, %parallel_loop3A_277, %parallel_loop3A_278] {strides = array<i32>} : memref<128x1x128xf32, #tpu.memory_space<vmem>>, vector<16xf32>,
        %parallel_loop3A_280 = arith.constant 5.000000e-02 : f32
        %parallel_loop3A_281 = vector.broadcast %parallel_loop3A_280 : f32 to vector<16xf32>
        %parallel_loop3A_282 = arith.mulf %parallel_loop3A_269, %parallel_loop3A_281 : vector<16xf32>
        %parallel_loop3A_283 = arith.fptosi %parallel_loop3A_282 : vector<16xf32> to vector<16xi32>
        %parallel_loop3A_284 = arith.constant 31 : i32
        %parallel_loop3A_285 = vector.broadcast %parallel_loop3A_284 : i32 to vector<16xi32>
        %parallel_loop3A_286 = arith.minsi %parallel_loop3A_283, %parallel_loop3A_285 : vector<16xi32>
        %parallel_loop3A_287 = arith.constant 5.000000e-02 : f32
        %parallel_loop3A_288 = vector.broadcast %parallel_loop3A_287 : f32 to vector<16xf32>
        %parallel_loop3A_289 = arith.mulf %parallel_loop3A_274, %parallel_loop3A_288 : vector<16xf32>
        %parallel_loop3A_290 = arith.fptosi %parallel_loop3A_289 : vector<16xf32> to vector<16xi32>
        %parallel_loop3A_291 = arith.constant 23 : i32
        %parallel_loop3A_292 = vector.broadcast %parallel_loop3A_291 : i32 to vector<16xi32>
        %parallel_loop3A_293 = arith.minsi %parallel_loop3A_290, %parallel_loop3A_292 : vector<16xi32>
        %parallel_loop3A_294 = arith.constant 0.000000e+00 : f32
        %parallel_loop3A_295 = vector.broadcast %parallel_loop3A_294 : f32 to vector<16xf32>
        %parallel_loop3A_296 = arith.cmpf ogt, %parallel_loop3A_279, %parallel_loop3A_295 : vector<16xf32>
        %parallel_loop3A_297 = arith.select %parallel_loop3A_296, %mul3A_3, %add3A_6 : vector<16xi1>, vector<16xi32>
        %parallel_loop3A_298 = arith.constant 32 : i32
        %parallel_loop3A_299 = vector.broadcast %parallel_loop3A_298 : i32 to vector<16xi32>
        %parallel_loop3A_300 = arith.muli %parallel_loop3A_293, %parallel_loop3A_299 : vector<16xi32>
        %parallel_loop3A_301 = arith.addi %parallel_loop3A_300, %parallel_loop3A_286 : vector<16xi32>
        %parallel_loop3A_302 = arith.addi %parallel_loop3A_297, %parallel_loop3A_301 : vector<16xi32>
        tpu.vector_store_idx %arg8[%parallel_loop3A_302], %broadcast_in_dim3A_9 {add = true} : memref<24576xf32, #tpu.memory_space<vmem>>[vector<16xi32>], vector<16xf32>,
        %parallel_loop3A_303 = arith.constant 0 : i32
        %parallel_loop3A_304 = arith.index_cast %parallel_loop3A_112 : i32 to index
        %parallel_loop3A_305 = arith.index_cast %parallel_loop3A_303 : i32 to index
        %parallel_loop3A_306 = arith.constant 80 : index
        %parallel_loop3A_307 = tpu.vector_load %arg5[%parallel_loop3A_304, %parallel_loop3A_305, %parallel_loop3A_306] {strides = array<i32>} : memref<128x2x128xf32, #tpu.memory_space<vmem>>, vector<16xf32>,
        %parallel_loop3A_308 = arith.constant 1 : i32
        %parallel_loop3A_309 = arith.index_cast %parallel_loop3A_112 : i32 to index
        %parallel_loop3A_310 = arith.index_cast %parallel_loop3A_308 : i32 to index
        %parallel_loop3A_311 = arith.constant 80 : index
        %parallel_loop3A_312 = tpu.vector_load %arg5[%parallel_loop3A_309, %parallel_loop3A_310, %parallel_loop3A_311] {strides = array<i32>} : memref<128x2x128xf32, #tpu.memory_space<vmem>>, vector<16xf32>,
        %parallel_loop3A_313 = arith.constant 0 : i32
        %parallel_loop3A_314 = arith.index_cast %parallel_loop3A_112 : i32 to index
        %parallel_loop3A_315 = arith.index_cast %parallel_loop3A_313 : i32 to index
        %parallel_loop3A_316 = arith.constant 80 : index
        %parallel_loop3A_317 = tpu.vector_load %arg7[%parallel_loop3A_314, %parallel_loop3A_315, %parallel_loop3A_316] {strides = array<i32>} : memref<128x1x128xf32, #tpu.memory_space<vmem>>, vector<16xf32>,
        %parallel_loop3A_318 = arith.constant 5.000000e-02 : f32
        %parallel_loop3A_319 = vector.broadcast %parallel_loop3A_318 : f32 to vector<16xf32>
        %parallel_loop3A_320 = arith.mulf %parallel_loop3A_307, %parallel_loop3A_319 : vector<16xf32>
        %parallel_loop3A_321 = arith.fptosi %parallel_loop3A_320 : vector<16xf32> to vector<16xi32>
        %parallel_loop3A_322 = arith.constant 31 : i32
        %parallel_loop3A_323 = vector.broadcast %parallel_loop3A_322 : i32 to vector<16xi32>
        %parallel_loop3A_324 = arith.minsi %parallel_loop3A_321, %parallel_loop3A_323 : vector<16xi32>
        %parallel_loop3A_325 = arith.constant 5.000000e-02 : f32
        %parallel_loop3A_326 = vector.broadcast %parallel_loop3A_325 : f32 to vector<16xf32>
        %parallel_loop3A_327 = arith.mulf %parallel_loop3A_312, %parallel_loop3A_326 : vector<16xf32>
        %parallel_loop3A_328 = arith.fptosi %parallel_loop3A_327 : vector<16xf32> to vector<16xi32>
        %parallel_loop3A_329 = arith.constant 23 : i32
        %parallel_loop3A_330 = vector.broadcast %parallel_loop3A_329 : i32 to vector<16xi32>
        %parallel_loop3A_331 = arith.minsi %parallel_loop3A_328, %parallel_loop3A_330 : vector<16xi32>
        %parallel_loop3A_332 = arith.constant 0.000000e+00 : f32
        %parallel_loop3A_333 = vector.broadcast %parallel_loop3A_332 : f32 to vector<16xf32>
        %parallel_loop3A_334 = arith.cmpf ogt, %parallel_loop3A_317, %parallel_loop3A_333 : vector<16xf32>
        %parallel_loop3A_335 = arith.select %parallel_loop3A_334, %mul3A_3, %add3A_6 : vector<16xi1>, vector<16xi32>
        %parallel_loop3A_336 = arith.constant 32 : i32
        %parallel_loop3A_337 = vector.broadcast %parallel_loop3A_336 : i32 to vector<16xi32>
        %parallel_loop3A_338 = arith.muli %parallel_loop3A_331, %parallel_loop3A_337 : vector<16xi32>
        %parallel_loop3A_339 = arith.addi %parallel_loop3A_338, %parallel_loop3A_324 : vector<16xi32>
        %parallel_loop3A_340 = arith.addi %parallel_loop3A_335, %parallel_loop3A_339 : vector<16xi32>
        tpu.vector_store_idx %arg8[%parallel_loop3A_340], %broadcast_in_dim3A_9 {add = true} : memref<24576xf32, #tpu.memory_space<vmem>>[vector<16xi32>], vector<16xf32>,
        %parallel_loop3A_341 = arith.constant 0 : i32
        %parallel_loop3A_342 = arith.index_cast %parallel_loop3A_112 : i32 to index
        %parallel_loop3A_343 = arith.index_cast %parallel_loop3A_341 : i32 to index
        %parallel_loop3A_344 = arith.constant 96 : index
        %parallel_loop3A_345 = tpu.vector_load %arg5[%parallel_loop3A_342, %parallel_loop3A_343, %parallel_loop3A_344] {strides = array<i32>} : memref<128x2x128xf32, #tpu.memory_space<vmem>>, vector<16xf32>,
        %parallel_loop3A_346 = arith.constant 1 : i32
        %parallel_loop3A_347 = arith.index_cast %parallel_loop3A_112 : i32 to index
        %parallel_loop3A_348 = arith.index_cast %parallel_loop3A_346 : i32 to index
        %parallel_loop3A_349 = arith.constant 96 : index
        %parallel_loop3A_350 = tpu.vector_load %arg5[%parallel_loop3A_347, %parallel_loop3A_348, %parallel_loop3A_349] {strides = array<i32>} : memref<128x2x128xf32, #tpu.memory_space<vmem>>, vector<16xf32>,
        %parallel_loop3A_351 = arith.constant 0 : i32
        %parallel_loop3A_352 = arith.index_cast %parallel_loop3A_112 : i32 to index
        %parallel_loop3A_353 = arith.index_cast %parallel_loop3A_351 : i32 to index
        %parallel_loop3A_354 = arith.constant 96 : index
        %parallel_loop3A_355 = tpu.vector_load %arg7[%parallel_loop3A_352, %parallel_loop3A_353, %parallel_loop3A_354] {strides = array<i32>} : memref<128x1x128xf32, #tpu.memory_space<vmem>>, vector<16xf32>,
        %parallel_loop3A_356 = arith.constant 5.000000e-02 : f32
        %parallel_loop3A_357 = vector.broadcast %parallel_loop3A_356 : f32 to vector<16xf32>
        %parallel_loop3A_358 = arith.mulf %parallel_loop3A_345, %parallel_loop3A_357 : vector<16xf32>
        %parallel_loop3A_359 = arith.fptosi %parallel_loop3A_358 : vector<16xf32> to vector<16xi32>
        %parallel_loop3A_360 = arith.constant 31 : i32
        %parallel_loop3A_361 = vector.broadcast %parallel_loop3A_360 : i32 to vector<16xi32>
        %parallel_loop3A_362 = arith.minsi %parallel_loop3A_359, %parallel_loop3A_361 : vector<16xi32>
        %parallel_loop3A_363 = arith.constant 5.000000e-02 : f32
        %parallel_loop3A_364 = vector.broadcast %parallel_loop3A_363 : f32 to vector<16xf32>
        %parallel_loop3A_365 = arith.mulf %parallel_loop3A_350, %parallel_loop3A_364 : vector<16xf32>
        %parallel_loop3A_366 = arith.fptosi %parallel_loop3A_365 : vector<16xf32> to vector<16xi32>
        %parallel_loop3A_367 = arith.constant 23 : i32
        %parallel_loop3A_368 = vector.broadcast %parallel_loop3A_367 : i32 to vector<16xi32>
        %parallel_loop3A_369 = arith.minsi %parallel_loop3A_366, %parallel_loop3A_368 : vector<16xi32>
        %parallel_loop3A_370 = arith.constant 0.000000e+00 : f32
        %parallel_loop3A_371 = vector.broadcast %parallel_loop3A_370 : f32 to vector<16xf32>
        %parallel_loop3A_372 = arith.cmpf ogt, %parallel_loop3A_355, %parallel_loop3A_371 : vector<16xf32>
        %parallel_loop3A_373 = arith.select %parallel_loop3A_372, %mul3A_3, %add3A_6 : vector<16xi1>, vector<16xi32>
        %parallel_loop3A_374 = arith.constant 32 : i32
        %parallel_loop3A_375 = vector.broadcast %parallel_loop3A_374 : i32 to vector<16xi32>
        %parallel_loop3A_376 = arith.muli %parallel_loop3A_369, %parallel_loop3A_375 : vector<16xi32>
        %parallel_loop3A_377 = arith.addi %parallel_loop3A_376, %parallel_loop3A_362 : vector<16xi32>
        %parallel_loop3A_378 = arith.addi %parallel_loop3A_373, %parallel_loop3A_377 : vector<16xi32>
        tpu.vector_store_idx %arg8[%parallel_loop3A_378], %broadcast_in_dim3A_9 {add = true} : memref<24576xf32, #tpu.memory_space<vmem>>[vector<16xi32>], vector<16xf32>,
        %parallel_loop3A_379 = arith.constant 0 : i32
        %parallel_loop3A_380 = arith.index_cast %parallel_loop3A_112 : i32 to index
        %parallel_loop3A_381 = arith.index_cast %parallel_loop3A_379 : i32 to index
        %parallel_loop3A_382 = arith.constant 112 : index
        %parallel_loop3A_383 = tpu.vector_load %arg5[%parallel_loop3A_380, %parallel_loop3A_381, %parallel_loop3A_382] {strides = array<i32>} : memref<128x2x128xf32, #tpu.memory_space<vmem>>, vector<16xf32>,
        %parallel_loop3A_384 = arith.constant 1 : i32
        %parallel_loop3A_385 = arith.index_cast %parallel_loop3A_112 : i32 to index
        %parallel_loop3A_386 = arith.index_cast %parallel_loop3A_384 : i32 to index
        %parallel_loop3A_387 = arith.constant 112 : index
        %parallel_loop3A_388 = tpu.vector_load %arg5[%parallel_loop3A_385, %parallel_loop3A_386, %parallel_loop3A_387] {strides = array<i32>} : memref<128x2x128xf32, #tpu.memory_space<vmem>>, vector<16xf32>,
        %parallel_loop3A_389 = arith.constant 0 : i32
        %parallel_loop3A_390 = arith.index_cast %parallel_loop3A_112 : i32 to index
        %parallel_loop3A_391 = arith.index_cast %parallel_loop3A_389 : i32 to index
        %parallel_loop3A_392 = arith.constant 112 : index
        %parallel_loop3A_393 = tpu.vector_load %arg7[%parallel_loop3A_390, %parallel_loop3A_391, %parallel_loop3A_392] {strides = array<i32>} : memref<128x1x128xf32, #tpu.memory_space<vmem>>, vector<16xf32>,
        %parallel_loop3A_394 = arith.constant 5.000000e-02 : f32
        %parallel_loop3A_395 = vector.broadcast %parallel_loop3A_394 : f32 to vector<16xf32>
        %parallel_loop3A_396 = arith.mulf %parallel_loop3A_383, %parallel_loop3A_395 : vector<16xf32>
        %parallel_loop3A_397 = arith.fptosi %parallel_loop3A_396 : vector<16xf32> to vector<16xi32>
        %parallel_loop3A_398 = arith.constant 31 : i32
        %parallel_loop3A_399 = vector.broadcast %parallel_loop3A_398 : i32 to vector<16xi32>
        %parallel_loop3A_400 = arith.minsi %parallel_loop3A_397, %parallel_loop3A_399 : vector<16xi32>
        %parallel_loop3A_401 = arith.constant 5.000000e-02 : f32
        %parallel_loop3A_402 = vector.broadcast %parallel_loop3A_401 : f32 to vector<16xf32>
        %parallel_loop3A_403 = arith.mulf %parallel_loop3A_388, %parallel_loop3A_402 : vector<16xf32>
        %parallel_loop3A_404 = arith.fptosi %parallel_loop3A_403 : vector<16xf32> to vector<16xi32>
        %parallel_loop3A_405 = arith.constant 23 : i32
        %parallel_loop3A_406 = vector.broadcast %parallel_loop3A_405 : i32 to vector<16xi32>
        %parallel_loop3A_407 = arith.minsi %parallel_loop3A_404, %parallel_loop3A_406 : vector<16xi32>
        %parallel_loop3A_408 = arith.constant 0.000000e+00 : f32
        %parallel_loop3A_409 = vector.broadcast %parallel_loop3A_408 : f32 to vector<16xf32>
        %parallel_loop3A_410 = arith.cmpf ogt, %parallel_loop3A_393, %parallel_loop3A_409 : vector<16xf32>
        %parallel_loop3A_411 = arith.select %parallel_loop3A_410, %mul3A_3, %add3A_6 : vector<16xi1>, vector<16xi32>
        %parallel_loop3A_412 = arith.constant 32 : i32
        %parallel_loop3A_413 = vector.broadcast %parallel_loop3A_412 : i32 to vector<16xi32>
        %parallel_loop3A_414 = arith.muli %parallel_loop3A_407, %parallel_loop3A_413 : vector<16xi32>
        %parallel_loop3A_415 = arith.addi %parallel_loop3A_414, %parallel_loop3A_400 : vector<16xi32>
        %parallel_loop3A_416 = arith.addi %parallel_loop3A_411, %parallel_loop3A_415 : vector<16xi32>
        tpu.vector_store_idx %arg8[%parallel_loop3A_416], %broadcast_in_dim3A_9 {add = true} : memref<24576xf32, #tpu.memory_space<vmem>>[vector<16xi32>], vector<16xf32>,
      } {sc.loop_unroll_factor = 2 : i64, sc.parallel_access}
      %add3A_103 = arith.constant 1 : i32
      %add3A_104 = arith.addi %mul3A_58, %add3A_103 : i32
      %add3A_105 = arith.constant 2 : i32
      %add3A_106 = arith.addi %add3A_104, %add3A_105 : i32
      %lt3A_107 = arith.constant 16 : i32
      %lt3A_108 = arith.cmpi slt, %add3A_106, %lt3A_107 : i32
      %convert_element_type3A_109 = arith.extui %lt3A_108 : i1 to i32
      %cond3A_110 = arith.constant 0 : i32
      %cond3A_111 = arith.cmpi ne, %convert_element_type3A_109, %cond3A_110 : i32
      scf.if %cond3A_111 {
        %add3A_112 = arith.constant 1 : i32
        %add3A_113 = arith.addi %mul3A_58, %add3A_112 : i32
        %add3A_114 = arith.constant 2 : i32
        %add3A_115 = arith.addi %add3A_113, %add3A_114 : i32
        %mul3A_116 = arith.constant 128 : i32
        %mul3A_117 = arith.muli %add3A_115, %mul3A_116 : i32
        %add3A_118 = arith.addi %mul3A_16, %mul3A_117 : i32
        %dma_start3A_119 = arith.constant 0 : i32
        %dma_start3A_120 = arith.constant 0 : i32
        %dma_start3A_121 = tpu.memref_slice %arg2[%add3A_118, %dma_start3A_119, %dma_start3A_120] : memref<65536x4x128xf32, #tpu.memory_space<hbm>> -> memref<128x2x128xf32, #tpu.memory_space<hbm>>
        %dma_start3A_122 = arith.constant 0 : i32
        %dma_start3A_123 = arith.constant 0 : i32
        %dma_start3A_124 = tpu.memref_slice %arg2[%add3A_118, %dma_start3A_122, %dma_start3A_123] : memref<65536x4x128xf32, #tpu.memory_space<hbm>> -> memref<128x2x128xf32, #tpu.memory_space<hbm>>
        tpu.enqueue_dma source(%dma_start3A_124 : memref<128x2x128xf32, #tpu.memory_space<hbm>>) target(%arg5 : memref<128x2x128xf32, #tpu.memory_space<vmem>>) target_semaphore(%arg11 : memref<!tpu.dma_semaphore, #tpu.memory_space<semaphore_mem>>)
        %dma_start3A_125 = arith.constant 3 : i32
        %dma_start3A_126 = arith.constant 0 : i32
        %dma_start3A_127 = tpu.memref_slice %arg2[%add3A_118, %dma_start3A_125, %dma_start3A_126] : memref<65536x4x128xf32, #tpu.memory_space<hbm>> -> memref<128x1x128xf32, #tpu.memory_space<hbm>>
        %dma_start3A_128 = arith.constant 3 : i32
        %dma_start3A_129 = arith.constant 0 : i32
        %dma_start3A_130 = tpu.memref_slice %arg2[%add3A_118, %dma_start3A_128, %dma_start3A_129] : memref<65536x4x128xf32, #tpu.memory_space<hbm>> -> memref<128x1x128xf32, #tpu.memory_space<hbm>>
        tpu.enqueue_dma source(%dma_start3A_130 : memref<128x1x128xf32, #tpu.memory_space<hbm>>) target(%arg7 : memref<128x1x128xf32, #tpu.memory_space<vmem>>) target_semaphore(%arg13 : memref<!tpu.dma_semaphore, #tpu.memory_space<semaphore_mem>>)
      } else {
      }
    }
    %scan3A_49 = arith.constant 8 : i32
    %scan3A_50 = arith.constant 0 : i32
    %scan3A_51 = arith.constant 0 : i32
    %scan3A_52 = arith.constant 96 : i32
    %scan3A_53 = arith.addi %scan3A_51, %scan3A_52 : i32
    %scan3A_54 = arith.constant 1 : i32
    scf.for %scan3A_56 = %scan3A_51 to %scan3A_53 step %scan3A_54  : i32 {
      %mul3A_57 = arith.constant 16 : i32
      %mul3A_58 = arith.muli %scan3A_56, %mul3A_57 : i32
      %add3A_59 = arith.constant 0 : i32
      %add3A_60 = arith.addi %add3A_59, %mul3A_58 : i32
      %get3A = arith.index_cast %add3A_60 : i32 to index
      %get3A_61 = tpu.vector_load %arg8[%get3A] {strides = array<i32>} : memref<24576xf32, #tpu.memory_space<vmem>>, vector<16xf32>,
      %add3A_62 = arith.addf %broadcast_in_dim3A_7, %get3A_61 : vector<16xf32>
      %mul3A_63 = arith.constant 16 : i32
      %mul3A_64 = arith.muli %scan3A_56, %mul3A_63 : i32
      %add3A_65 = arith.constant 1536 : i32
      %add3A_66 = arith.addi %add3A_65, %mul3A_64 : i32
      %get3A_67 = arith.index_cast %add3A_66 : i32 to index
      %get3A_68 = tpu.vector_load %arg8[%get3A_67] {strides = array<i32>} : memref<24576xf32, #tpu.memory_space<vmem>>, vector<16xf32>,
      %add3A_69 = arith.addf %add3A_62, %get3A_68 : vector<16xf32>
      %mul3A_70 = arith.constant 16 : i32
      %mul3A_71 = arith.muli %scan3A_56, %mul3A_70 : i32
      %add3A_72 = arith.constant 3072 : i32
      %add3A_73 = arith.addi %add3A_72, %mul3A_71 : i32
      %get3A_74 = arith.index_cast %add3A_73 : i32 to index
      %get3A_75 = tpu.vector_load %arg8[%get3A_74] {strides = array<i32>} : memref<24576xf32, #tpu.memory_space<vmem>>, vector<16xf32>,
      %add3A_76 = arith.addf %add3A_69, %get3A_75 : vector<16xf32>
      %mul3A_77 = arith.constant 16 : i32
      %mul3A_78 = arith.muli %scan3A_56, %mul3A_77 : i32
      %add3A_79 = arith.constant 4608 : i32
      %add3A_80 = arith.addi %add3A_79, %mul3A_78 : i32
      %get3A_81 = arith.index_cast %add3A_80 : i32 to index
      %get3A_82 = tpu.vector_load %arg8[%get3A_81] {strides = array<i32>} : memref<24576xf32, #tpu.memory_space<vmem>>, vector<16xf32>,
      %add3A_83 = arith.addf %add3A_76, %get3A_82 : vector<16xf32>
      %mul3A_84 = arith.constant 16 : i32
      %mul3A_85 = arith.muli %scan3A_56, %mul3A_84 : i32
      %add3A_86 = arith.constant 6144 : i32
      %add3A_87 = arith.addi %add3A_86, %mul3A_85 : i32
      %get3A_88 = arith.index_cast %add3A_87 : i32 to index
      %get3A_89 = tpu.vector_load %arg8[%get3A_88] {strides = array<i32>} : memref<24576xf32, #tpu.memory_space<vmem>>, vector<16xf32>,
      %add3A_90 = arith.addf %add3A_83, %get3A_89 : vector<16xf32>
      %mul3A_91 = arith.constant 16 : i32
      %mul3A_92 = arith.muli %scan3A_56, %mul3A_91 : i32
      %add3A_93 = arith.constant 7680 : i32
      %add3A_94 = arith.addi %add3A_93, %mul3A_92 : i32
      %get3A_95 = arith.index_cast %add3A_94 : i32 to index
      %get3A_96 = tpu.vector_load %arg8[%get3A_95] {strides = array<i32>} : memref<24576xf32, #tpu.memory_space<vmem>>, vector<16xf32>,
      %add3A_97 = arith.addf %add3A_90, %get3A_96 : vector<16xf32>
      %mul3A_98 = arith.constant 16 : i32
      %mul3A_99 = arith.muli %scan3A_56, %mul3A_98 : i32
      %add3A_100 = arith.constant 9216 : i32
      %add3A_101 = arith.addi %add3A_100, %mul3A_99 : i32
      %get3A_102 = arith.index_cast %add3A_101 : i32 to index
      %get3A_103 = tpu.vector_load %arg8[%get3A_102] {strides = array<i32>} : memref<24576xf32, #tpu.memory_space<vmem>>, vector<16xf32>,
      %add3A_104 = arith.addf %add3A_97, %get3A_103 : vector<16xf32>
      %mul3A_105 = arith.constant 16 : i32
      %mul3A_106 = arith.muli %scan3A_56, %mul3A_105 : i32
      %add3A_107 = arith.constant 10752 : i32
      %add3A_108 = arith.addi %add3A_107, %mul3A_106 : i32
      %get3A_109 = arith.index_cast %add3A_108 : i32 to index
      %get3A_110 = tpu.vector_load %arg8[%get3A_109] {strides = array<i32>} : memref<24576xf32, #tpu.memory_space<vmem>>, vector<16xf32>,
      %add3A_111 = arith.addf %add3A_104, %get3A_110 : vector<16xf32>
      %mul3A_112 = arith.constant 16 : i32
      %mul3A_113 = arith.muli %scan3A_56, %mul3A_112 : i32
      %add3A_114 = arith.constant 12288 : i32
      %add3A_115 = arith.addi %add3A_114, %mul3A_113 : i32
      %get3A_116 = arith.index_cast %add3A_115 : i32 to index
      %get3A_117 = tpu.vector_load %arg8[%get3A_116] {strides = array<i32>} : memref<24576xf32, #tpu.memory_space<vmem>>, vector<16xf32>,
      %add3A_118 = arith.addf %add3A_111, %get3A_117 : vector<16xf32>
      %mul3A_119 = arith.constant 16 : i32
      %mul3A_120 = arith.muli %scan3A_56, %mul3A_119 : i32
      %add3A_121 = arith.constant 13824 : i32
      %add3A_122 = arith.addi %add3A_121, %mul3A_120 : i32
      %get3A_123 = arith.index_cast %add3A_122 : i32 to index
      %get3A_124 = tpu.vector_load %arg8[%get3A_123] {strides = array<i32>} : memref<24576xf32, #tpu.memory_space<vmem>>, vector<16xf32>,
      %add3A_125 = arith.addf %add3A_118, %get3A_124 : vector<16xf32>
      %mul3A_126 = arith.constant 16 : i32
      %mul3A_127 = arith.muli %scan3A_56, %mul3A_126 : i32
      %add3A_128 = arith.constant 15360 : i32
      %add3A_129 = arith.addi %add3A_128, %mul3A_127 : i32
      %get3A_130 = arith.index_cast %add3A_129 : i32 to index
      %get3A_131 = tpu.vector_load %arg8[%get3A_130] {strides = array<i32>} : memref<24576xf32, #tpu.memory_space<vmem>>, vector<16xf32>,
      %add3A_132 = arith.addf %add3A_125, %get3A_131 : vector<16xf32>
      %mul3A_133 = arith.constant 16 : i32
      %mul3A_134 = arith.muli %scan3A_56, %mul3A_133 : i32
      %add3A_135 = arith.constant 16896 : i32
      %add3A_136 = arith.addi %add3A_135, %mul3A_134 : i32
      %get3A_137 = arith.index_cast %add3A_136 : i32 to index
      %get3A_138 = tpu.vector_load %arg8[%get3A_137] {strides = array<i32>} : memref<24576xf32, #tpu.memory_space<vmem>>, vector<16xf32>,
      %add3A_139 = arith.addf %add3A_132, %get3A_138 : vector<16xf32>
      %mul3A_140 = arith.constant 16 : i32
      %mul3A_141 = arith.muli %scan3A_56, %mul3A_140 : i32
      %add3A_142 = arith.constant 18432 : i32
      %add3A_143 = arith.addi %add3A_142, %mul3A_141 : i32
      %get3A_144 = arith.index_cast %add3A_143 : i32 to index
      %get3A_145 = tpu.vector_load %arg8[%get3A_144] {strides = array<i32>} : memref<24576xf32, #tpu.memory_space<vmem>>, vector<16xf32>,
      %add3A_146 = arith.addf %add3A_139, %get3A_145 : vector<16xf32>
      %mul3A_147 = arith.constant 16 : i32
      %mul3A_148 = arith.muli %scan3A_56, %mul3A_147 : i32
      %add3A_149 = arith.constant 19968 : i32
      %add3A_150 = arith.addi %add3A_149, %mul3A_148 : i32
      %get3A_151 = arith.index_cast %add3A_150 : i32 to index
      %get3A_152 = tpu.vector_load %arg8[%get3A_151] {strides = array<i32>} : memref<24576xf32, #tpu.memory_space<vmem>>, vector<16xf32>,
      %add3A_153 = arith.addf %add3A_146, %get3A_152 : vector<16xf32>
      %mul3A_154 = arith.constant 16 : i32
      %mul3A_155 = arith.muli %scan3A_56, %mul3A_154 : i32
      %add3A_156 = arith.constant 21504 : i32
      %add3A_157 = arith.addi %add3A_156, %mul3A_155 : i32
      %get3A_158 = arith.index_cast %add3A_157 : i32 to index
      %get3A_159 = tpu.vector_load %arg8[%get3A_158] {strides = array<i32>} : memref<24576xf32, #tpu.memory_space<vmem>>, vector<16xf32>,
      %add3A_160 = arith.addf %add3A_153, %get3A_159 : vector<16xf32>
      %mul3A_161 = arith.constant 16 : i32
      %mul3A_162 = arith.muli %scan3A_56, %mul3A_161 : i32
      %add3A_163 = arith.constant 23040 : i32
      %add3A_164 = arith.addi %add3A_163, %mul3A_162 : i32
      %get3A_165 = arith.index_cast %add3A_164 : i32 to index
      %get3A_166 = tpu.vector_load %arg8[%get3A_165] {strides = array<i32>} : memref<24576xf32, #tpu.memory_space<vmem>>, vector<16xf32>,
      %add3A_167 = arith.addf %add3A_160, %get3A_166 : vector<16xf32>
      %mul3A_168 = arith.constant 16 : i32
      %mul3A_169 = arith.muli %scan3A_56, %mul3A_168 : i32
      %swap3A = arith.index_cast %mul3A_169 : i32 to index
      %swap3A_170 = tpu.vector_load %arg9[%swap3A] {strides = array<i32>} : memref<1536xf32, #tpu.memory_space<vmem>>, vector<16xf32>,
      tpu.vector_store %arg9[%swap3A], %add3A_167 {strides = array<i32>} : memref<1536xf32, #tpu.memory_space<vmem>>, vector<16xf32>,
    }
    %scan3A_55 = arith.constant 96 : i32
    "tpu.region"() ({
      %run_scoped3A = tpu.sem_alloc : memref<!tpu.dma_semaphore, #tpu.memory_space<semaphore_mem>>
      %dma_start3A_56 = arith.constant 0 : i32
      %dma_start3A_57 = tpu.memref_slice %arg3[%add3A, %dma_start3A_56] : memref<32x1536xf32, #tpu.memory_space<hbm>> -> memref<1x1536xf32, #tpu.memory_space<hbm>>
      %dma_start3A_58 = tpu.memref_squeeze %dma_start3A_57 : memref<1x1536xf32, #tpu.memory_space<hbm>> -> memref<1536xf32, #tpu.memory_space<hbm>>
      %dma_start3A_59 = arith.constant 0 : i32
      %dma_start3A_60 = tpu.memref_slice %arg3[%add3A, %dma_start3A_59] : memref<32x1536xf32, #tpu.memory_space<hbm>> -> memref<1x1536xf32, #tpu.memory_space<hbm>>
      %dma_start3A_61 = tpu.memref_squeeze %dma_start3A_60 : memref<1x1536xf32, #tpu.memory_space<hbm>> -> memref<1536xf32, #tpu.memory_space<hbm>>
      tpu.enqueue_dma source(%arg9 : memref<1536xf32, #tpu.memory_space<vmem>>) target(%dma_start3A_61 : memref<1536xf32, #tpu.memory_space<hbm>>) target_semaphore(%run_scoped3A : memref<!tpu.dma_semaphore, #tpu.memory_space<semaphore_mem>>)
      %dma_wait3A = arith.constant 0 : i32
      %dma_wait3A_62 = tpu.memref_slice %arg3[%add3A, %dma_wait3A] : memref<32x1536xf32, #tpu.memory_space<hbm>> -> memref<1x1536xf32, #tpu.memory_space<hbm>>
      %dma_wait3A_63 = tpu.memref_squeeze %dma_wait3A_62 : memref<1x1536xf32, #tpu.memory_space<hbm>> -> memref<1536xf32, #tpu.memory_space<hbm>>
      %dma_wait3A_64 = arith.constant 0 : i32
      %dma_wait3A_65 = tpu.memref_slice %arg3[%add3A, %dma_wait3A_64] : memref<32x1536xf32, #tpu.memory_space<hbm>> -> memref<1x1536xf32, #tpu.memory_space<hbm>>
      %dma_wait3A_66 = tpu.memref_squeeze %dma_wait3A_65 : memref<1x1536xf32, #tpu.memory_space<hbm>> -> memref<1536xf32, #tpu.memory_space<hbm>>
      tpu.wait_dma2 semaphore(%run_scoped3A : memref<!tpu.dma_semaphore, #tpu.memory_space<semaphore_mem>>) src(%arg9 : memref<1536xf32, #tpu.memory_space<vmem>>) dst(%dma_wait3A_66 : memref<1536xf32, #tpu.memory_space<hbm>>)
      tpu.yield
    }) : () -> ()
    return
  }
}

module attributes {stable_mosaic.version = 14 : i64} {
  func.func @_finish_body(%arg0: memref<32x1536xf32, #tpu.memory_space<vmem>>, %arg1: memref<1x1536xf32, #tpu.memory_space<vmem>>) attributes {dimension_semantics = [], scalar_prefetch = 0 : i64, scratch_operands = 0 : i64, tpu.core_type = #tpu.core_type<tc>} {
    %get3A = arith.constant 0 : index
    %get3A_0 = arith.constant 0 : index
    %get3A_1 = vector.load %arg0[%get3A, %get3A_0] : memref<32x1536xf32, #tpu.memory_space<vmem>>, vector<32x1536xf32>
    %reduce_sum3A = arith.constant dense<0.000000e+00> : vector<1536xf32>
    %reduce_sum3A_2 = vector.multi_reduction <add>, %get3A_1, %reduce_sum3A [0] : vector<32x1536xf32> to vector<1536xf32>
    %broadcast_in_dim3A = vector.shape_cast %reduce_sum3A_2 : vector<1536xf32> to vector<1x1536xf32>
    %reduce_sum3A_3 = vector.shape_cast %broadcast_in_dim3A : vector<1x1536xf32> to vector<1x1x1536xf32>
    %reduce_sum3A_4 = arith.constant dense<0.000000e+00> : vector<1xf32>
    %reduce_sum3A_5 = vector.multi_reduction <add>, %reduce_sum3A_3, %reduce_sum3A_4 [1, 2] : vector<1x1x1536xf32> to vector<1xf32>
    %reduce_sum3A_6 = vector.shape_cast %reduce_sum3A_5 : vector<1xf32> to vector<1x1x1xf32>
    %reduce_sum3A_7 = vector.extract %reduce_sum3A_6[0, 0, 0] : f32 from vector<1x1x1xf32>
    %gt3A = arith.constant 0.000000e+00 : f32
    %gt3A_8 = arith.cmpf ogt, %reduce_sum3A_7, %gt3A : f32
    %div3A = vector.broadcast %reduce_sum3A_7 : f32 to vector<1x1536xf32>
    %div3A_9 = arith.divf %broadcast_in_dim3A, %div3A : vector<1x1536xf32>
    %select_n3A = arith.select %gt3A_8, %div3A_9, %broadcast_in_dim3A : vector<1x1536xf32>
    %swap3A = arith.constant 0 : index
    %swap3A_10 = arith.constant 0 : index
    %swap3A_11 = vector.load %arg1[%swap3A, %swap3A_10] : memref<1x1536xf32, #tpu.memory_space<vmem>>, vector<1x1536xf32>
    tpu.vector_store %arg1[%swap3A, %swap3A_10], %select_n3A {strides = array<i32>} : memref<1x1536xf32, #tpu.memory_space<vmem>>, vector<1x1536xf32>,
    return
  }
}

</mosaic_0001>

<sc_bundles>
// kernel: kernel.4.cloned.1.call-start
scs
__scs_entry_jumppad:
0x0: {  	(pc) =	sbr.rel $0x88, $3  }
0x1: {  	(tag) =	ssettag $0x0;
	lr =	simm.s32 $0x1  }
0x2: {  	[smem:$0x3FA0] =	sst lr;
	_ =	strace $0xD0000000  }
0x3: {  	_ = 	snop  }
0x4: {  	_ = 	snop  }
0x5: {  	_ = 	snop  }
0x6: {  	_ = 	snop  }
0x7: {  	_ = 	snop  }
__scs_overlays_trampoline_lowered:
0x8: {  	[smem:$0x3FAF] =	sst s0  }
0x9: {  	[smem:$0x3FB0] =	sst s1  }
0xa: {  	[smem:$0x3FB1] =	sst s2  }
0xb: {  	[smem:$0x3FB2] =	sst s3  }
0xc: {  	[smem:$0x3FB3] =	sst s4  }
0xd: {  	[smem:$0x3FB4] =	sst s5  }
0xe: {  	[smem:$0x3FB5] =	sst s6  }
0xf: {  	[smem:$0x3FB6] =	sst s7  }
0x10: {  	[smem:$0x3FB7] =	sst s8  }
0x11: {  	[smem:$0x3FB8] =	sst s9;
	s0 =	simm.s32 @!p0 $0x0  }
0x12: {  	s1 =	sld [smem:$0x3F9E];
	s0 =	simm.s32 @p0 $0x1  }
0x13: {  	[smem:$0x3FB9] =	sst s0;
	s0 =	simm.s32 @!p1 $0x0  }
0x14: {  	s2 =	sld [smem:$0x3F9D];
	s0 =	simm.s32 @p1 $0x1  }
0x15: {  	[smem:$0x3FBA] =	sst s0;
	s0 =	simm.s32 @!p2 $0x0  }
0x16: {  	s3 =	sld [smem:$0x3FDB];
	s0 =	simm.s32 @p2 $0x1  }
0x17: {  	s4 =	simm.s32 $0x1BF5;
	[smem:$0x3FBC] =	sst s0  }
0x18: {  	s0 =	sld [smem:$0x3F9F];
	_ =	swait.ge [sflag:s4], $0x0  }
0x19: {  	s7 =	sld [smem:$0x3FA0]  }
0x1a: {  	s8 =	sadd.s32 $0xFFFFE003, lr  }
0x1b: {  	s9 =	sadd.s32 $0xFFFFFEF7, lr;
	s5 =	simm.s32 $0xFFFFFFFF;
	p2 =	slt.u32 s8, $0xFFFFF086  }
0x1c: {  	p1 =	slt.u32 s9, $0xF7A;
	s5 =	simm.s32 @!p2 $0x0  }
0x1d: {  	s5 =	simm.s32 @p1 $0x1;
	p0 =	seq.s32 s7, s2  }
0x1e: {  	s7 =	smul.u32 @!p0 $0xF7A, s2;
	p2 =	seq.s32 @!p0 s5, $0x0  }
0x1f: {  	s9 =	smul.u32 $0xF7A, s1;
	s8 =	simm.s32 @!p0 $0x1BF5;
	p2 =	por !p2, p0  }
0x20: {  	[sflag:s8] =	ssyncset.s32 @!p0 $0xFFFFF086;
	s6 =	sadd.s32 @!p0 s3, s7;
	s7 =	simm.s32 @!p0 $0x108  }
0x21: {  	s3 =	sadd.s32 s3, s9;
	s6 =	sadd.s32 @!p0 $0x88, s6;
	s7 =	simm.s32 @p2 $0x1082  }
0x22: {  	[simem:s7], [sflag:s8] =	dma.local @!p0 [hbm:s6], $0xF7A  }
0x23: {  	s9 =	sor.u32 $0xD0000000, s2;
	s6 =	simm.s32 $0x108;
	_ =	swait.ge @!p0 [sflag:s8], $0x0  }
0x24: {  	s3 =	sadd.s32 $0x88, s3;
	s6 =	simm.s32 @!p1 $0x1082;
	[sflag:s4] =	ssyncset.s32 $0xFFFFF086  }
0x25: {  	[simem:s6], [sflag:s4] =	dma.local [hbm:s3], $0xF7A  }
0x26: {  	[smem:$0x3FA0] =	sst s1;
	(tag) =	ssettag s2;
	_ =	strace s9  }
0x27: {  	s1 =	sld [smem:$0x3FB0]  }
0x28: {  	s2 =	sld [smem:$0x3FB1]  }
0x29: {  	s4 =	sld [smem:$0x3FB3]  }
0x2a: {  	p0 =	seq.s32 s5, $0x0;
	s5 =	sld [smem:$0x3FB4]  }
0x2b: {  	s6 =	sld [smem:$0x3FB5]  }
0x2c: {  	s7 =	sld [smem:$0x3FB6]  }
0x2d: {  	s3 =	simm.s32 $0x108;
	s8 =	sld [smem:$0x3FB7]  }
0x2e: {  	s3 =	simm.s32 @!p0 $0x1082;
	s9 =	sld [smem:$0x3FB8]  }
0x2f: {  	lr =	sadd.s32 s0, s3;
	s0 =	sld [smem:$0x3FAF]  }
0x30: {  	s3 =	sld [smem:$0x3FB2]  }
0x31: {  	[smem:$0x3FBB] =	sst s10  }
0x32: {  	s10 =	sld [smem:$0x3FB9];
	_ =	sdelay $0x3  }
0x33: {  	p0 =	seq.s32 s10, $0x1;
	s10 =	sld [smem:$0x3FBB];
	_ =	sdelay $0x3  }
0x34: {  	[smem:$0x3FBB] =	sst s10  }
0x35: {  	s10 =	sld [smem:$0x3FBA];
	_ =	sdelay $0x3  }
0x36: {  	p1 =	seq.s32 s10, $0x1;
	s10 =	sld [smem:$0x3FBB];
	_ =	sdelay $0x3  }
0x37: {  	[smem:$0x3FBB] =	sst s10  }
0x38: {  	s10 =	sld [smem:$0x3FBC]  }
0x39: {  	_ = 	snop;
	(pc) =	sbr.ind lr, $3  }
0x3a: {  	_ = 	snop  }
0x3b: {  	_ = 	snop  }
0x3c: {  	p2 =	seq.s32 s10, $0x1;
	s10 =	sld [smem:$0x3FBB]  }
0x3d: {  	_ =	shalt  }
0x3e: {  	_ =	shalt  }
0x3f: {  	_ =	shalt  }
0x40: {  	_ =	shalt  }
0x41: {  	_ =	shalt  }
0x42: {  	_ =	shalt  }
0x43: {  	_ =	shalt  }
0x44: {  	_ =	shalt  }
0x45: {  	_ =	shalt  }
0x46: {  	_ =	shalt  }
0x47: {  	_ =	shalt  }
0x48: {  	_ =	shalt  }
0x49: {  	_ =	shalt  }
0x4a: {  	_ =	shalt  }
0x4b: {  	_ =	shalt  }
0x4c: {  	_ =	shalt  }
0x4d: {  	_ =	shalt  }
0x4e: {  	_ =	shalt  }
0x4f: {  	_ =	shalt  }
0x50: {  	_ =	shalt  }
0x51: {  	_ =	shalt  }
0x52: {  	_ =	shalt  }
0x53: {  	_ =	shalt  }
0x54: {  	_ =	shalt  }
0x55: {  	_ =	shalt  }
0x56: {  	_ =	shalt  }
0x57: {  	_ =	shalt  }
0x58: {  	_ =	shalt  }
0x59: {  	_ =	shalt  }
0x5a: {  	_ =	shalt  }
0x5b: {  	_ =	shalt  }
0x5c: {  	_ =	shalt  }
0x5d: {  	_ =	shalt  }
0x5e: {  	_ =	shalt  }
0x5f: {  	_ =	shalt  }
0x60: {  	_ =	shalt  }
0x61: {  	_ =	shalt  }
0x62: {  	_ =	shalt  }
0x63: {  	_ =	shalt  }
0x64: {  	_ =	shalt  }
0x65: {  	_ =	shalt  }
0x66: {  	_ =	shalt  }
0x67: {  	_ =	shalt  }
0x68: {  	_ =	shalt  }
0x69: {  	_ =	shalt  }
0x6a: {  	_ =	shalt  }
0x6b: {  	_ =	shalt  }
0x6c: {  	_ =	shalt  }
0x6d: {  	_ =	shalt  }
0x6e: {  	_ =	shalt  }
0x6f: {  	_ =	shalt  }
0x70: {  	_ =	shalt  }
0x71: {  	_ =	shalt  }
0x72: {  	_ =	shalt  }
0x73: {  	_ =	shalt  }
0x74: {  	_ =	shalt  }
0x75: {  	_ =	shalt  }
0x76: {  	_ =	shalt  }
0x77: {  	_ =	shalt  }
0x78: {  	_ =	shalt  }
0x79: {  	_ =	shalt  }
0x7a: {  	_ =	shalt  }
0x7b: {  	_ =	shalt  }
0x7c: {  	_ =	shalt  }
0x7d: {  	_ =	shalt  }
0x7e: {  	_ =	shalt  }
0x7f: {  	_ =	shalt  }
0x80: {  	_ =	shalt  }
0x81: {  	_ =	shalt  }
0x82: {  	_ =	shalt  }
0x83: {  	_ =	shalt  }
0x84: {  	_ =	shalt  }
0x85: {  	_ =	shalt  }
0x86: {  	_ =	shalt  }
0x87: {  	_ =	shalt  }
.Lfunc_end0:
.L_simem_size_0:
called_computation_lowered:
.L_overlay_start_0:
0x88: {  	s2 =	sld [smem:$0x3FD9]  }
0x89: {  	s3 =	sld [smem:$0x3FFE];
	_ =	sdelay $0x1  }
0x8a: {  	s1 =	srdreg.scid  }
0x8b: {  	s0 =	sand.u32 $0x1, s1  }
0x8c: {  	s17 =	sshll.u32 s0, $0xA;
	s2 =	sadd.s32 s3, s2  }
0x8d: {  	s2 =	sadd.s32 s2, s17  }
0x8e: {  	[smem:$0x3FC7] =	sst s2  }
0x8f: {  	_ = 	snop  }
0x90: {  	s2 =	sld [smem:$0x3FC9];
	(tm) =	ssettm $0x1  }
0x91: {  	s18 =	sld [smem:$0x3FFB];
	_ =	sdelay $0x3  }
0x92: {  	_ =	strace s18  }
0x93: {  	s3 =	sld [smem:$0x3FFC];
	_ =	sdelay $0x3  }
0x94: {  	_ =	strace s3  }
0x95: {  	s3 =	sld [smem:$0x3FFD];
	_ =	sdelay $0x3  }
0x96: {  	_ =	strace s3  }
0x97: {  	_ =	strace $0x8FFFFFFF  }
0x98: {  	s19 =	sld [smem:$0x3FDB];
	_ =	sdelay $0x1  }
0x99: {  	s4 =	simm.s32 $_scs_section_size  }
0x9a: {  	s5 =	simm.s32 $_size__tile_overlayer_lowered;
	s6 =	simm.s32 $_tile_overlayer_lowered  }
0x9b: {  	s22 =	simm.s32 $0x1BFF;
	s21 =	sshll.u32 s6, $0x1;
	s3 =	sadd.s32 s4, s19  }
0x9c: {  	s7 =	simm.s32 $0x0;
	s20 =	sshll.u32 s5, $0x1;
	s5 =	sadd.s32 s21, s3  }
0x9d: {  	[timem:s7], [sflag:s22] =	dma.local [hbm:s5], s20  }
0x9e: {  	_ =	swait.ge [sflag:s22], s20  }
0x9f: {  	s4 =	ssub.s32 $0x0, s20;
	[sflag:s22] =	ssyncset.done $0x0  }
0xa0: {  	[sflag:s22] =	ssyncadd.s32 s4;
	_ =	sdelay $0x1  }
0xa1: {  	s23 =	simm.s32 $0x1B8B  }
0xa2: {  	_ =	swait.ge [sflag:s23], $0x1  }
0xa3: {  	[sflag:s23] =	ssyncset.done $0x0  }
0xa4: {  	s25 =	simm.s32 $0x1B8E;
	s24 =	sld [smem:$0x3FFE];
	[sflag:s23] =	ssyncadd.s32 $0xFFFFFFFF  }
0xa5: {  	s26 =	simm.s32 $execute0_lowered;
	[smem:$0x3FD2] =	sst s25  }
0xa6: {  	s5 =	sshll.u32 s26, $0x1;
	_ =	strace $0x80000046;
	[dreg:$0x1] =	wrdreg $0xFFFFFFFF  }
0xa7: {  	s28 =	simm.s32 $_size_execute0_lowered;
	s3 =	sadd.s32 s3, s5;
	[dreg:$0x0] =	wrdreg $0x0  }
0xa8: {  	s5 =	sshll.u32 s28, $0x1;
	[dreg:$0x2] =	wrdreg s3  }
0xa9: {  	[dreg:$0x3] =	wrdreg s5  }
0xaa: {  	[dreg:$0x4] =	wrdreg $0xC0  }
0xab: {  	_ =	task [dreg:s7], $0x5FFFF  }
0xac: {  	[dreg:$0x1] =	wrdreg $0xFFFFFFFF  }
0xad: {  	[dreg:$0x0] =	wrdreg $0x60  }
0xae: {  	[dreg:$0x2] =	wrdreg s2  }
0xaf: {  	[dreg:$0x3] =	wrdreg s24  }
0xb0: {  	[dreg:$0x4] =	wrdreg $0x9  }
0xb1: {  	_ =	task.clear_ibuf [dreg:s7], $0x5FFFF;
	_ =	strace $0x90000046  }
0xb2: {  	s29 =	simm.s32 $0x9;
	_ =	strace $0x80000048  }
0xb3: {  	_ =	swait.ge [sflag:s29], $0x1  }
0xb4: {  	[sflag:s29] =	ssyncadd.s32 $0xFFFFFFFF  }
0xb5: {  	_ =	strace $0x90000048  }
0xb6: {  	_ =	sfence  }
0xb7: {  	s30 =	sld [smem:$0x0];
	_ =	sdelay $0x2  }
0xb8: {  	s31 =	sshll.u32 s1, $0xD;
	s1 =	sshrl.u32 s1, $0x2  }
0xb9: {  	s3 =	sand.u32 $0x4000, s31;
	s1 =	sadd.s32 s1, s30  }
0xba: {  	s0 =	sor.u32 s3, s0;
	s1 =	sshll.u32 s1, $0x11  }
0xbb: {  	s0 =	sor.u32 s1, s0  }
0xbc: {  	s0 =	sadd.s32 $0x8F2B, s0  }
0xbd: {  	[sflag:s0] =	ssyncadd.remote.s32 $0x1  }
0xbe: {  	_ =	sfence.sel $0xFFFF  }
0xbf: {  	[dreg:$0x0] =	wrdreg $0xFFFFFFFF;
	(pc) =	sbr.abs _section_cstart, $3  }
0xc0: {  	[dreg:$0x1] =	wrdreg $0xFFFFFFFF  }
0xc1: {  	_ =	task.clear_ibuf [dreg:s7], $0x2FFFF;
	_ =	strace $0x9FFFFFFF  }
0xc2: {  	(tm) =	ssettm $0x7FFFFFFF  }
0xc3: {  	_ =	shalt  }
tec
execute0_lowered:
.L_overlay_start_1:
0x0: {  	(tag) =	ssettag $0x1  }
0x1: {  	s0 =	srdreg.scid  }
0x2: {  	s3 =	stileid.u32;
	s2 =	rddreg [dreg:$0x0]  }
0x3: {  	s4 =	rddreg [dreg:$0x1];
	s13 =	simm.s32 $0x100;
	s14 =	simm.s32 $0x200  }
0x4: {  	s15 =	simm.s32 $0x80;
	s17 =	simm.s32 $0x8000;
	s18 =	simm.s32 $0x14000  }
0x5: {  	s19 =	simm.s32 $0x1;
	s20 =	simm.s32 $0x3;
	s21 =	simm.s32 $0x18000  }
0x6: {  	s22 =	simm.s32 $0x2;
	s23 =	simm.s32 $0x4;
	s26 =	simm.s32 $0x5  }
0x7: {  	s0 =	sand.u32 $0x1, s0;
	s1 =	sshll.u32 s3, $0x1;
	s3 =	sshrl.u32 s3, $0x2  }
0x8: {  	s1 =	sor.u32 s0, s1;
	s5 =	smul.u32 $0x3000, s3;
	s3 =	simm.s32 $0x0  }
0x9: {  	s0 =	ssub.s32 $0x2, s0;
	s6 =	sshll.u32 s1, $0x7;
	[smem:$0x7FF] =	sst s3  }
0xa: {  	s30 =	sshrl.u32 s0, $0x1;
	s31 =	sshll.u32 s1, $0x11;
	s6 =	sand.u32 $0x380, s6  }
0xb: {  	s1 =	sshll.u32 s1, $0x14;
	_ =	strace $0x80000047;
	s5 =	sor.u32 s5, s6  }
0xc: {  	v0 =	vlaneseq.u32;
	s0 =	ssub.s32 s0, s30;
	s9 =	sor.u32 $0x20000, s1;
	s5 =	sshrl.u32 s5, $0x3  }
0xd: {  	v0 =	vmul.u32 $0x600, v0;
	s10 =	sor.u32 $0x30000, s1;
	s11 =	sadd.s32 s5, s4;
	s5 =	sadd.s32 $0x30, s2  }
0xe: {  	s12 =	smax.u32 s0, $0x1;
	s4 =	sadd.s32 s2, s31;
	s6 =	sadd.s32 s31, s5  }
0xf: {  	v1 =	vimm.f32 $0.0e+00;
	v3 =	vimm.f32 $1.000000000e+00;
	v2 =	vadd.s32 $0x300, v0;
	s7 =	sadd.s32 $0x2000, s4;
	s8 =	sadd.s32 $0x2030, s4;
	s11 =	sadd.s32 $0x200, s11  }
.LBB2_1:
0x10: {  	s0 =	simm.s32 $0x40;
	s1 =	simm.s32 $0x0  }
.LBB2_2:
0x11: {  	p0 =	sne.s32 s0, $0x17FC0;
	[tilespmem:s1+$0x18000] =	vst v1;
	s1 =	smov.u32 s0;
	s0 =	sadd.s32 $0x40, s0  }
.Ltmp0:
0x12: {  	(pc) =	sbr.rel @p0 .LBB2_2-.Ltmp0, $2  }
0x13: {  	_ =	sdelay $0x2  }
0x14: {  	s1 =	sshra.s32 s1, $0x2  }
0x15: {  	[tilespmem:s1+$0x18000] =	vst v1;
	s28 =	simm.s32 $0x0  }
0x16: {  	[tilespmem:s28], [sflag:$0x1] =	stream.strided.gather [hbm4b:s4+s13], $0x8000, s14, s13, $0x38;
	[tilespmem:$0x1E600] =	vst v63  }
0x17: {  	s0 =	simm.s32 $0x10000  }
0x18: {  	[tilespmem:s0], [sflag:$0x3] =	stream.strided.gather [hbm4b:s6+s15], $0x4000, s14, s15, $0x38;
	[tilespmem:$0x1E600] =	vst v63  }
0x19: {  	_ = 	snop  }
0x1a: {  	[tilespmem:s17], [sflag:$0x2] =	stream.strided.gather [hbm4b:s7+s13], $0x8000, s14, s13, $0x38;
	[tilespmem:$0x1E600] =	vst v63  }
0x1b: {  	_ = 	snop  }
0x1c: {  	[tilespmem:s18], [sflag:$0x4] =	stream.strided.gather [hbm4b:s8+s15], $0x4000, s14, s15, $0x38;
	[tilespmem:$0x1E600] =	vst v63  }
.LBB2_4:
0x1d: {  	_ =	swait.ge [sflag:s19], $0x8000  }
0x1e: {  	[sflag:s19] =	ssyncset.done $0x0  }
0x1f: {  	[sflag:s19] =	ssyncadd.s32 $0xFFFF8000  }
0x20: {  	_ =	swait.ge [sflag:s20], $0x4000  }
0x21: {  	[sflag:s20] =	ssyncset.done $0x0  }
0x22: {  	s24 =	simm.s32 $0x100;
	[sflag:s20] =	ssyncadd.s32 $0xFFFFC000  }
0x23: {  	v4 =	vld [tilespmem:s24+$0x0]  }
0x24: {  	v5 =	vld [tilespmem:s24+$0x80];
	_ =	sdelay $0x3  }
0x25: {  	s16 =	simm.s32 $0x10080  }
0x26: {  	v6 =	vld [tilespmem:s16+$0x0];
	v4 =	vmul.f32 $5.000000070e-02, v4;
	v5 =	vmul.f32 $5.000000070e-02, v5;
	_ =	sdelay $0x1  }
0x27: {  	v4 =	vtrunc.f32 v4;
	v5 =	vtrunc.f32 v5  }
0x28: {  	v4 =	vcvt.f32.s32 v4;
	v5 =	vcvt.f32.s32 v5;
	_ =	sdelay $0x1  }
0x29: {  	vm1 =	vgt.f32 v6, $0.0e+00;
	vm0 =	vlt.s32 v4, $0x1F;
	vm2 =	vlt.s32 v5, $0x17  }
0x2a: {  	v6 =	vsel vm1, v0, v2;
	v4 =	vnsel vm0, $0x1F, v4;
	v5 =	vnsel vm2, $0x17, v5  }
0x2b: {  	v7 =	vld [tilespmem:s24+$0xFFFFFF80];
	v5 =	vshll.u32 v5, $0x5;
	v4 =	vadd.s32 v4, v6  }
0x2c: {  	v6 =	vld [tilespmem:s24+$0xFFFFFF00];
	v4 =	vadd.s32 v5, v4;
	_ =	sdelay $0x3  }
0x2d: {  	v5 =	vmul.f32 $5.000000070e-02, v7;
	v7 =	vld [tilespmem:s16+$0xFFFFFF80]  }
0x2e: {  	v6 =	vmul.f32 $5.000000070e-02, v6;
	[tilespmem:v4+s21+$0x0] =	vst.idx.add.f32.msk $0xffff, v3  }
0x2f: {  	v4 =	vtrunc.f32 v5;
	v5 =	vld [tilespmem:s24+$0x10]  }
0x30: {  	v4 =	vcvt.f32.s32 v4;
	v6 =	vtrunc.f32 v6;
	v8 =	vld [tilespmem:s24+$0x90]  }
0x31: {  	v6 =	vcvt.f32.s32 v6  }
0x32: {  	vm11 =	vlt.s32 v4, $0x17  }
0x33: {  	vm12 =	vgt.f32 v7, $0.0e+00;
	v4 =	vnsel vm11, $0x17, v4;
	vm13 =	vlt.s32 v6, $0x1F  }
0x34: {  	v7 =	vsel vm12, v0, v2;
	v4 =	vshll.u32 v4, $0x5;
	v6 =	vnsel vm13, $0x1F, v6  }
0x35: {  	v6 =	vadd.s32 v6, v7;
	v7 =	vld [tilespmem:s16+$0x10];
	v5 =	vmul.f32 $5.000000070e-02, v5;
	v8 =	vmul.f32 $5.000000070e-02, v8  }
0x36: {  	v4 =	vadd.s32 v4, v6  }
0x37: {  	v5 =	vtrunc.f32 v5;
	v6 =	vtrunc.f32 v8  }
0x38: {  	v5 =	vcvt.f32.s32 v5;
	v6 =	vcvt.f32.s32 v6;
	_ =	sdelay $0x1  }
0x39: {  	vm14 =	vlt.s32 v5, $0x1F;
	vm15 =	vlt.s32 v6, $0x17;
	vm4 =	vgt.f32 v7, $0.0e+00  }
0x3a: {  	[tilespmem:v4+s21+$0x0] =	vst.idx.add.f32.msk $0xffff, v3;
	v4 =	vnsel vm15, $0x17, v6;
	v5 =	vnsel vm14, $0x1F, v5;
	v6 =	vsel vm4, v0, v2  }
0x3b: {  	v7 =	vld [tilespmem:s24+$0xFFFFFF10];
	v4 =	vshll.u32 v4, $0x5;
	v5 =	vadd.s32 v5, v6  }
0x3c: {  	v6 =	vld [tilespmem:s24+$0xFFFFFF90];
	v4 =	vadd.s32 v4, v5;
	_ =	sdelay $0x3  }
0x3d: {  	v5 =	vld [tilespmem:s16+$0xFFFFFF90];
	v7 =	vmul.f32 $5.000000070e-02, v7  }
0x3e: {  	v6 =	vmul.f32 $5.000000070e-02, v6;
	[tilespmem:v4+s21+$0x0] =	vst.idx.add.f32.msk $0xffff, v3  }
0x3f: {  	v4 =	vtrunc.f32 v7;
	v7 =	vld [tilespmem:s24+$0x20]  }
0x40: {  	v6 =	vtrunc.f32 v6;
	v8 =	vld [tilespmem:s24+$0xA0];
	v4 =	vcvt.f32.s32 v4  }
0x41: {  	v6 =	vcvt.f32.s32 v6  }
0x42: {  	vm5 =	vgt.f32 v5, $0.0e+00;
	vm6 =	vlt.s32 v4, $0x1F  }
0x43: {  	v5 =	vsel vm5, v0, v2;
	vm7 =	vlt.s32 v6, $0x17;
	v4 =	vnsel vm6, $0x1F, v4  }
0x44: {  	v6 =	vnsel vm7, $0x17, v6;
	v4 =	vadd.s32 v4, v5  }
0x45: {  	v5 =	vld [tilespmem:s16+$0x20];
	v6 =	vshll.u32 v6, $0x5;
	v7 =	vmul.f32 $5.000000070e-02, v7;
	v8 =	vmul.f32 $5.000000070e-02, v8  }
0x46: {  	v4 =	vadd.s32 v6, v4  }
0x47: {  	v6 =	vtrunc.f32 v7;
	v7 =	vtrunc.f32 v8  }
0x48: {  	v6 =	vcvt.f32.s32 v6;
	v7 =	vcvt.f32.s32 v7;
	_ =	sdelay $0x1  }
0x49: {  	vm8 =	vlt.s32 v6, $0x1F;
	vm9 =	vgt.f32 v5, $0.0e+00;
	vm10 =	vlt.s32 v7, $0x17  }
0x4a: {  	[tilespmem:v4+s21+$0x0] =	vst.idx.add.f32.msk $0xffff, v3;
	v4 =	vnsel vm8, $0x1F, v6;
	v5 =	vnsel vm10, $0x17, v7;
	v6 =	vsel vm9, v0, v2  }
0x4b: {  	v7 =	vld [tilespmem:s24+$0xFFFFFF20];
	v5 =	vshll.u32 v5, $0x5;
	v4 =	vadd.s32 v4, v6  }
0x4c: {  	v6 =	vld [tilespmem:s24+$0xFFFFFFA0];
	v4 =	vadd.s32 v5, v4;
	_ =	sdelay $0x3  }
0x4d: {  	v5 =	vld [tilespmem:s16+$0xFFFFFFA0];
	v7 =	vmul.f32 $5.000000070e-02, v7  }
0x4e: {  	v6 =	vmul.f32 $5.000000070e-02, v6;
	[tilespmem:v4+s21+$0x0] =	vst.idx.add.f32.msk $0xffff, v3  }
0x4f: {  	v4 =	vtrunc.f32 v7;
	v7 =	vld [tilespmem:s24+$0x30]  }
0x50: {  	v6 =	vtrunc.f32 v6;
	v8 =	vld [tilespmem:s24+$0xB0];
	v4 =	vcvt.f32.s32 v4  }
0x51: {  	v6 =	vcvt.f32.s32 v6  }
0x52: {  	vm11 =	vgt.f32 v5, $0.0e+00;
	vm12 =	vlt.s32 v4, $0x1F  }
0x53: {  	v5 =	vsel vm11, v0, v2;
	vm13 =	vlt.s32 v6, $0x17;
	v4 =	vnsel vm12, $0x1F, v4  }
0x54: {  	v6 =	vnsel vm13, $0x17, v6;
	v4 =	vadd.s32 v4, v5  }
0x55: {  	v5 =	vld [tilespmem:s16+$0x30];
	v6 =	vshll.u32 v6, $0x5;
	v7 =	vmul.f32 $5.000000070e-02, v7;
	v8 =	vmul.f32 $5.000000070e-02, v8  }
0x56: {  	v4 =	vadd.s32 v6, v4  }
0x57: {  	v6 =	vtrunc.f32 v7;
	v7 =	vtrunc.f32 v8  }
0x58: {  	v6 =	vcvt.f32.s32 v6;
	v7 =	vcvt.f32.s32 v7;
	_ =	sdelay $0x1  }
0x59: {  	vm14 =	vgt.f32 v5, $0.0e+00;
	vm15 =	vlt.s32 v6, $0x1F;
	vm4 =	vlt.s32 v7, $0x17  }
0x5a: {  	[tilespmem:v4+s21+$0x0] =	vst.idx.add.f32.msk $0xffff, v3;
	v4 =	vsel vm14, v0, v2;
	v5 =	vnsel vm15, $0x1F, v6;
	v6 =	vnsel vm4, $0x17, v7  }
0x5b: {  	s0 =	simm.s32 $0x300;
	v7 =	vld [tilespmem:s24+$0xFFFFFF30];
	v6 =	vshll.u32 v6, $0x5;
	v4 =	vadd.s32 v5, v4  }
0x5c: {  	v5 =	vld [tilespmem:s0+$0x0];
	v4 =	vadd.s32 v6, v4  }
0x5d: {  	v6 =	vld [tilespmem:s0+$0x80]  }
0x5e: {  	s1 =	simm.s32 $0x10180;
	v8 =	vld [tilespmem:s0+$0xFFFFFF80]  }
0x5f: {  	v10 =	vld [tilespmem:s1+$0x0]  }
0x60: {  	v12 =	vld [tilespmem:s0+$0xFFFFFF00]  }
0x61: {  	[tilespmem:v4+s21+$0x0] =	vst.idx.add.f32.msk $0xffff, v3;
	v4 =	vmul.f32 $5.000000070e-02, v5  }
0x62: {  	v5 =	vmul.f32 $5.000000070e-02, v7;
	v6 =	vmul.f32 $5.000000070e-02, v6;
	v7 =	vld [tilespmem:s24+$0x40]  }
0x63: {  	v8 =	vmul.f32 $5.000000070e-02, v8;
	v11 =	vld [tilespmem:s24+$0xC0];
	v4 =	vtrunc.f32 v4  }
0x64: {  	v9 =	vld [tilespmem:s24+$0xFFFFFFB0];
	v6 =	vtrunc.f32 v6;
	v4 =	vcvt.f32.s32 v4  }
0x65: {  	v12 =	vmul.f32 $5.000000070e-02, v12;
	vm6 =	vgt.f32 v10, $0.0e+00;
	v6 =	vcvt.f32.s32 v6  }
0x66: {  	v10 =	vsel vm6, v0, v2;
	v8 =	vtrunc.f32 v8;
	vm5 =	vlt.s32 v4, $0x1F  }
0x67: {  	v8 =	vcvt.f32.s32 v8;
	v13 =	vld [tilespmem:s16+$0x40];
	vm7 =	vlt.s32 v6, $0x17;
	v4 =	vnsel vm5, $0x1F, v4  }
0x68: {  	v6 =	vnsel vm7, $0x17, v6;
	v7 =	vmul.f32 $5.000000070e-02, v7;
	v11 =	vmul.f32 $5.000000070e-02, v11  }
0x69: {  	v9 =	vmul.f32 $5.000000070e-02, v9;
	v6 =	vshll.u32 v6, $0x5;
	v4 =	vadd.s32 v4, v10  }
0x6a: {  	v4 =	vadd.s32 v6, v4;
	v6 =	vtrunc.f32 v7;
	v7 =	vtrunc.f32 v11  }
0x6b: {  	v10 =	vld [tilespmem:s1+$0xFFFFFF80];
	v6 =	vcvt.f32.s32 v6;
	v7 =	vcvt.f32.s32 v7  }
0x6c: {  	vm11 =	vlt.s32 v8, $0x17;
	vm10 =	vgt.f32 v13, $0.0e+00;
	v11 =	vtrunc.f32 v12  }
0x6d: {  	v11 =	vcvt.f32.s32 v11;
	vm8 =	vlt.s32 v6, $0x1F;
	vm9 =	vlt.s32 v7, $0x17  }
0x6e: {  	v13 =	vsel vm10, v0, v2;
	v12 =	vld [tilespmem:s16+$0xFFFFFFB0];
	v6 =	vnsel vm8, $0x1F, v6;
	v7 =	vnsel vm9, $0x17, v7  }
0x6f: {  	vm13 =	vlt.s32 v11, $0x1F;
	[tilespmem:v4+s21+$0x0] =	vst.idx.add.f32.msk $0xffff, v3;
	v4 =	vshll.u32 v7, $0x5;
	v6 =	vadd.s32 v6, v13  }
0x70: {  	vm12 =	vgt.f32 v10, $0.0e+00;
	v7 =	vtrunc.f32 v9;
	v9 =	vld [tilespmem:s0+$0x10];
	v4 =	vadd.s32 v4, v6  }
0x71: {  	v8 =	vnsel vm11, $0x17, v8;
	v11 =	vnsel vm13, $0x1F, v11;
	v10 =	vsel vm12, v0, v2;
	v6 =	vld [tilespmem:s0+$0x90]  }
0x72: {  	v8 =	vshll.u32 v8, $0x5;
	v5 =	vtrunc.f32 v5;
	v10 =	vadd.s32 v11, v10  }
0x73: {  	v5 =	vcvt.f32.s32 v5;
	v8 =	vadd.s32 v8, v10  }
0x74: {  	v7 =	vcvt.f32.s32 v7;
	v10 =	vld [tilespmem:s1+$0x10]  }
0x75: {  	vm4 =	vlt.s32 v5, $0x1F;
	vm14 =	vgt.f32 v12, $0.0e+00;
	[tilespmem:v4+s21+$0x0] =	vst.idx.add.f32.msk $0xffff, v3  }
0x76: {  	vm15 =	vlt.s32 v7, $0x17;
	v4 =	vmul.f32 $5.000000070e-02, v9;
	v6 =	vmul.f32 $5.000000070e-02, v6;
	v9 =	vld [tilespmem:s24+$0x50]  }
0x77: {  	v5 =	vnsel vm4, $0x1F, v5;
	v11 =	vsel vm14, v0, v2;
	v7 =	vnsel vm15, $0x17, v7;
	v12 =	vld [tilespmem:s24+$0xD0]  }
0x78: {  	v5 =	vadd.s32 v5, v11;
	v7 =	vshll.u32 v7, $0x5;
	[tilespmem:v8+s21+$0x0] =	vst.idx.add.f32.msk $0xffff, v3;
	v6 =	vtrunc.f32 v6  }
0x79: {  	v5 =	vadd.s32 v7, v5;
	v4 =	vtrunc.f32 v4;
	v7 =	vld [tilespmem:s0+$0xFFFFFF10];
	v6 =	vcvt.f32.s32 v6  }
0x7a: {  	v4 =	vcvt.f32.s32 v4  }
0x7b: {  	vm7 =	vgt.f32 v10, $0.0e+00;
	v10 =	vld [tilespmem:s16+$0x50];
	vm6 =	vlt.s32 v6, $0x17  }
0x7c: {  	v8 =	vld [tilespmem:s0+$0xFFFFFF90];
	vm5 =	vlt.s32 v4, $0x1F;
	v9 =	vmul.f32 $5.000000070e-02, v9;
	v6 =	vnsel vm6, $0x17, v6  }
0x7d: {  	v11 =	vmul.f32 $5.000000070e-02, v12;
	v4 =	vnsel vm5, $0x1F, v4;
	v12 =	vsel vm7, v0, v2  }
0x7e: {  	[tilespmem:v5+s21+$0x0] =	vst.idx.add.f32.msk $0xffff, v3;
	v6 =	vshll.u32 v6, $0x5;
	v4 =	vadd.s32 v4, v12;
	v7 =	vmul.f32 $5.000000070e-02, v7  }
0x7f: {  	v12 =	vld [tilespmem:s1+$0xFFFFFF90];
	v9 =	vtrunc.f32 v9;
	v5 =	vtrunc.f32 v11;
	v4 =	vadd.s32 v6, v4  }
0x80: {  	vm10 =	vgt.f32 v10, $0.0e+00;
	v11 =	vld [tilespmem:s24+$0xFFFFFF40];
	v9 =	vcvt.f32.s32 v9;
	v5 =	vcvt.f32.s32 v5  }
0x81: {  	v8 =	vmul.f32 $5.000000070e-02, v8;
	v10 =	vsel vm10, v0, v2;
	v6 =	vld [tilespmem:s24+$0xFFFFFFC0]  }
0x82: {  	v7 =	vtrunc.f32 v7;
	vm8 =	vlt.s32 v9, $0x1F;
	vm9 =	vlt.s32 v5, $0x17  }
0x83: {  	v13 =	vld [tilespmem:s16+$0xFFFFFFC0];
	v8 =	vtrunc.f32 v8;
	v9 =	vnsel vm8, $0x1F, v9;
	v5 =	vnsel vm9, $0x17, v5  }
0x84: {  	v7 =	vcvt.f32.s32 v7;
	v5 =	vshll.u32 v5, $0x5;
	v9 =	vadd.s32 v9, v10;
	[tilespmem:v4+s21+$0x0] =	vst.idx.add.f32.msk $0xffff, v3  }
0x85: {  	vm11 =	vgt.f32 v12, $0.0e+00;
	v4 =	vadd.s32 v5, v9;
	v5 =	vcvt.f32.s32 v8;
	v9 =	vld [tilespmem:s0+$0x20]  }
0x86: {  	vm12 =	vlt.s32 v7, $0x1F;
	v6 =	vmul.f32 $5.000000070e-02, v6;
	v8 =	vmul.f32 $5.000000070e-02, v11;
	v10 =	vld [tilespmem:s0+$0xA0]  }
0x87: {  	v7 =	vnsel vm12, $0x1F, v7;
	v11 =	vsel vm11, v0, v2;
	vm13 =	vlt.s32 v5, $0x17  }
0x88: {  	v7 =	vadd.s32 v7, v11;
	v8 =	vtrunc.f32 v8;
	v5 =	vnsel vm13, $0x17, v5  }
0x89: {  	v11 =	vld [tilespmem:s1+$0x20];
	v6 =	vtrunc.f32 v6;
	v8 =	vcvt.f32.s32 v8;
	v5 =	vshll.u32 v5, $0x5  }
0x8a: {  	vm14 =	vgt.f32 v13, $0.0e+00;
	[tilespmem:v4+s21+$0x0] =	vst.idx.add.f32.msk $0xffff, v3;
	v4 =	vadd.s32 v5, v7;
	v5 =	vcvt.f32.s32 v6  }
0x8b: {  	v6 =	vmul.f32 $5.000000070e-02, v9;
	vm15 =	vlt.s32 v8, $0x1F;
	v10 =	vmul.f32 $5.000000070e-02, v10;
	v7 =	vld [tilespmem:s24+$0x60]  }
0x8c: {  	v9 =	vsel vm14, v0, v2;
	v12 =	vld [tilespmem:s24+$0xE0];
	v8 =	vnsel vm15, $0x1F, v8;
	vm4 =	vlt.s32 v5, $0x17  }
0x8d: {  	v6 =	vtrunc.f32 v6;
	v10 =	vtrunc.f32 v10;
	v5 =	vnsel vm4, $0x17, v5  }
0x8e: {  	v8 =	vadd.s32 v8, v9;
	v6 =	vcvt.f32.s32 v6;
	v5 =	vshll.u32 v5, $0x5  }
0x8f: {  	v9 =	vcvt.f32.s32 v10;
	[tilespmem:v4+s21+$0x0] =	vst.idx.add.f32.msk $0xffff, v3;
	v4 =	vadd.s32 v5, v8  }
0x90: {  	vm6 =	vgt.f32 v11, $0.0e+00;
	vm5 =	vlt.s32 v6, $0x1F;
	v5 =	vld [tilespmem:s16+$0x60]  }
0x91: {  	vm7 =	vlt.s32 v9, $0x17;
	v7 =	vmul.f32 $5.000000070e-02, v7;
	v8 =	vmul.f32 $5.000000070e-02, v12;
	v10 =	vld [tilespmem:s0+$0xFFFFFF20]  }
0x92: {  	v11 =	vsel vm6, v0, v2;
	v6 =	vnsel vm5, $0x1F, v6;
	v9 =	vnsel vm7, $0x17, v9;
	v12 =	vld [tilespmem:s0+$0xFFFFFFA0]  }
0x93: {  	v9 =	vshll.u32 v9, $0x5;
	v7 =	vtrunc.f32 v7;
	v8 =	vtrunc.f32 v8  }
0x94: {  	v6 =	vadd.s32 v6, v11;
	v7 =	vcvt.f32.s32 v7;
	v8 =	vcvt.f32.s32 v8;
	[tilespmem:v4+s21+$0x0] =	vst.idx.add.f32.msk $0xffff, v3  }
0x95: {  	v4 =	vadd.s32 v9, v6;
	vm10 =	vgt.f32 v5, $0.0e+00;
	v5 =	vld [tilespmem:s1+$0xFFFFFFA0]  }
0x96: {  	s29 =	simm.s32 $0x500;
	v6 =	vld [tilespmem:s24+$0xFFFFFF50];
	vm8 =	vlt.s32 v7, $0x1F;
	vm9 =	vlt.s32 v8, $0x17  }
0x97: {  	v16 =	vld [tilespmem:s29+$0xFFFFFF00];
	v9 =	vmul.f32 $5.000000070e-02, v10;
	v10 =	vmul.f32 $5.000000070e-02, v12;
	v8 =	vnsel vm9, $0x17, v8  }
0x98: {  	v11 =	vsel vm10, v0, v2;
	v12 =	vld [tilespmem:s24+$0xFFFFFFD0];
	v7 =	vnsel vm8, $0x1F, v7;
	v8 =	vshll.u32 v8, $0x5  }
0x99: {  	v7 =	vadd.s32 v7, v11;
	v9 =	vtrunc.f32 v9;
	v10 =	vtrunc.f32 v10;
	v11 =	vld [tilespmem:s16+$0xFFFFFFD0]  }
0x9a: {  	v7 =	vadd.s32 v8, v7;
	v8 =	vcvt.f32.s32 v9;
	v9 =	vcvt.f32.s32 v10;
	[tilespmem:v4+s21+$0x0] =	vst.idx.add.f32.msk $0xffff, v3  }
0x9b: {  	vm11 =	vgt.f32 v5, $0.0e+00;
	v6 =	vmul.f32 $5.000000070e-02, v6;
	v4 =	vld [tilespmem:s0+$0x30]  }
0x9c: {  	vm12 =	vlt.s32 v8, $0x1F;
	vm13 =	vlt.s32 v9, $0x17;
	v5 =	vsel vm11, v0, v2;
	v10 =	vld [tilespmem:s0+$0xB0]  }
0x9d: {  	v12 =	vmul.f32 $5.000000070e-02, v12;
	v13 =	vld [tilespmem:s1+$0x30];
	v8 =	vnsel vm12, $0x1F, v8;
	v9 =	vnsel vm13, $0x17, v9  }
0x9e: {  	v5 =	vadd.s32 v8, v5;
	v8 =	vshll.u32 v9, $0x5;
	v6 =	vtrunc.f32 v6  }
0x9f: {  	[tilespmem:v7+s21+$0x0] =	vst.idx.add.f32.msk $0xffff, v3;
	v5 =	vadd.s32 v8, v5;
	v7 =	vtrunc.f32 v12;
	v6 =	vcvt.f32.s32 v6  }
0xa0: {  	v16 =	vmul.f32 $5.000000070e-02, v16;
	vm14 =	vgt.f32 v11, $0.0e+00;
	v8 =	vld [tilespmem:s24+$0x70];
	v7 =	vcvt.f32.s32 v7  }
0xa1: {  	v11 =	vsel vm14, v0, v2;
	v9 =	vld [tilespmem:s24+$0xF0];
	vm15 =	vlt.s32 v6, $0x1F;
	v4 =	vmul.f32 $5.000000070e-02, v4  }
0xa2: {  	v10 =	vmul.f32 $5.000000070e-02, v10;
	vm5 =	vgt.f32 v13, $0.0e+00;
	v13 =	vld [tilespmem:s16+$0x70];
	vm4 =	vlt.s32 v7, $0x17  }
0xa3: {  	v6 =	vnsel vm15, $0x1F, v6;
	v12 =	vsel vm5, v0, v2;
	v7 =	vnsel vm4, $0x17, v7  }
0xa4: {  	v4 =	vtrunc.f32 v4;
	v10 =	vtrunc.f32 v10;
	[tilespmem:v5+s21+$0x0] =	vst.idx.add.f32.msk $0xffff, v3;
	v5 =	vadd.s32 v6, v11  }
0xa5: {  	v4 =	vcvt.f32.s32 v4;
	v6 =	vcvt.f32.s32 v10;
	v7 =	vshll.u32 v7, $0x5;
	v10 =	vld [tilespmem:s0+$0xFFFFFF30]  }
0xa6: {  	v8 =	vmul.f32 $5.000000070e-02, v8;
	v9 =	vmul.f32 $5.000000070e-02, v9;
	v11 =	vld [tilespmem:s0+$0xFFFFFFB0];
	v5 =	vadd.s32 v7, v5  }
0xa7: {  	v14 =	vld [tilespmem:s1+$0xFFFFFFB0];
	vm6 =	vlt.s32 v4, $0x1F;
	vm7 =	vlt.s32 v6, $0x17;
	vm10 =	vgt.f32 v13, $0.0e+00  }
0xa8: {  	s30 =	simm.s32 $0x10280;
	v7 =	vld [tilespmem:s29+$0xFFFFFF80];
	v4 =	vnsel vm6, $0x1F, v4;
	v8 =	vtrunc.f32 v8;
	v6 =	vnsel vm7, $0x17, v6  }
0xa9: {  	v13 =	vld [tilespmem:s30+$0x0];
	v9 =	vtrunc.f32 v9;
	v6 =	vshll.u32 v6, $0x5;
	v4 =	vadd.s32 v4, v12  }
0xaa: {  	v8 =	vcvt.f32.s32 v8;
	v9 =	vcvt.f32.s32 v9;
	v4 =	vadd.s32 v6, v4;
	v6 =	vld [tilespmem:s29+$0x0]  }
0xab: {  	v12 =	vld [tilespmem:s29+$0x80];
	v10 =	vmul.f32 $5.000000070e-02, v10;
	v11 =	vmul.f32 $5.000000070e-02, v11  }
0xac: {  	vm8 =	vlt.s32 v8, $0x1F;
	vm9 =	vlt.s32 v9, $0x17;
	vm3 =	vgt.f32 v14, $0.0e+00  }
0xad: {  	v7 =	vmul.f32 $5.000000070e-02, v7;
	v8 =	vnsel vm8, $0x1F, v8;
	v10 =	vtrunc.f32 v10  }
0xae: {  	v14 =	vsel vm3, v0, v2;
	v11 =	vtrunc.f32 v11;
	v10 =	vcvt.f32.s32 v10  }
0xaf: {  	vm14 =	vgt.f32 v13, $0.0e+00;
	v11 =	vcvt.f32.s32 v11;
	[tilespmem:v4+s21+$0x0] =	vst.idx.add.f32.msk $0xffff, v3;
	v4 =	vmul.f32 $5.000000070e-02, v6  }
0xb0: {  	v9 =	vnsel vm9, $0x17, v9;
	v6 =	vmul.f32 $5.000000070e-02, v12;
	vm11 =	vlt.s32 v10, $0x1F;
	v12 =	vld [tilespmem:s0+$0x40]  }
0xb1: {  	vm12 =	vlt.s32 v11, $0x17;
	v15 =	vld [tilespmem:s0+$0xC0];
	v10 =	vnsel vm11, $0x1F, v10;
	v4 =	vtrunc.f32 v4  }
0xb2: {  	v11 =	vnsel vm12, $0x17, v11;
	v6 =	vtrunc.f32 v6;
	v4 =	vcvt.f32.s32 v4  }
0xb3: {  	[tilespmem:v5+s21+$0x0] =	vst.idx.add.f32.msk $0xffff, v3;
	v5 =	vshll.u32 v11, $0x5;
	v10 =	vadd.s32 v10, v14;
	v6 =	vcvt.f32.s32 v6  }
0xb4: {  	v13 =	vsel vm14, v0, v2;
	v5 =	vadd.s32 v5, v10;
	vm13 =	vlt.s32 v4, $0x1F  }
0xb5: {  	v7 =	vtrunc.f32 v7;
	v11 =	vld [tilespmem:s24+$0xFFFFFF60];
	vm15 =	vlt.s32 v6, $0x17;
	v4 =	vnsel vm13, $0x1F, v4  }
0xb6: {  	v14 =	vld [tilespmem:s1+$0x40];
	v6 =	vnsel vm15, $0x17, v6;
	v12 =	vmul.f32 $5.000000070e-02, v12;
	v15 =	vmul.f32 $5.000000070e-02, v15  }
0xb7: {  	v7 =	vcvt.f32.s32 v7;
	v10 =	vld [tilespmem:s24+$0xFFFFFFE0];
	v6 =	vshll.u32 v6, $0x5;
	v4 =	vadd.s32 v4, v13  }
0xb8: {  	v13 =	vld [tilespmem:s30+$0xFFFFFF80];
	v6 =	vadd.s32 v6, v4;
	v4 =	vtrunc.f32 v12;
	v12 =	vtrunc.f32 v15  }
0xb9: {  	vm7 =	vlt.s32 v7, $0x17;
	[tilespmem:v5+s21+$0x0] =	vst.idx.add.f32.msk $0xffff, v3;
	v5 =	vcvt.f32.s32 v4;
	v12 =	vcvt.f32.s32 v12  }
0xba: {  	v7 =	vnsel vm7, $0x17, v7;
	v15 =	vsel vm10, v0, v2;
	v4 =	vshll.u32 v9, $0x5;
	v9 =	vld [tilespmem:s0+$0xFFFFFF40]  }
0xbb: {  	vm6 =	vgt.f32 v14, $0.0e+00;
	v17 =	vld [tilespmem:s0+$0xFFFFFFC0];
	vm4 =	vlt.s32 v5, $0x1F;
	vm5 =	vlt.s32 v12, $0x17  }
0xbc: {  	v18 =	vsel vm6, v0, v2;
	v14 =	vld [tilespmem:s1+$0xFFFFFFC0];
	v5 =	vnsel vm4, $0x1F, v5;
	v12 =	vnsel vm5, $0x17, v12  }
0xbd: {  	v10 =	vmul.f32 $5.000000070e-02, v10;
	[tilespmem:v6+s21+$0x0] =	vst.idx.add.f32.msk $0xffff, v3;
	v6 =	vshll.u32 v12, $0x5;
	v12 =	vadd.s32 v5, v18  }
0xbe: {  	v5 =	vadd.s32 v8, v15;
	v8 =	vmul.f32 $5.000000070e-02, v11;
	v11 =	vld [tilespmem:s29+$0x10];
	v6 =	vadd.s32 v6, v12  }
0xbf: {  	v7 =	vshll.u32 v7, $0x5;
	v10 =	vtrunc.f32 v10;
	v15 =	vld [tilespmem:s29+$0x90]  }
0xc0: {  	vm8 =	vgt.f32 v13, $0.0e+00;
	v10 =	vcvt.f32.s32 v10;
	v12 =	vtrunc.f32 v16  }
0xc1: {  	v13 =	vsel vm8, v0, v2;
	v12 =	vcvt.f32.s32 v12;
	v9 =	vmul.f32 $5.000000070e-02, v9  }
0xc2: {  	v16 =	vmul.f32 $5.000000070e-02, v17;
	v8 =	vtrunc.f32 v8;
	v17 =	vld [tilespmem:s30+$0x10];
	vm10 =	vgt.f32 v14, $0.0e+00  }
0xc3: {  	v8 =	vcvt.f32.s32 v8;
	vm9 =	vlt.s32 v12, $0x1F;
	v9 =	vtrunc.f32 v9;
	[tilespmem:v6+s21+$0x0] =	vst.idx.add.f32.msk $0xffff, v3  }
0xc4: {  	v12 =	vnsel vm9, $0x1F, v12;
	v6 =	vmul.f32 $5.000000070e-02, v11;
	v11 =	vmul.f32 $5.000000070e-02, v15;
	v14 =	vld [tilespmem:s0+$0x50]  }
0xc5: {  	v16 =	vtrunc.f32 v16;
	v9 =	vcvt.f32.s32 v9;
	v12 =	vadd.s32 v12, v13;
	v15 =	vld [tilespmem:s0+$0xD0]  }
0xc6: {  	v7 =	vadd.s32 v7, v12;
	v6 =	vtrunc.f32 v6;
	v11 =	vtrunc.f32 v11  }
0xc7: {  	v6 =	vcvt.f32.s32 v6;
	v11 =	vcvt.f32.s32 v11  }
0xc8: {  	vm9 =	vlt.s32 v8, $0x1F;
	v13 =	vcvt.f32.s32 v16;
	vm11 =	vlt.s32 v9, $0x1F  }
0xc9: {  	vm14 =	vgt.f32 v17, $0.0e+00;
	vm12 =	vlt.s32 v6, $0x1F;
	vm13 =	vlt.s32 v11, $0x17  }
0xca: {  	v16 =	vld [tilespmem:s1+$0x50];
	v11 =	vnsel vm13, $0x17, v11;
	v14 =	vmul.f32 $5.000000070e-02, v14;
	v15 =	vmul.f32 $5.000000070e-02, v15  }
0xcb: {  	[tilespmem:v7+s21+$0x0] =	vst.idx.add.f32.msk $0xffff, v3;
	v6 =	vnsel vm12, $0x1F, v6;
	v7 =	vsel vm14, v0, v2;
	v11 =	vshll.u32 v11, $0x5  }
0xcc: {  	v17 =	vld [tilespmem:s29+$0xFFFFFF10];
	v6 =	vadd.s32 v6, v7;
	v7 =	vtrunc.f32 v14;
	v14 =	vtrunc.f32 v15  }
0xcd: {  	v15 =	vld [tilespmem:s29+$0xFFFFFF90];
	v6 =	vadd.s32 v11, v6;
	v7 =	vcvt.f32.s32 v7;
	v11 =	vcvt.f32.s32 v14  }
0xce: {  	v8 =	vnsel vm9, $0x1F, v8;
	v12 =	vsel vm10, v0, v2;
	v9 =	vnsel vm11, $0x1F, v9  }
0xcf: {  	vm8 =	vgt.f32 v16, $0.0e+00;
	vm6 =	vlt.s32 v7, $0x1F;
	vm7 =	vlt.s32 v11, $0x17  }
0xd0: {  	v16 =	vsel vm8, v0, v2;
	v18 =	vld [tilespmem:s30+$0xFFFFFF90];
	v7 =	vnsel vm6, $0x1F, v7;
	v11 =	vnsel vm7, $0x17, v11  }
0xd1: {  	vm15 =	vlt.s32 v13, $0x17;
	v14 =	vld [tilespmem:s16+$0xFFFFFFE0];
	v11 =	vshll.u32 v11, $0x5;
	v7 =	vadd.s32 v7, v16  }
0xd2: {  	v17 =	vmul.f32 $5.000000070e-02, v17;
	v15 =	vmul.f32 $5.000000070e-02, v15;
	[tilespmem:v6+s21+$0x0] =	vst.idx.add.f32.msk $0xffff, v3;
	v6 =	vadd.s32 v11, v7  }
0xd3: {  	vm10 =	vlt.s32 v10, $0x17;
	v13 =	vnsel vm15, $0x17, v13;
	v9 =	vadd.s32 v9, v12;
	v12 =	vld [tilespmem:s29+$0x20]  }
0xd4: {  	v7 =	vshll.u32 v13, $0x5;
	v11 =	vtrunc.f32 v17;
	v13 =	vtrunc.f32 v15;
	v15 =	vld [tilespmem:s29+$0xA0]  }
0xd5: {  	v11 =	vcvt.f32.s32 v11;
	v7 =	vadd.s32 v7, v9;
	v9 =	vcvt.f32.s32 v13  }
0xd6: {  	v10 =	vnsel vm10, $0x17, v10;
	vm11 =	vgt.f32 v18, $0.0e+00;
	vm12 =	vgt.f32 v14, $0.0e+00;
	v13 =	vld [tilespmem:s30+$0x20]  }
0xd7: {  	v14 =	vsel vm11, v0, v2;
	vm4 =	vlt.s32 v11, $0x1F;
	vm13 =	vlt.s32 v9, $0x17;
	[tilespmem:v6+s21+$0x0] =	vst.idx.add.f32.msk $0xffff, v3  }
0xd8: {  	v6 =	vnsel vm4, $0x1F, v11;
	v9 =	vnsel vm13, $0x17, v9;
	v11 =	vmul.f32 $5.000000070e-02, v12;
	v12 =	vld [tilespmem:s0+$0x60]  }
0xd9: {  	v6 =	vadd.s32 v6, v14;
	v9 =	vshll.u32 v9, $0x5;
	v14 =	vmul.f32 $5.000000070e-02, v15;
	v15 =	vld [tilespmem:s0+$0xE0]  }
0xda: {  	v10 =	vshll.u32 v10, $0x5;
	[tilespmem:v7+s21+$0x0] =	vst.idx.add.f32.msk $0xffff, v3;
	v7 =	vsel vm12, v0, v2;
	v6 =	vadd.s32 v9, v6  }
0xdb: {  	v9 =	vtrunc.f32 v11;
	v7 =	vadd.s32 v8, v7;
	v8 =	vld [tilespmem:s0+$0xFFFFFF50];
	v11 =	vtrunc.f32 v14  }
0xdc: {  	vm15 =	vgt.f32 v13, $0.0e+00;
	v13 =	vld [tilespmem:s1+$0x60];
	v9 =	vcvt.f32.s32 v9;
	v11 =	vcvt.f32.s32 v11  }
0xdd: {  	v7 =	vadd.s32 v10, v7;
	v10 =	vld [tilespmem:s0+$0xFFFFFFD0]  }
0xde: {  	vm14 =	vlt.s32 v9, $0x1F;
	vm4 =	vlt.s32 v11, $0x17  }
0xdf: {  	v12 =	vmul.f32 $5.000000070e-02, v12;
	v14 =	vmul.f32 $5.000000070e-02, v15;
	[tilespmem:v6+s21+$0x0] =	vst.idx.add.f32.msk $0xffff, v3;
	v6 =	vnsel vm14, $0x1F, v9  }
0xe0: {  	v9 =	vnsel vm4, $0x17, v11;
	v11 =	vsel vm15, v0, v2;
	v8 =	vmul.f32 $5.000000070e-02, v8  }
0xe1: {  	vm7 =	vgt.f32 v13, $0.0e+00;
	v15 =	vld [tilespmem:s29+$0xFFFFFF20];
	v9 =	vshll.u32 v9, $0x5;
	v12 =	vtrunc.f32 v12  }
0xe2: {  	v14 =	vtrunc.f32 v14;
	v16 =	vld [tilespmem:s29+$0xFFFFFFA0];
	v11 =	vadd.s32 v6, v11;
	v10 =	vmul.f32 $5.000000070e-02, v10  }
0xe3: {  	v6 =	vadd.s32 v4, v5;
	v4 =	vld [tilespmem:s30+$0xFFFFFFA0];
	v12 =	vcvt.f32.s32 v12;
	v14 =	vcvt.f32.s32 v14  }
0xe4: {  	v13 =	vsel vm7, v0, v2;
	v5 =	vadd.s32 v9, v11;
	v9 =	vld [tilespmem:s1+$0xFFFFFFD0];
	v10 =	vtrunc.f32 v10  }
0xe5: {  	vm5 =	vlt.s32 v12, $0x1F;
	vm6 =	vlt.s32 v14, $0x17;
	v10 =	vcvt.f32.s32 v10  }
0xe6: {  	s31 =	simm.s32 $0x700;
	[tilespmem:v7+s21+$0x0] =	vst.idx.add.f32.msk $0xffff, v3;
	v11 =	vnsel vm5, $0x1F, v12;
	v12 =	vnsel vm6, $0x17, v14;
	v7 =	vmul.f32 $5.000000070e-02, v15  }
0xe7: {  	v19 =	vld [tilespmem:s31+$0xFFFFFF00];
	v12 =	vshll.u32 v12, $0x5;
	v11 =	vadd.s32 v11, v13;
	v14 =	vmul.f32 $5.000000070e-02, v16  }
0xe8: {  	v13 =	vld [tilespmem:s24+$0xFFFFFF70];
	vm8 =	vgt.f32 v4, $0.0e+00;
	vm13 =	vlt.s32 v10, $0x17;
	v11 =	vadd.s32 v12, v11  }
0xe9: {  	[tilespmem:v5+s21+$0x0] =	vst.idx.add.f32.msk $0xffff, v3;
	v5 =	vtrunc.f32 v8;
	vm9 =	vgt.f32 v9, $0.0e+00;
	v4 =	vtrunc.f32 v7  }
0xea: {  	v10 =	vnsel vm13, $0x17, v10;
	v8 =	vtrunc.f32 v14;
	v9 =	vld [tilespmem:s29+$0xB0];
	v4 =	vcvt.f32.s32 v4  }
0xeb: {  	v7 =	vsel vm8, v0, v2;
	v12 =	vld [tilespmem:s29+$0x30];
	v5 =	vcvt.f32.s32 v5;
	v8 =	vcvt.f32.s32 v8  }
0xec: {  	v14 =	vsel vm9, v0, v2;
	v15 =	vld [tilespmem:s30+$0x30];
	v10 =	vshll.u32 v10, $0x5;
	vm10 =	vlt.s32 v4, $0x1F  }
0xed: {  	vm12 =	vlt.s32 v5, $0x1F;
	vm11 =	vlt.s32 v8, $0x17;
	v4 =	vnsel vm10, $0x1F, v4;
	[tilespmem:v11+s21+$0x0] =	vst.idx.add.f32.msk $0xffff, v3  }
0xee: {  	v5 =	vnsel vm12, $0x1F, v5;
	v8 =	vnsel vm11, $0x17, v8;
	v4 =	vadd.s32 v4, v7;
	v7 =	vld [tilespmem:s0+$0x70]  }
0xef: {  	v5 =	vadd.s32 v5, v14;
	v8 =	vshll.u32 v8, $0x5;
	v11 =	vld [tilespmem:s0+$0xF0];
	v9 =	vmul.f32 $5.000000070e-02, v9  }
0xf0: {  	v5 =	vadd.s32 v10, v5;
	v10 =	vld [tilespmem:s1+$0x70];
	v4 =	vadd.s32 v8, v4;
	v8 =	vmul.f32 $5.000000070e-02, v12  }
0xf1: {  	v19 =	vmul.f32 $5.000000070e-02, v19;
	v12 =	vmul.f32 $5.000000070e-02, v13  }
0xf2: {  	v9 =	vtrunc.f32 v9;
	v8 =	vtrunc.f32 v8  }
0xf3: {  	v13 =	vld [tilespmem:s24+$0xFFFFFFF0];
	v9 =	vcvt.f32.s32 v9;
	v8 =	vcvt.f32.s32 v8  }
0xf4: {  	vm14 =	vgt.f32 v15, $0.0e+00;
	v7 =	vmul.f32 $5.000000070e-02, v7;
	v11 =	vmul.f32 $5.000000070e-02, v11  }
0xf5: {  	vm4 =	vlt.s32 v9, $0x17;
	vm7 =	vgt.f32 v10, $0.0e+00;
	[tilespmem:v4+s21+$0x0] =	vst.idx.add.f32.msk $0xffff, v3;
	vm15 =	vlt.s32 v8, $0x1F  }
0xf6: {  	v4 =	vsel vm14, v0, v2;
	v14 =	vld [tilespmem:s29+$0xFFFFFF30];
	v7 =	vtrunc.f32 v7;
	v11 =	vtrunc.f32 v11  }
0xf7: {  	s24 =	simm.s32 $0x10380;
	v8 =	vnsel vm15, $0x1F, v8;
	v15 =	vld [tilespmem:s29+$0xFFFFFFB0];
	v7 =	vcvt.f32.s32 v7;
	v11 =	vcvt.f32.s32 v11  }
0xf8: {  	v17 =	vld [tilespmem:s24+$0x0];
	v9 =	vnsel vm4, $0x17, v9;
	v13 =	vmul.f32 $5.000000070e-02, v13;
	v4 =	vadd.s32 v8, v4  }
0xf9: {  	v8 =	vtrunc.f32 v12;
	v12 =	vld [tilespmem:s31+$0x0];
	vm5 =	vlt.s32 v7, $0x1F;
	vm6 =	vlt.s32 v11, $0x17  }
0xfa: {  	[tilespmem:v5+s21+$0x0] =	vst.idx.add.f32.msk $0xffff, v3;
	v9 =	vshll.u32 v9, $0x5;
	v5 =	vnsel vm5, $0x1F, v7;
	v7 =	vnsel vm6, $0x17, v11  }
0xfb: {  	v16 =	vld [tilespmem:s30+$0xFFFFFFB0];
	v9 =	vadd.s32 v9, v4;
	v11 =	vsel vm7, v0, v2;
	v4 =	vshll.u32 v7, $0x5  }
0xfc: {  	v10 =	vld [tilespmem:s0+$0xFFFFFF60];
	v5 =	vadd.s32 v5, v11;
	v11 =	vmul.f32 $5.000000070e-02, v14;
	v14 =	vmul.f32 $5.000000070e-02, v15  }
0xfd: {  	v15 =	vld [tilespmem:s31+$0x80];
	v7 =	vadd.s32 v4, v5;
	v4 =	vcvt.f32.s32 v8;
	v5 =	vtrunc.f32 v13  }
0xfe: {  	v8 =	vld [tilespmem:s31+$0xFFFFFF80];
	v12 =	vmul.f32 $5.000000070e-02, v12;
	v11 =	vtrunc.f32 v11  }
0xff: {  	vm12 =	vgt.f32 v17, $0.0e+00;
	v13 =	vtrunc.f32 v14;
	v11 =	vcvt.f32.s32 v11  }
0x100: {  	vm8 =	vgt.f32 v16, $0.0e+00;
	v13 =	vcvt.f32.s32 v13;
	v12 =	vtrunc.f32 v12  }
0x101: {  	v10 =	vmul.f32 $5.000000070e-02, v10;
	v16 =	vsel vm8, v0, v2;
	[tilespmem:v9+s21+$0x0] =	vst.idx.add.f32.msk $0xffff, v3;
	v12 =	vcvt.f32.s32 v12  }
0x102: {  	v18 =	vld [tilespmem:s29+$0xC0];
	vm9 =	vlt.s32 v11, $0x1F;
	vm10 =	vlt.s32 v13, $0x17;
	v9 =	vmul.f32 $5.000000070e-02, v15  }
0x103: {  	v15 =	vld [tilespmem:s29+$0x40];
	v11 =	vnsel vm9, $0x1F, v11;
	v13 =	vnsel vm10, $0x17, v13;
	v8 =	vmul.f32 $5.000000070e-02, v8  }
0x104: {  	v13 =	vshll.u32 v13, $0x5;
	v9 =	vtrunc.f32 v9;
	v11 =	vadd.s32 v11, v16  }
0x105: {  	vm11 =	vlt.s32 v12, $0x1F;
	v16 =	vld [tilespmem:s24+$0xFFFFFF80];
	v9 =	vcvt.f32.s32 v9;
	v11 =	vadd.s32 v13, v11  }
0x106: {  	v17 =	vsel vm12, v0, v2;
	v10 =	vtrunc.f32 v10;
	v12 =	vnsel vm11, $0x1F, v12;
	v13 =	vld [tilespmem:s16+$0xFFFFFFF0]  }
0x107: {  	v8 =	vtrunc.f32 v8;
	v12 =	vadd.s32 v12, v17;
	v17 =	vld [tilespmem:s30+$0x40];
	vm13 =	vlt.s32 v9, $0x17  }
0x108: {  	v18 =	vmul.f32 $5.000000070e-02, v18;
	v15 =	vmul.f32 $5.000000070e-02, v15;
	v9 =	vnsel vm13, $0x17, v9  }
0x109: {  	v10 =	vcvt.f32.s32 v10;
	v8 =	vcvt.f32.s32 v8;
	v9 =	vshll.u32 v9, $0x5  }
0x10a: {  	v9 =	vadd.s32 v9, v12;
	[tilespmem:v11+s21+$0x0] =	vst.idx.add.f32.msk $0xffff, v3;
	v11 =	vtrunc.f32 v15;
	v12 =	vtrunc.f32 v18  }
0x10b: {  	vm15 =	vgt.f32 v16, $0.0e+00;
	v11 =	vcvt.f32.s32 v11;
	v12 =	vcvt.f32.s32 v12  }
0x10c: {  	vm1 =	vgt.f32 v13, $0.0e+00;
	v15 =	vtrunc.f32 v19;
	vm6 =	vgt.f32 v17, $0.0e+00;
	v13 =	vld [tilespmem:s29+$0xFFFFFF40]  }
0x10d: {  	v16 =	vld [tilespmem:s29+$0xFFFFFFC0];
	v17 =	vsel vm6, v0, v2;
	vm9 =	vlt.s32 v11, $0x1F;
	vm5 =	vlt.s32 v12, $0x17  }
0x10e: {  	v18 =	vld [tilespmem:s30+$0xFFFFFFC0];
	v15 =	vcvt.f32.s32 v15;
	v11 =	vnsel vm9, $0x1F, v11;
	v12 =	vnsel vm5, $0x17, v12  }
0x10f: {  	v5 =	vcvt.f32.s32 v5;
	[tilespmem:v9+s21+$0x0] =	vst.idx.add.f32.msk $0xffff, v3;
	v9 =	vshll.u32 v12, $0x5;
	v11 =	vadd.s32 v11, v17  }
0x110: {  	vm14 =	vlt.s32 v8, $0x17;
	vm10 =	vlt.s32 v15, $0x1F;
	v17 =	vld [tilespmem:s31+$0x10];
	v9 =	vadd.s32 v9, v11  }
0x111: {  	vm0 =	vlt.s32 v4, $0x1F;
	v8 =	vnsel vm14, $0x17, v8;
	v15 =	vnsel vm10, $0x1F, v15;
	v11 =	vld [tilespmem:s31+$0x90]  }
0x112: {  	v14 =	vld [tilespmem:s0+$0xFFFFFFE0];
	v12 =	vsel vm15, v0, v2;
	v13 =	vmul.f32 $5.000000070e-02, v13;
	v16 =	vmul.f32 $5.000000070e-02, v16  }
0x113: {  	vm2 =	vlt.s32 v10, $0x1F;
	v8 =	vshll.u32 v8, $0x5;
	v12 =	vadd.s32 v15, v12  }
0x114: {  	v8 =	vadd.s32 v8, v12;
	v12 =	vld [tilespmem:s24+$0x10];
	v13 =	vtrunc.f32 v13;
	v15 =	vtrunc.f32 v16  }
0x115: {  	v4 =	vnsel vm0, $0x1F, v4;
	v13 =	vcvt.f32.s32 v13;
	v15 =	vcvt.f32.s32 v15;
	[tilespmem:v9+s21+$0x0] =	vst.idx.add.f32.msk $0xffff, v3  }
0x116: {  	vm11 =	vgt.f32 v18, $0.0e+00;
	v9 =	vmul.f32 $5.000000070e-02, v17;
	v11 =	vmul.f32 $5.000000070e-02, v11;
	v17 =	vld [tilespmem:s29+$0x50]  }
0x117: {  	v14 =	vmul.f32 $5.000000070e-02, v14;
	v16 =	vsel vm11, v0, v2;
	vm12 =	vlt.s32 v13, $0x1F;
	v18 =	vld [tilespmem:s29+$0xD0]  }
0x118: {  	vm13 =	vlt.s32 v15, $0x17;
	v9 =	vtrunc.f32 v9;
	v11 =	vtrunc.f32 v11  }
0x119: {  	v15 =	vnsel vm13, $0x17, v15;
	[tilespmem:v8+s21+$0x0] =	vst.idx.add.f32.msk $0xffff, v3;
	v9 =	vcvt.f32.s32 v9;
	v11 =	vcvt.f32.s32 v11  }
0x11a: {  	v13 =	vnsel vm12, $0x1F, v13;
	vm8 =	vgt.f32 v12, $0.0e+00;
	v8 =	vshll.u32 v15, $0x5;
	v15 =	vld [tilespmem:s31+$0xFFFFFF10]  }
0x11b: {  	v13 =	vadd.s32 v13, v16;
	v16 =	vld [tilespmem:s30+$0x50];
	vm14 =	vlt.s32 v9, $0x1F;
	vm15 =	vlt.s32 v11, $0x17  }
0x11c: {  	v12 =	vmul.f32 $5.000000070e-02, v17;
	v11 =	vnsel vm15, $0x17, v11;
	v17 =	vmul.f32 $5.000000070e-02, v18;
	v18 =	vld [tilespmem:s31+$0xFFFFFF90]  }
0x11d: {  	v19 =	vsel vm8, v0, v2;
	v9 =	vnsel vm14, $0x1F, v9;
	v11 =	vshll.u32 v11, $0x5  }
0x11e: {  	v9 =	vadd.s32 v9, v19;
	v12 =	vtrunc.f32 v12;
	v17 =	vtrunc.f32 v17  }
0x11f: {  	v9 =	vadd.s32 v11, v9;
	v12 =	vcvt.f32.s32 v12;
	v11 =	vcvt.f32.s32 v17  }
0x120: {  	v8 =	vadd.s32 v8, v13;
	v15 =	vmul.f32 $5.000000070e-02, v15;
	vm12 =	vgt.f32 v16, $0.0e+00  }
0x121: {  	v17 =	vld [tilespmem:s24+$0xFFFFFF90];
	vm10 =	vlt.s32 v12, $0x1F;
	vm11 =	vlt.s32 v11, $0x17;
	v16 =	vmul.f32 $5.000000070e-02, v18  }
0x122: {  	v18 =	vsel vm12, v0, v2;
	v12 =	vnsel vm10, $0x1F, v12;
	v11 =	vnsel vm11, $0x17, v11  }
0x123: {  	v19 =	vld [tilespmem:s1+$0xFFFFFFE0];
	v15 =	vtrunc.f32 v15;
	v11 =	vshll.u32 v11, $0x5;
	v12 =	vadd.s32 v12, v18  }
0x124: {  	v15 =	vcvt.f32.s32 v15;
	v16 =	vtrunc.f32 v16;
	[tilespmem:v9+s21+$0x0] =	vst.idx.add.f32.msk $0xffff, v3;
	v9 =	vadd.s32 v11, v12  }
0x125: {  	v10 =	vnsel vm2, $0x1F, v10;
	v14 =	vtrunc.f32 v14;
	v11 =	vcvt.f32.s32 v16;
	v12 =	vld [tilespmem:s31+$0x20]  }
0x126: {  	v14 =	vcvt.f32.s32 v14;
	[tilespmem:v8+s21+$0x0] =	vst.idx.add.f32.msk $0xffff, v3;
	vm15 =	vlt.s32 v15, $0x1F;
	vm13 =	vgt.f32 v17, $0.0e+00  }
0x127: {  	v15 =	vnsel vm15, $0x1F, v15;
	v16 =	vld [tilespmem:s31+$0xA0];
	v13 =	vsel vm13, v0, v2;
	vm8 =	vlt.s32 v11, $0x17  }
0x128: {  	vm9 =	vlt.s32 v14, $0x17;
	v13 =	vadd.s32 v15, v13;
	v15 =	vld [tilespmem:s24+$0x20];
	v11 =	vnsel vm8, $0x17, v11  }
0x129: {  	v14 =	vnsel vm9, $0x17, v14;
	vm14 =	vgt.f32 v19, $0.0e+00;
	v11 =	vshll.u32 v11, $0x5;
	[tilespmem:v9+s21+$0x0] =	vst.idx.add.f32.msk $0xffff, v3  }
0x12a: {  	v17 =	vsel vm14, v0, v2;
	v11 =	vadd.s32 v11, v13;
	v12 =	vmul.f32 $5.000000070e-02, v12;
	v13 =	vld [tilespmem:s29+$0x60]  }
0x12b: {  	vm9 =	vlt.s32 v5, $0x17;
	v10 =	vadd.s32 v10, v17;
	v9 =	vshll.u32 v14, $0x5;
	v14 =	vld [tilespmem:s29+$0xE0]  }
0x12c: {  	v17 =	vld [tilespmem:s29+$0xFFFFFFD0];
	v9 =	vadd.s32 v9, v10;
	v10 =	vmul.f32 $5.000000070e-02, v16;
	v8 =	vtrunc.f32 v12  }
0x12d: {  	v5 =	vnsel vm9, $0x17, v5;
	v12 =	vsel vm1, v0, v2;
	v8 =	vcvt.f32.s32 v8  }
0x12e: {  	v16 =	vld [tilespmem:s29+$0xFFFFFF50];
	vm11 =	vgt.f32 v15, $0.0e+00;
	v10 =	vtrunc.f32 v10;
	v4 =	vadd.s32 v4, v12  }
0x12f: {  	v15 =	vsel vm11, v0, v2;
	v10 =	vcvt.f32.s32 v10;
	[tilespmem:v11+s21+$0x0] =	vst.idx.add.f32.msk $0xffff, v3;
	vm10 =	vlt.s32 v8, $0x1F  }
0x130: {  	v11 =	vld [tilespmem:s30+$0x60];
	v12 =	vmul.f32 $5.000000070e-02, v13;
	v13 =	vmul.f32 $5.000000070e-02, v14;
	v8 =	vnsel vm10, $0x1F, v8  }
0x131: {  	vm12 =	vlt.s32 v10, $0x17;
	v8 =	vadd.s32 v8, v15;
	v15 =	vmul.f32 $5.000000070e-02, v17  }
0x132: {  	v14 =	vld [tilespmem:s31+$0xFFFFFF20];
	v10 =	vnsel vm12, $0x17, v10;
	v12 =	vtrunc.f32 v12;
	v13 =	vtrunc.f32 v13  }
0x133: {  	v18 =	vld [tilespmem:s31+$0xFFFFFFA0];
	v10 =	vshll.u32 v10, $0x5;
	v12 =	vcvt.f32.s32 v12;
	v13 =	vcvt.f32.s32 v13  }
0x134: {  	v19 =	vld [tilespmem:s24+$0xFFFFFFA0];
	v8 =	vadd.s32 v10, v8;
	v10 =	vmul.f32 $5.000000070e-02, v16;
	v15 =	vtrunc.f32 v15  }
0x135: {  	[tilespmem:v9+s21+$0x0] =	vst.idx.add.f32.msk $0xffff, v3;
	vm15 =	vgt.f32 v11, $0.0e+00;
	vm13 =	vlt.s32 v12, $0x1F;
	vm14 =	vlt.s32 v13, $0x17  }
0x136: {  	v16 =	vld [tilespmem:s30+$0xFFFFFFD0];
	v9 =	vnsel vm13, $0x1F, v12;
	v11 =	vnsel vm14, $0x17, v13;
	v12 =	vsel vm15, v0, v2  }
0x137: {  	v14 =	vmul.f32 $5.000000070e-02, v14;
	v13 =	vld [tilespmem:s0+$0xFFFFFF70];
	v11 =	vshll.u32 v11, $0x5;
	v9 =	vadd.s32 v9, v12  }
0x138: {  	v15 =	vcvt.f32.s32 v15;
	v17 =	vmul.f32 $5.000000070e-02, v18;
	v12 =	vld [tilespmem:s0+$0xFFFFFFF0];
	v9 =	vadd.s32 v11, v9  }
0x139: {  	v5 =	vshll.u32 v5, $0x5;
	v11 =	vtrunc.f32 v14;
	[tilespmem:v8+s21+$0x0] =	vst.idx.add.f32.msk $0xffff, v3;
	v8 =	vtrunc.f32 v10  }
0x13a: {  	vm4 =	vgt.f32 v19, $0.0e+00;
	v10 =	vcvt.f32.s32 v11;
	v11 =	vtrunc.f32 v17;
	v17 =	vld [tilespmem:s31+$0x30]  }
0x13b: {  	vm5 =	vgt.f32 v16, $0.0e+00;
	v16 =	vld [tilespmem:s31+$0xB0];
	v8 =	vcvt.f32.s32 v8;
	v11 =	vcvt.f32.s32 v11  }
0x13c: {  	vm9 =	vlt.s32 v15, $0x17;
	v14 =	vsel vm4, v0, v2;
	v18 =	vsel vm5, v0, v2;
	v19 =	vld [tilespmem:s24+$0x30]  }
0x13d: {  	vm6 =	vlt.s32 v10, $0x1F;
	vm8 =	vlt.s32 v8, $0x1F;
	vm7 =	vlt.s32 v11, $0x17;
	[tilespmem:v9+s21+$0x0] =	vst.idx.add.f32.msk $0xffff, v3  }
0x13e: {  	v10 =	vnsel vm6, $0x1F, v10;
	v9 =	vmul.f32 $5.000000070e-02, v13;
	v11 =	vnsel vm7, $0x17, v11;
	v13 =	vld [tilespmem:s29+$0x70]  }
0x13f: {  	v8 =	vnsel vm8, $0x1F, v8;
	v10 =	vadd.s32 v10, v14;
	v11 =	vshll.u32 v11, $0x5;
	v14 =	vld [tilespmem:s29+$0xF0]  }
0x140: {  	v16 =	vmul.f32 $5.000000070e-02, v16;
	v10 =	vadd.s32 v11, v10;
	v11 =	vmul.f32 $5.000000070e-02, v17  }
0x141: {  	[tilespmem:v6+s21+$0x0] =	vst.idx.add.f32.msk $0xffff, v3;
	v6 =	vnsel vm9, $0x17, v15;
	v15 =	vadd.s32 v8, v18;
	v8 =	vmul.f32 $5.000000070e-02, v12  }
0x142: {  	[tilespmem:v7+s21+$0x0] =	vst.idx.add.f32.msk $0xffff, v3;
	v12 =	vshll.u32 v6, $0x5;
	v7 =	vtrunc.f32 v11;
	v11 =	vtrunc.f32 v16  }
0x143: {  	v6 =	vld [tilespmem:s1+$0xFFFFFFF0];
	v12 =	vadd.s32 v12, v15;
	v7 =	vcvt.f32.s32 v7;
	v11 =	vcvt.f32.s32 v11  }
0x144: {  	vm10 =	vgt.f32 v19, $0.0e+00;
	v16 =	vld [tilespmem:s30+$0x70];
	v15 =	vmul.f32 $5.000000070e-02, v13;
	v14 =	vmul.f32 $5.000000070e-02, v14  }
0x145: {  	[tilespmem:v10+s21+$0x0] =	vst.idx.add.f32.msk $0xffff, v3;
	vm11 =	vlt.s32 v7, $0x1F;
	vm12 =	vlt.s32 v11, $0x17;
	v10 =	vsel vm10, v0, v2  }
0x146: {  	v13 =	vld [tilespmem:s31+$0xFFFFFF30];
	v7 =	vnsel vm11, $0x1F, v7;
	v17 =	vtrunc.f32 v15;
	v14 =	vtrunc.f32 v14  }
0x147: {  	v15 =	vld [tilespmem:s31+$0xFFFFFFB0];
	v11 =	vnsel vm12, $0x17, v11;
	v17 =	vcvt.f32.s32 v17;
	v18 =	vcvt.f32.s32 v14  }
0x148: {  	v14 =	vld [tilespmem:s24+$0xFFFFFFB0];
	v19 =	vshll.u32 v11, $0x5;
	v10 =	vadd.s32 v7, v10;
	v7 =	vtrunc.f32 v9  }
0x149: {  	[tilespmem:v12+s21+$0x0] =	vst.idx.add.f32.msk $0xffff, v3;
	vm15 =	vgt.f32 v16, $0.0e+00;
	vm13 =	vlt.s32 v17, $0x1F;
	vm14 =	vlt.s32 v18, $0x17  }
0x14a: {  	v12 =	vld [tilespmem:s29+$0xFFFFFFE0];
	v17 =	vnsel vm13, $0x1F, v17;
	v9 =	vnsel vm14, $0x17, v18;
	v18 =	vsel vm15, v0, v2  }
0x14b: {  	s16 =	simm.s32 $0x900;
	s0 =	simm.s32 $0x10380;
	s1 =	simm.s32 $0x6;
	v11 =	vld [tilespmem:s29+$0xFFFFFF60];
	v16 =	vadd.s32 v19, v10;
	v9 =	vshll.u32 v9, $0x5;
	v10 =	vadd.s32 v17, v18  }
.LBB2_5:
0x14c: {  	v17 =	vld [tilespmem:s16+$0x0];
	v13 =	vmul.f32 $5.000000070e-02, v13;
	v15 =	vmul.f32 $5.000000070e-02, v15;
	v9 =	vadd.s32 v9, v10  }
0x14d: {  	v7 =	vcvt.f32.s32 v7;
	v8 =	vtrunc.f32 v8;
	v10 =	vld [tilespmem:s16+$0x80];
	vm0 =	vgt.f32 v14, $0.0e+00  }
0x14e: {  	s24 =	sadd.s32 $0x100, s24;
	v14 =	vld [tilespmem:s16+$0xFFFFFF80];
	v13 =	vtrunc.f32 v13;
	v15 =	vtrunc.f32 v15;
	v18 =	vsel vm0, v0, v2  }
0x14f: {  	vm0 =	vlt.s32 v7, $0x1F;
	v19 =	vld [tilespmem:s24+$0x0];
	v13 =	vcvt.f32.s32 v13;
	v15 =	vcvt.f32.s32 v15  }
0x150: {  	vm1 =	vgt.f32 v6, $0.0e+00;
	v11 =	vmul.f32 $5.000000070e-02, v11;
	[tilespmem:v16+s21+$0x0] =	vst.idx.add.f32.msk $0xffff, v3;
	v12 =	vmul.f32 $5.000000070e-02, v12  }
0x151: {  	v6 =	vmul.f32 $5.000000070e-02, v17;
	vm2 =	vlt.s32 v13, $0x1F;
	vm3 =	vlt.s32 v15, $0x17;
	[tilespmem:v9+s21+$0x0] =	vst.idx.add.f32.msk $0xffff, v3  }
0x152: {  	v9 =	vmul.f32 $5.000000070e-02, v10;
	v10 =	vnsel vm2, $0x1F, v13;
	v13 =	vnsel vm3, $0x17, v15;
	v15 =	vld [tilespmem:s31+$0x40]  }
0x153: {  	v14 =	vmul.f32 $5.000000070e-02, v14;
	v6 =	vtrunc.f32 v6;
	v13 =	vshll.u32 v13, $0x5;
	v16 =	vld [tilespmem:s31+$0xC0]  }
0x154: {  	v17 =	vld [tilespmem:s16+$0xFFFFFF00];
	v20 =	vcvt.f32.s32 v6;
	v6 =	vtrunc.f32 v9;
	v9 =	vadd.s32 v10, v18  }
0x155: {  	v10 =	vld [tilespmem:s24+$0xFFFFFF80];
	v14 =	vtrunc.f32 v14;
	v18 =	vcvt.f32.s32 v6;
	v9 =	vadd.s32 v13, v9  }
0x156: {  	vm3 =	vgt.f32 v19, $0.0e+00;
	v13 =	vcvt.f32.s32 v14;
	vm2 =	vlt.s32 v20, $0x1F;
	v6 =	vld [tilespmem:s30+$0xFFFFFFE0]  }
0x157: {  	v19 =	vsel vm3, v0, v2;
	v14 =	vnsel vm2, $0x1F, v20;
	vm2 =	vlt.s32 v18, $0x17  }
0x158: {  	v15 =	vmul.f32 $5.000000070e-02, v15;
	v18 =	vnsel vm2, $0x17, v18;
	v20 =	vld [tilespmem:s0+$0x40];
	v16 =	vmul.f32 $5.000000070e-02, v16  }
0x159: {  	v14 =	vadd.s32 v14, v19;
	v17 =	vmul.f32 $5.000000070e-02, v17;
	v18 =	vshll.u32 v18, $0x5  }
0x15a: {  	s1 =	sadd.s32 $0x2, s1;
	v14 =	vadd.s32 v18, v14;
	[tilespmem:v9+s21+$0x0] =	vst.idx.add.f32.msk $0xffff, v3;
	v9 =	vtrunc.f32 v15;
	v15 =	vtrunc.f32 v16  }
0x15b: {  	p0 =	slt.u32 s1, $0x7E;
	vm2 =	vlt.s32 v13, $0x17;
	v16 =	vld [tilespmem:s31+$0xFFFFFF40];
	v9 =	vcvt.f32.s32 v9;
	v15 =	vcvt.f32.s32 v15  }
0x15c: {  	v13 =	vnsel vm2, $0x17, v13;
	vm2 =	vgt.f32 v10, $0.0e+00;
	v17 =	vtrunc.f32 v17;
	v10 =	vld [tilespmem:s31+$0xFFFFFFC0]  }
0x15d: {  	v18 =	vld [tilespmem:s0+$0xFFFFFFC0];
	vm3 =	vlt.s32 v9, $0x1F;
	vm4 =	vlt.s32 v15, $0x17;
	vm5 =	vgt.f32 v20, $0.0e+00  }
0x15e: {  	v9 =	vnsel vm3, $0x1F, v9;
	v15 =	vnsel vm4, $0x17, v15;
	v19 =	vsel vm5, v0, v2  }
0x15f: {  	v17 =	vcvt.f32.s32 v17;
	[tilespmem:v14+s21+$0x0] =	vst.idx.add.f32.msk $0xffff, v3;
	v14 =	vshll.u32 v15, $0x5;
	v9 =	vadd.s32 v9, v19  }
0x160: {  	v13 =	vshll.u32 v13, $0x5;
	v15 =	vsel vm2, v0, v2;
	v19 =	vld [tilespmem:s16+$0x10];
	v9 =	vadd.s32 v14, v9  }
0x161: {  	vm2 =	vlt.s32 v17, $0x1F;
	v16 =	vmul.f32 $5.000000070e-02, v16;
	v14 =	vld [tilespmem:s16+$0x90];
	v10 =	vmul.f32 $5.000000070e-02, v10  }
0x162: {  	v11 =	vtrunc.f32 v11;
	v17 =	vnsel vm2, $0x1F, v17;
	vm2 =	vgt.f32 v18, $0.0e+00  }
0x163: {  	v15 =	vadd.s32 v17, v15;
	v16 =	vtrunc.f32 v16;
	v10 =	vtrunc.f32 v10  }
0x164: {  	v13 =	vadd.s32 v13, v15;
	v16 =	vcvt.f32.s32 v16;
	v15 =	vld [tilespmem:s24+$0x10];
	v10 =	vcvt.f32.s32 v10  }
0x165: {  	v17 =	vsel vm2, v0, v2;
	[tilespmem:v9+s21+$0x0] =	vst.idx.add.f32.msk $0xffff, v3;
	v9 =	vcvt.f32.s32 v11;
	v11 =	vtrunc.f32 v12  }
0x166: {  	v12 =	vmul.f32 $5.000000070e-02, v19;
	vm2 =	vlt.s32 v16, $0x1F;
	v14 =	vmul.f32 $5.000000070e-02, v14;
	v18 =	vld [tilespmem:s31+$0x50]  }
0x167: {  	v16 =	vnsel vm2, $0x1F, v16;
	vm2 =	vlt.s32 v10, $0x17;
	v11 =	vcvt.f32.s32 v11;
	v19 =	vld [tilespmem:s31+$0xD0]  }
0x168: {  	v12 =	vtrunc.f32 v12;
	v10 =	vnsel vm2, $0x17, v10;
	v14 =	vtrunc.f32 v14  }
0x169: {  	v12 =	vcvt.f32.s32 v12;
	v10 =	vshll.u32 v10, $0x5;
	[tilespmem:v13+s21+$0x0] =	vst.idx.add.f32.msk $0xffff, v3;
	v13 =	vcvt.f32.s32 v14  }
0x16a: {  	v16 =	vadd.s32 v16, v17;
	vm3 =	vlt.s32 v9, $0x1F;
	vm2 =	vlt.s32 v11, $0x17;
	v14 =	vld [tilespmem:s16+$0xFFFFFF10]  }
0x16b: {  	vm6 =	vgt.f32 v15, $0.0e+00;
	vm4 =	vlt.s32 v12, $0x1F;
	v17 =	vld [tilespmem:s16+$0xFFFFFF90];
	vm5 =	vlt.s32 v13, $0x17  }
0x16c: {  	v18 =	vmul.f32 $5.000000070e-02, v18;
	v13 =	vnsel vm5, $0x17, v13;
	v15 =	vld [tilespmem:s0+$0x50];
	v19 =	vmul.f32 $5.000000070e-02, v19  }
0x16d: {  	v21 =	vsel vm6, v0, v2;
	v12 =	vnsel vm4, $0x1F, v12;
	v20 =	vld [tilespmem:s24+$0xFFFFFF90];
	v13 =	vshll.u32 v13, $0x5  }
0x16e: {  	v12 =	vadd.s32 v12, v21;
	v18 =	vtrunc.f32 v18;
	v19 =	vtrunc.f32 v19  }
0x16f: {  	v12 =	vadd.s32 v13, v12;
	v13 =	vcvt.f32.s32 v18;
	v18 =	vcvt.f32.s32 v19  }
0x170: {  	v10 =	vadd.s32 v10, v16;
	v14 =	vmul.f32 $5.000000070e-02, v14;
	v17 =	vmul.f32 $5.000000070e-02, v17  }
0x171: {  	vm4 =	vlt.s32 v13, $0x1F;
	vm5 =	vlt.s32 v18, $0x17;
	vm6 =	vgt.f32 v15, $0.0e+00  }
0x172: {  	v13 =	vnsel vm4, $0x1F, v13;
	v15 =	vnsel vm5, $0x17, v18;
	v16 =	vsel vm6, v0, v2  }
0x173: {  	v14 =	vtrunc.f32 v14;
	v15 =	vshll.u32 v15, $0x5;
	v13 =	vadd.s32 v13, v16  }
0x174: {  	v14 =	vcvt.f32.s32 v14;
	v16 =	vtrunc.f32 v17;
	[tilespmem:v12+s21+$0x0] =	vst.idx.add.f32.msk $0xffff, v3;
	v12 =	vadd.s32 v15, v13  }
0x175: {  	vm4 =	vgt.f32 v20, $0.0e+00;
	vm5 =	vgt.f32 v6, $0.0e+00;
	v13 =	vcvt.f32.s32 v16;
	v15 =	vld [tilespmem:s16+$0x20]  }
0x176: {  	v9 =	vnsel vm3, $0x1F, v9;
	v6 =	vsel vm4, v0, v2;
	vm6 =	vlt.s32 v14, $0x1F;
	v16 =	vld [tilespmem:s16+$0xA0]  }
0x177: {  	v14 =	vnsel vm6, $0x1F, v14;
	vm3 =	vlt.s32 v13, $0x17;
	[tilespmem:v10+s21+$0x0] =	vst.idx.add.f32.msk $0xffff, v3;
	v10 =	vnsel vm2, $0x17, v11  }
0x178: {  	v6 =	vadd.s32 v14, v6;
	v14 =	vsel vm5, v0, v2;
	v11 =	vnsel vm3, $0x17, v13;
	v13 =	vld [tilespmem:s24+$0x20]  }
0x179: {  	v9 =	vadd.s32 v9, v14;
	v11 =	vshll.u32 v11, $0x5;
	v10 =	vshll.u32 v10, $0x5;
	[tilespmem:v12+s21+$0x0] =	vst.idx.add.f32.msk $0xffff, v3  }
0x17a: {  	v6 =	vadd.s32 v11, v6;
	v9 =	vadd.s32 v10, v9;
	v11 =	vmul.f32 $5.000000070e-02, v15;
	v12 =	vld [tilespmem:s31+$0x60]  }
0x17b: {  	v8 =	vcvt.f32.s32 v8;
	v7 =	vnsel vm0, $0x1F, v7;
	v10 =	vmul.f32 $5.000000070e-02, v16;
	v14 =	vld [tilespmem:s31+$0xE0]  }
0x17c: {  	v17 =	vadd.s32 v5, v4;
	v16 =	vsel vm1, v0, v2;
	v11 =	vtrunc.f32 v11;
	v15 =	vld [tilespmem:s31+$0xFFFFFF50]  }
0x17d: {  	vm0 =	vlt.s32 v8, $0x17;
	v11 =	vcvt.f32.s32 v11;
	v4 =	vtrunc.f32 v10;
	v10 =	vld [tilespmem:s31+$0xFFFFFFD0]  }
0x17e: {  	v5 =	vnsel vm0, $0x17, v8;
	v18 =	vcvt.f32.s32 v4;
	v19 =	vld [tilespmem:s0+$0xFFFFFFD0];
	v4 =	vadd.s32 v7, v16  }
0x17f: {  	v5 =	vshll.u32 v5, $0x5;
	vm1 =	vgt.f32 v13, $0.0e+00;
	[tilespmem:v6+s21+$0x0] =	vst.idx.add.f32.msk $0xffff, v3;
	vm0 =	vlt.s32 v11, $0x1F  }
0x180: {  	v7 =	vmul.f32 $5.000000070e-02, v12;
	vm2 =	vlt.s32 v18, $0x17;
	v6 =	vld [tilespmem:s0+$0x60];
	v8 =	vmul.f32 $5.000000070e-02, v14  }
0x181: {  	v11 =	vnsel vm0, $0x1F, v11;
	v14 =	vsel vm1, v0, v2;
	v12 =	vld [tilespmem:s16+$0xFFFFFF20];
	v13 =	vnsel vm2, $0x17, v18  }
0x182: {  	v7 =	vtrunc.f32 v7;
	v16 =	vld [tilespmem:s16+$0xFFFFFFA0];
	v13 =	vshll.u32 v13, $0x5;
	v8 =	vtrunc.f32 v8  }
0x183: {  	v11 =	vadd.s32 v11, v14;
	v7 =	vcvt.f32.s32 v7;
	v18 =	vld [tilespmem:s24+$0xFFFFFFA0];
	v8 =	vcvt.f32.s32 v8  }
0x184: {  	v10 =	vmul.f32 $5.000000070e-02, v10;
	v11 =	vadd.s32 v13, v11;
	v13 =	vmul.f32 $5.000000070e-02, v15;
	[tilespmem:v9+s21+$0x0] =	vst.idx.add.f32.msk $0xffff, v3  }
0x185: {  	vm0 =	vlt.s32 v7, $0x1F;
	vm1 =	vlt.s32 v8, $0x17;
	vm2 =	vgt.f32 v6, $0.0e+00;
	v9 =	vld [tilespmem:s29+$0xFFFFFF70]  }
0x186: {  	v6 =	vnsel vm0, $0x1F, v7;
	v7 =	vnsel vm1, $0x17, v8;
	v8 =	vsel vm2, v0, v2;
	v14 =	vld [tilespmem:s29+$0xFFFFFFF0];
	s29 =	smov.u32 s31;
	s31 =	smov.u32 s16  }
0x187: {  	v12 =	vmul.f32 $5.000000070e-02, v12;
	v7 =	vshll.u32 v7, $0x5;
	v8 =	vadd.s32 v6, v8;
	v6 =	vld [tilespmem:s30+$0xFFFFFFF0];
	s30 =	smov.u32 s0;
	s0 =	smov.u32 s24  }
0x188: {  	v15 =	vmul.f32 $5.000000070e-02, v16;
	vm0 =	vgt.f32 v18, $0.0e+00;
	v7 =	vadd.s32 v7, v8;
	[tilespmem:v17+s21+$0x0] =	vst.idx.add.f32.msk $0xffff, v3  }
0x189: {  	v8 =	vtrunc.f32 v12;
	v12 =	vsel vm0, v0, v2;
	[tilespmem:v11+s21+$0x0] =	vst.idx.add.f32.msk $0xffff, v3;
	v11 =	vtrunc.f32 v13  }
0x18a: {  	v8 =	vcvt.f32.s32 v8;
	v13 =	vtrunc.f32 v15;
	vm0 =	vgt.f32 v19, $0.0e+00;
	v15 =	vld [tilespmem:s16+$0x30]  }
0x18b: {  	v10 =	vtrunc.f32 v10;
	v13 =	vcvt.f32.s32 v13;
	v17 =	vsel vm0, v0, v2;
	v16 =	vld [tilespmem:s16+$0xB0]  }
0x18c: {  	v10 =	vcvt.f32.s32 v10;
	v11 =	vcvt.f32.s32 v11;
	vm0 =	vlt.s32 v8, $0x1F;
	v18 =	vld [tilespmem:s24+$0x30]  }
0x18d: {  	v8 =	vnsel vm0, $0x1F, v8;
	vm0 =	vlt.s32 v13, $0x17;
	[tilespmem:v7+s21+$0x0] =	vst.idx.add.f32.msk $0xffff, v3;
	v7 =	vmul.f32 $5.000000070e-02, v9  }
0x18e: {  	v9 =	vnsel vm0, $0x17, v13;
	v8 =	vadd.s32 v8, v12;
	vm0 =	vlt.s32 v11, $0x1F;
	v12 =	vld [tilespmem:s29+$0x70]  }
0x18f: {  	v9 =	vshll.u32 v9, $0x5;
	v11 =	vnsel vm0, $0x1F, v11;
	vm0 =	vlt.s32 v10, $0x17;
	v13 =	vld [tilespmem:s29+$0xF0]  }
0x190: {  	v9 =	vadd.s32 v9, v8;
	v15 =	vmul.f32 $5.000000070e-02, v15;
	v16 =	vmul.f32 $5.000000070e-02, v16  }
0x191: {  	v10 =	vnsel vm0, $0x17, v10;
	v11 =	vadd.s32 v11, v17;
	v8 =	vmul.f32 $5.000000070e-02, v14  }
0x192: {  	v10 =	vshll.u32 v10, $0x5;
	v14 =	vtrunc.f32 v15;
	v15 =	vtrunc.f32 v16  }
0x193: {  	v10 =	vadd.s32 v10, v11;
	v14 =	vcvt.f32.s32 v14;
	v16 =	vcvt.f32.s32 v15  }
0x194: {  	vm0 =	vgt.f32 v18, $0.0e+00;
	v12 =	vmul.f32 $5.000000070e-02, v12;
	v11 =	vld [tilespmem:s30+$0x70];
	v15 =	vmul.f32 $5.000000070e-02, v13  }
0x195: {  	vm1 =	vlt.s32 v14, $0x1F;
	[tilespmem:v9+s21+$0x0] =	vst.idx.add.f32.msk $0xffff, v3;
	vm2 =	vlt.s32 v16, $0x17;
	v9 =	vsel vm0, v0, v2  }
0x196: {  	v17 =	vnsel vm1, $0x1F, v14;
	v12 =	vtrunc.f32 v12;
	v13 =	vld [tilespmem:s16+$0xFFFFFF30];
	v14 =	vtrunc.f32 v15  }
.Ltmp1:
0x197: {  	v16 =	vnsel vm2, $0x17, v16;
	v12 =	vcvt.f32.s32 v12;
	v15 =	vld [tilespmem:s16+$0xFFFFFFB0];
	v18 =	vcvt.f32.s32 v14;
	(pc) =	sbr.rel @p0 .LBB2_5-.Ltmp1, $4  }
0x198: {  	v7 =	vtrunc.f32 v7;
	v9 =	vadd.s32 v17, v9;
	v16 =	vshll.u32 v16, $0x5;
	v14 =	vld [tilespmem:s24+$0xFFFFFFB0]  }
0x199: {  	vm0 =	vlt.s32 v12, $0x1F;
	[tilespmem:v10+s21+$0x0] =	vst.idx.add.f32.msk $0xffff, v3;
	vm1 =	vlt.s32 v18, $0x17;
	vm2 =	vgt.f32 v11, $0.0e+00  }
0x19a: {  	v10 =	vnsel vm0, $0x1F, v12;
	v11 =	vld [tilespmem:s29+$0xFFFFFF60];
	v17 =	vnsel vm1, $0x17, v18;
	v18 =	vsel vm2, v0, v2  }
0x19b: {  	s16 =	sadd.s32 $0x200, s16;
	v16 =	vadd.s32 v16, v9;
	v12 =	vld [tilespmem:s29+$0xFFFFFFE0];
	v9 =	vshll.u32 v17, $0x5;
	v10 =	vadd.s32 v10, v18  }
0x19c: {  	v13 =	vmul.f32 $5.000000070e-02, v13;
	v15 =	vmul.f32 $5.000000070e-02, v15;
	_ =	sdelay $0x1  }
0x19d: {  	v13 =	vtrunc.f32 v13;
	v15 =	vtrunc.f32 v15  }
0x19e: {  	v13 =	vcvt.f32.s32 v13;
	v15 =	vcvt.f32.s32 v15;
	_ =	sdelay $0x1  }
0x19f: {  	[tilespmem:v16+s21+$0x0] =	vst.idx.add.f32.msk $0xffff, v3;
	vm0 =	vgt.f32 v14, $0.0e+00;
	vm1 =	vlt.s32 v13, $0x1F;
	vm2 =	vlt.s32 v15, $0x17  }
0x1a0: {  	v14 =	vld [tilespmem:s31+$0x40];
	v16 =	vsel vm0, v0, v2;
	v13 =	vnsel vm1, $0x1F, v13;
	v15 =	vnsel vm2, $0x17, v15  }
0x1a1: {  	v17 =	vld [tilespmem:s31+$0xC0];
	v15 =	vshll.u32 v15, $0x5;
	v13 =	vadd.s32 v13, v16  }
0x1a2: {  	v13 =	vadd.s32 v15, v13;
	_ =	sdelay $0x3  }
0x1a3: {  	v14 =	vmul.f32 $5.000000070e-02, v14;
	v16 =	vmul.f32 $5.000000070e-02, v17;
	v15 =	vld [tilespmem:s0+$0x40]  }
0x1a4: {  	[tilespmem:v13+s21+$0x0] =	vst.idx.add.f32.msk $0xffff, v3  }
0x1a5: {  	v13 =	vtrunc.f32 v14;
	v14 =	vtrunc.f32 v16;
	v16 =	vld [tilespmem:s31+$0xFFFFFF40]  }
0x1a6: {  	v13 =	vcvt.f32.s32 v13;
	v14 =	vcvt.f32.s32 v14;
	v17 =	vld [tilespmem:s31+$0xFFFFFFC0];
	_ =	sdelay $0x1  }
0x1a7: {  	vm13 =	vgt.f32 v15, $0.0e+00;
	vm11 =	vlt.s32 v13, $0x1F;
	vm12 =	vlt.s32 v14, $0x17  }
0x1a8: {  	v15 =	vsel vm13, v0, v2;
	v13 =	vnsel vm11, $0x1F, v13;
	v14 =	vnsel vm12, $0x17, v14  }
0x1a9: {  	v14 =	vshll.u32 v14, $0x5;
	v13 =	vadd.s32 v13, v15  }
0x1aa: {  	v13 =	vadd.s32 v14, v13;
	v14 =	vld [tilespmem:s0+$0xFFFFFFC0];
	v15 =	vmul.f32 $5.000000070e-02, v16;
	v16 =	vmul.f32 $5.000000070e-02, v17;
	_ =	sdelay $0x1  }
0x1ab: {  	v15 =	vtrunc.f32 v15;
	v16 =	vtrunc.f32 v16  }
0x1ac: {  	v15 =	vcvt.f32.s32 v15;
	v16 =	vcvt.f32.s32 v16;
	_ =	sdelay $0x1  }
0x1ad: {  	[tilespmem:v13+s21+$0x0] =	vst.idx.add.f32.msk $0xffff, v3;
	vm14 =	vgt.f32 v14, $0.0e+00;
	vm15 =	vlt.s32 v15, $0x1F;
	vm4 =	vlt.s32 v16, $0x17  }
0x1ae: {  	v14 =	vsel vm14, v0, v2;
	v15 =	vnsel vm15, $0x1F, v15;
	v17 =	vld [tilespmem:s31+$0xD0];
	v16 =	vnsel vm4, $0x17, v16  }
0x1af: {  	v13 =	vld [tilespmem:s31+$0x50];
	v16 =	vshll.u32 v16, $0x5;
	v14 =	vadd.s32 v15, v14  }
0x1b0: {  	v14 =	vadd.s32 v16, v14;
	_ =	sdelay $0x2  }
0x1b1: {  	v16 =	vmul.f32 $5.000000070e-02, v17  }
0x1b2: {  	v15 =	vld [tilespmem:s0+$0x50];
	v13 =	vmul.f32 $5.000000070e-02, v13  }
0x1b3: {  	v16 =	vtrunc.f32 v16;
	[tilespmem:v14+s21+$0x0] =	vst.idx.add.f32.msk $0xffff, v3  }
0x1b4: {  	v13 =	vtrunc.f32 v13;
	v14 =	vcvt.f32.s32 v16;
	v16 =	vld [tilespmem:s31+$0xFFFFFF50]  }
0x1b5: {  	v13 =	vcvt.f32.s32 v13;
	v17 =	vld [tilespmem:s31+$0xFFFFFFD0];
	_ =	sdelay $0x1  }
0x1b6: {  	vm7 =	vgt.f32 v15, $0.0e+00;
	vm5 =	vlt.s32 v13, $0x1F;
	vm6 =	vlt.s32 v14, $0x17  }
0x1b7: {  	v15 =	vsel vm7, v0, v2;
	v13 =	vnsel vm5, $0x1F, v13;
	v14 =	vnsel vm6, $0x17, v14  }
0x1b8: {  	v14 =	vshll.u32 v14, $0x5;
	v13 =	vadd.s32 v13, v15  }
0x1b9: {  	v13 =	vadd.s32 v14, v13;
	v14 =	vld [tilespmem:s0+$0xFFFFFFD0];
	v15 =	vmul.f32 $5.000000070e-02, v16;
	v16 =	vmul.f32 $5.000000070e-02, v17;
	_ =	sdelay $0x1  }
0x1ba: {  	v15 =	vtrunc.f32 v15;
	v16 =	vtrunc.f32 v16  }
0x1bb: {  	v15 =	vcvt.f32.s32 v15;
	v16 =	vcvt.f32.s32 v16  }
0x1bc: {  	v11 =	vmul.f32 $5.000000070e-02, v11  }
0x1bd: {  	[tilespmem:v13+s21+$0x0] =	vst.idx.add.f32.msk $0xffff, v3;
	vm8 =	vgt.f32 v14, $0.0e+00;
	vm9 =	vlt.s32 v15, $0x1F;
	vm10 =	vlt.s32 v16, $0x17  }
0x1be: {  	v13 =	vld [tilespmem:s31+$0x60];
	v17 =	vsel vm8, v0, v2;
	v15 =	vnsel vm9, $0x1F, v15;
	v16 =	vnsel vm10, $0x17, v16  }
0x1bf: {  	v12 =	vmul.f32 $5.000000070e-02, v12;
	v14 =	vld [tilespmem:s31+$0xE0];
	v15 =	vadd.s32 v15, v17;
	v16 =	vshll.u32 v16, $0x5  }
0x1c0: {  	v18 =	vld [tilespmem:s30+$0xFFFFFFE0];
	v11 =	vtrunc.f32 v11;
	v15 =	vadd.s32 v16, v15  }
0x1c1: {  	v11 =	vcvt.f32.s32 v11;
	v12 =	vtrunc.f32 v12  }
0x1c2: {  	v12 =	vcvt.f32.s32 v12  }
0x1c3: {  	vm11 =	vlt.s32 v11, $0x1F;
	v16 =	vld [tilespmem:s0+$0x60]  }
0x1c4: {  	vm12 =	vlt.s32 v12, $0x17;
	v13 =	vmul.f32 $5.000000070e-02, v13;
	v14 =	vmul.f32 $5.000000070e-02, v14  }
0x1c5: {  	vm13 =	vgt.f32 v18, $0.0e+00;
	v11 =	vnsel vm11, $0x1F, v11;
	v12 =	vnsel vm12, $0x17, v12;
	[tilespmem:v15+s21+$0x0] =	vst.idx.add.f32.msk $0xffff, v3  }
0x1c6: {  	v13 =	vtrunc.f32 v13;
	v14 =	vtrunc.f32 v14;
	v15 =	vsel vm13, v0, v2;
	v17 =	vld [tilespmem:s31+$0xFFFFFF60]  }
0x1c7: {  	v13 =	vcvt.f32.s32 v13;
	v14 =	vcvt.f32.s32 v14;
	v11 =	vadd.s32 v11, v15;
	v15 =	vld [tilespmem:s31+$0xFFFFFFE0]  }
0x1c8: {  	v12 =	vshll.u32 v12, $0x5;
	vm4 =	vgt.f32 v16, $0.0e+00  }
0x1c9: {  	v11 =	vadd.s32 v12, v11;
	vm14 =	vlt.s32 v13, $0x1F;
	vm15 =	vlt.s32 v14, $0x17  }
0x1ca: {  	v16 =	vsel vm4, v0, v2;
	v13 =	vnsel vm14, $0x1F, v13;
	v14 =	vnsel vm15, $0x17, v14  }
0x1cb: {  	v12 =	vshll.u32 v14, $0x5;
	v13 =	vadd.s32 v13, v16  }
0x1cc: {  	v12 =	vadd.s32 v12, v13;
	v13 =	vmul.f32 $5.000000070e-02, v17;
	v14 =	vmul.f32 $5.000000070e-02, v15;
	v15 =	vld [tilespmem:s0+$0xFFFFFFE0]  }
0x1cd: {  	v7 =	vcvt.f32.s32 v7;
	v8 =	vtrunc.f32 v8  }
0x1ce: {  	[tilespmem:v11+s21+$0x0] =	vst.idx.add.f32.msk $0xffff, v3;
	v13 =	vtrunc.f32 v13;
	v14 =	vtrunc.f32 v14  }
0x1cf: {  	vm8 =	vlt.s32 v7, $0x1F;
	v16 =	vld [tilespmem:s29+$0xFFFFFF70];
	v11 =	vcvt.f32.s32 v13;
	v13 =	vcvt.f32.s32 v14  }
0x1d0: {  	vm9 =	vgt.f32 v6, $0.0e+00;
	v6 =	vnsel vm8, $0x1F, v7;
	v7 =	vcvt.f32.s32 v8;
	v8 =	vld [tilespmem:s29+$0xFFFFFFF0]  }
0x1d1: {  	[tilespmem:v12+s21+$0x0] =	vst.idx.add.f32.msk $0xffff, v3;
	vm5 =	vlt.s32 v11, $0x1F;
	vm6 =	vlt.s32 v13, $0x17;
	vm7 =	vgt.f32 v15, $0.0e+00  }
0x1d2: {  	v12 =	vld [tilespmem:s31+$0x70];
	v11 =	vnsel vm5, $0x1F, v11;
	v13 =	vnsel vm6, $0x17, v13;
	v15 =	vsel vm7, v0, v2  }
0x1d3: {  	v14 =	vld [tilespmem:s31+$0xF0];
	v13 =	vshll.u32 v13, $0x5;
	v11 =	vadd.s32 v11, v15  }
0x1d4: {  	v11 =	vadd.s32 v13, v11;
	_ =	sdelay $0x1  }
0x1d5: {  	v9 =	vadd.s32 v9, v10;
	v4 =	vadd.s32 v5, v4;
	v8 =	vmul.f32 $5.000000070e-02, v8  }
0x1d6: {  	v10 =	vsel vm9, v0, v2;
	v5 =	vld [tilespmem:s30+$0xFFFFFFF0];
	v15 =	vmul.f32 $5.000000070e-02, v16;
	v12 =	vmul.f32 $5.000000070e-02, v12  }
0x1d7: {  	v6 =	vadd.s32 v6, v10;
	v13 =	vld [tilespmem:s0+$0x70];
	v8 =	vtrunc.f32 v8;
	v14 =	vmul.f32 $5.000000070e-02, v14  }
0x1d8: {  	vm10 =	vlt.s32 v7, $0x17;
	v8 =	vcvt.f32.s32 v8;
	v12 =	vtrunc.f32 v12;
	[tilespmem:v11+s21+$0x0] =	vst.idx.add.f32.msk $0xffff, v3  }
0x1d9: {  	v7 =	vnsel vm10, $0x17, v7;
	v14 =	vtrunc.f32 v14;
	v10 =	vcvt.f32.s32 v12;
	v12 =	vld [tilespmem:s31+$0xFFFFFF70]  }
0x1da: {  	v7 =	vshll.u32 v7, $0x5;
	v11 =	vcvt.f32.s32 v14;
	v14 =	vtrunc.f32 v15;
	v15 =	vld [tilespmem:s31+$0xFFFFFFF0]  }
0x1db: {  	v6 =	vadd.s32 v7, v6  }
0x1dc: {  	vm15 =	vgt.f32 v5, $0.0e+00;
	vm4 =	vlt.s32 v8, $0x17;
	vm13 =	vgt.f32 v13, $0.0e+00  }
0x1dd: {  	v8 =	vnsel vm4, $0x17, v8;
	v13 =	vcvt.f32.s32 v14;
	vm11 =	vlt.s32 v10, $0x1F  }
0x1de: {  	v5 =	vld [tilespmem:s0+$0xFFFFFFF0];
	v14 =	vsel vm13, v0, v2;
	vm12 =	vlt.s32 v11, $0x17;
	v10 =	vnsel vm11, $0x1F, v10  }
0x1df: {  	v10 =	vadd.s32 v10, v14;
	v12 =	vmul.f32 $5.000000070e-02, v12;
	v14 =	vmul.f32 $5.000000070e-02, v15  }
0x1e0: {  	v8 =	vshll.u32 v8, $0x5;
	v11 =	vnsel vm12, $0x17, v11;
	vm14 =	vlt.s32 v13, $0x1F  }
0x1e1: {  	v11 =	vshll.u32 v11, $0x5;
	v12 =	vtrunc.f32 v12;
	v14 =	vtrunc.f32 v14  }
0x1e2: {  	v10 =	vadd.s32 v11, v10;
	v12 =	vcvt.f32.s32 v12;
	v14 =	vcvt.f32.s32 v14  }
0x1e3: {  	v11 =	vnsel vm14, $0x1F, v13;
	v13 =	vsel vm15, v0, v2;
	vm6 =	vgt.f32 v5, $0.0e+00  }
0x1e4: {  	v7 =	vadd.s32 v11, v13;
	vm5 =	vlt.s32 v12, $0x1F;
	vm7 =	vlt.s32 v14, $0x17  }
0x1e5: {  	v11 =	vsel vm6, v0, v2;
	v5 =	vnsel vm5, $0x1F, v12;
	v12 =	vnsel vm7, $0x17, v14  }
0x1e6: {  	v7 =	vadd.s32 v8, v7;
	v5 =	vadd.s32 v5, v11;
	v8 =	vshll.u32 v12, $0x5  }
0x1e7: {  	[tilespmem:v9+s21+$0x0] =	vst.idx.add.f32.msk $0xffff, v3;
	v5 =	vadd.s32 v8, v5  }
0x1e8: {  	[tilespmem:v4+s21+$0x0] =	vst.idx.add.f32.msk $0xffff, v3  }
0x1e9: {  	p0 =	seq.s32 s28, $0x7;
	[tilespmem:v6+s21+$0x0] =	vst.idx.add.f32.msk $0xffff, v3;
	s29 =	sshll.u32 s28, $0x11  }
0x1ea: {  	s0 =	sadd.s32 @!p0 s29, s9;
	[tilespmem:v10+s21+$0x0] =	vst.idx.add.f32.msk $0xffff, v3  }
0x1eb: {  	s16 =	simm.s32 @!p0 $0x100;
	s0 =	sshrl.u32 @!p0 s0, $0x3;
	[tilespmem:v7+s21+$0x0] =	vst.idx.add.f32.msk $0xffff, v3  }
0x1ec: {  	s24 =	simm.s32 @!p0 $0x200;
	s25 =	simm.s32 @!p0 $0x0;
	s1 =	sadd.s32 @!p0 s2, s0;
	[tilespmem:v5+s21+$0x0] =	vst.idx.add.f32.msk $0xffff, v3  }
0x1ed: {  	[tilespmem:s25], [sflag:$0x1] =	stream.strided.gather @!p0 [hbm4b:s1+s16], $0x8000, s24, s16, $0x38;
	[tilespmem:$0x1E600] =	vst v63  }
0x1ee: {  	s0 =	sadd.s32 @!p0 s0, s5;
	s1 =	simm.s32 @!p0 $0x80;
	s16 =	simm.s32 @!p0 $0x10000  }
0x1ef: {  	[tilespmem:s16], [sflag:$0x3] =	stream.strided.gather @!p0 [hbm4b:s0+s1], $0x4000, s24, s1, $0x38;
	[tilespmem:$0x1E600] =	vst v63  }
0x1f0: {  	_ =	swait.ge [sflag:s22], $0x8000  }
0x1f1: {  	[sflag:s22] =	ssyncset.done $0x0  }
0x1f2: {  	[sflag:s22] =	ssyncadd.s32 $0xFFFF8000  }
0x1f3: {  	_ =	swait.ge [sflag:s23], $0x4000  }
0x1f4: {  	[sflag:s23] =	ssyncset.done $0x0  }
0x1f5: {  	s25 =	simm.s32 $0x8100;
	[sflag:s23] =	ssyncadd.s32 $0xFFFFC000  }
0x1f6: {  	v4 =	vld [tilespmem:s25+$0x0]  }
0x1f7: {  	v5 =	vld [tilespmem:s25+$0x80];
	_ =	sdelay $0x3  }
0x1f8: {  	s24 =	simm.s32 $0x14080  }
0x1f9: {  	v6 =	vld [tilespmem:s24+$0x0];
	v4 =	vmul.f32 $5.000000070e-02, v4;
	v5 =	vmul.f32 $5.000000070e-02, v5;
	_ =	sdelay $0x1  }
0x1fa: {  	v4 =	vtrunc.f32 v4;
	v5 =	vtrunc.f32 v5  }
0x1fb: {  	v4 =	vcvt.f32.s32 v4;
	v5 =	vcvt.f32.s32 v5;
	_ =	sdelay $0x1  }
0x1fc: {  	vm9 =	vgt.f32 v6, $0.0e+00;
	vm8 =	vlt.s32 v4, $0x1F;
	vm10 =	vlt.s32 v5, $0x17  }
0x1fd: {  	v6 =	vsel vm9, v0, v2;
	v4 =	vnsel vm8, $0x1F, v4;
	v5 =	vnsel vm10, $0x17, v5  }
0x1fe: {  	v7 =	vld [tilespmem:s25+$0xFFFFFF80];
	v5 =	vshll.u32 v5, $0x5;
	v4 =	vadd.s32 v4, v6  }
0x1ff: {  	v6 =	vld [tilespmem:s25+$0xFFFFFF00];
	v4 =	vadd.s32 v5, v4;
	_ =	sdelay $0x3  }
0x200: {  	v5 =	vmul.f32 $5.000000070e-02, v7;
	v7 =	vld [tilespmem:s24+$0xFFFFFF80]  }
0x201: {  	v6 =	vmul.f32 $5.000000070e-02, v6;
	[tilespmem:v4+s21+$0x0] =	vst.idx.add.f32.msk $0xffff, v3  }
0x202: {  	v4 =	vtrunc.f32 v5;
	v5 =	vld [tilespmem:s25+$0x10]  }
0x203: {  	v4 =	vcvt.f32.s32 v4;
	v6 =	vtrunc.f32 v6;
	v8 =	vld [tilespmem:s25+$0x90]  }
0x204: {  	v6 =	vcvt.f32.s32 v6  }
0x205: {  	vm11 =	vlt.s32 v4, $0x17  }
0x206: {  	vm12 =	vgt.f32 v7, $0.0e+00;
	v4 =	vnsel vm11, $0x17, v4;
	vm13 =	vlt.s32 v6, $0x1F  }
0x207: {  	v7 =	vsel vm12, v0, v2;
	v4 =	vshll.u32 v4, $0x5;
	v6 =	vnsel vm13, $0x1F, v6  }
0x208: {  	v6 =	vadd.s32 v6, v7;
	v7 =	vld [tilespmem:s24+$0x10];
	v5 =	vmul.f32 $5.000000070e-02, v5;
	v8 =	vmul.f32 $5.000000070e-02, v8  }
0x209: {  	v4 =	vadd.s32 v4, v6  }
0x20a: {  	v5 =	vtrunc.f32 v5;
	v6 =	vtrunc.f32 v8  }
0x20b: {  	v5 =	vcvt.f32.s32 v5;
	v6 =	vcvt.f32.s32 v6;
	_ =	sdelay $0x1  }
0x20c: {  	vm14 =	vlt.s32 v5, $0x1F;
	vm15 =	vlt.s32 v6, $0x17;
	vm4 =	vgt.f32 v7, $0.0e+00  }
0x20d: {  	[tilespmem:v4+s21+$0x0] =	vst.idx.add.f32.msk $0xffff, v3;
	v4 =	vnsel vm15, $0x17, v6;
	v5 =	vnsel vm14, $0x1F, v5;
	v6 =	vsel vm4, v0, v2  }
0x20e: {  	v7 =	vld [tilespmem:s25+$0xFFFFFF10];
	v4 =	vshll.u32 v4, $0x5;
	v5 =	vadd.s32 v5, v6  }
0x20f: {  	v6 =	vld [tilespmem:s25+$0xFFFFFF90];
	v4 =	vadd.s32 v4, v5;
	_ =	sdelay $0x3  }
0x210: {  	v5 =	vld [tilespmem:s24+$0xFFFFFF90];
	v7 =	vmul.f32 $5.000000070e-02, v7  }
0x211: {  	v6 =	vmul.f32 $5.000000070e-02, v6;
	[tilespmem:v4+s21+$0x0] =	vst.idx.add.f32.msk $0xffff, v3  }
0x212: {  	v4 =	vtrunc.f32 v7;
	v7 =	vld [tilespmem:s25+$0x20]  }
0x213: {  	v6 =	vtrunc.f32 v6;
	v8 =	vld [tilespmem:s25+$0xA0];
	v4 =	vcvt.f32.s32 v4  }
0x214: {  	v6 =	vcvt.f32.s32 v6  }
0x215: {  	vm5 =	vgt.f32 v5, $0.0e+00;
	vm6 =	vlt.s32 v4, $0x1F  }
0x216: {  	v5 =	vsel vm5, v0, v2;
	vm7 =	vlt.s32 v6, $0x17;
	v4 =	vnsel vm6, $0x1F, v4  }
0x217: {  	v6 =	vnsel vm7, $0x17, v6;
	v4 =	vadd.s32 v4, v5  }
0x218: {  	v5 =	vld [tilespmem:s24+$0x20];
	v6 =	vshll.u32 v6, $0x5;
	v7 =	vmul.f32 $5.000000070e-02, v7;
	v8 =	vmul.f32 $5.000000070e-02, v8  }
0x219: {  	v4 =	vadd.s32 v6, v4  }
0x21a: {  	v6 =	vtrunc.f32 v7;
	v7 =	vtrunc.f32 v8  }
0x21b: {  	v6 =	vcvt.f32.s32 v6;
	v7 =	vcvt.f32.s32 v7;
	_ =	sdelay $0x1  }
0x21c: {  	vm8 =	vlt.s32 v6, $0x1F;
	vm9 =	vgt.f32 v5, $0.0e+00;
	vm10 =	vlt.s32 v7, $0x17  }
0x21d: {  	[tilespmem:v4+s21+$0x0] =	vst.idx.add.f32.msk $0xffff, v3;
	v4 =	vnsel vm8, $0x1F, v6;
	v5 =	vnsel vm10, $0x17, v7;
	v6 =	vsel vm9, v0, v2  }
0x21e: {  	v7 =	vld [tilespmem:s25+$0xFFFFFF20];
	v5 =	vshll.u32 v5, $0x5;
	v4 =	vadd.s32 v4, v6  }
0x21f: {  	v6 =	vld [tilespmem:s25+$0xFFFFFFA0];
	v4 =	vadd.s32 v5, v4;
	_ =	sdelay $0x3  }
0x220: {  	v5 =	vld [tilespmem:s24+$0xFFFFFFA0];
	v7 =	vmul.f32 $5.000000070e-02, v7  }
0x221: {  	v6 =	vmul.f32 $5.000000070e-02, v6;
	[tilespmem:v4+s21+$0x0] =	vst.idx.add.f32.msk $0xffff, v3  }
0x222: {  	v4 =	vtrunc.f32 v7;
	v7 =	vld [tilespmem:s25+$0x30]  }
0x223: {  	v6 =	vtrunc.f32 v6;
	v8 =	vld [tilespmem:s25+$0xB0];
	v4 =	vcvt.f32.s32 v4  }
0x224: {  	v6 =	vcvt.f32.s32 v6  }
0x225: {  	vm11 =	vgt.f32 v5, $0.0e+00;
	vm12 =	vlt.s32 v4, $0x1F  }
0x226: {  	v5 =	vsel vm11, v0, v2;
	vm13 =	vlt.s32 v6, $0x17;
	v4 =	vnsel vm12, $0x1F, v4  }
0x227: {  	v6 =	vnsel vm13, $0x17, v6;
	v4 =	vadd.s32 v4, v5  }
0x228: {  	v5 =	vld [tilespmem:s24+$0x30];
	v6 =	vshll.u32 v6, $0x5;
	v7 =	vmul.f32 $5.000000070e-02, v7;
	v8 =	vmul.f32 $5.000000070e-02, v8  }
0x229: {  	v4 =	vadd.s32 v6, v4  }
0x22a: {  	v6 =	vtrunc.f32 v7;
	v7 =	vtrunc.f32 v8  }
0x22b: {  	v6 =	vcvt.f32.s32 v6;
	v7 =	vcvt.f32.s32 v7;
	_ =	sdelay $0x1  }
0x22c: {  	vm14 =	vgt.f32 v5, $0.0e+00;
	vm15 =	vlt.s32 v6, $0x1F;
	vm4 =	vlt.s32 v7, $0x17  }
0x22d: {  	[tilespmem:v4+s21+$0x0] =	vst.idx.add.f32.msk $0xffff, v3;
	v4 =	vsel vm14, v0, v2;
	v5 =	vnsel vm15, $0x1F, v6;
	v6 =	vnsel vm4, $0x17, v7  }
0x22e: {  	s16 =	simm.s32 $0x8300;
	v7 =	vld [tilespmem:s25+$0xFFFFFF30];
	v6 =	vshll.u32 v6, $0x5;
	v4 =	vadd.s32 v5, v4  }
0x22f: {  	v5 =	vld [tilespmem:s16+$0x0];
	v4 =	vadd.s32 v6, v4  }
0x230: {  	v6 =	vld [tilespmem:s16+$0x80]  }
0x231: {  	s0 =	simm.s32 $0x14180;
	v8 =	vld [tilespmem:s16+$0xFFFFFF80]  }
0x232: {  	v10 =	vld [tilespmem:s0+$0x0]  }
0x233: {  	v12 =	vld [tilespmem:s16+$0xFFFFFF00]  }
0x234: {  	[tilespmem:v4+s21+$0x0] =	vst.idx.add.f32.msk $0xffff, v3;
	v4 =	vmul.f32 $5.000000070e-02, v5  }
0x235: {  	v5 =	vmul.f32 $5.000000070e-02, v7;
	v6 =	vmul.f32 $5.000000070e-02, v6;
	v7 =	vld [tilespmem:s25+$0x40]  }
0x236: {  	v8 =	vmul.f32 $5.000000070e-02, v8;
	v11 =	vld [tilespmem:s25+$0xC0];
	v4 =	vtrunc.f32 v4  }
0x237: {  	v9 =	vld [tilespmem:s25+$0xFFFFFFB0];
	v6 =	vtrunc.f32 v6;
	v4 =	vcvt.f32.s32 v4  }
0x238: {  	v12 =	vmul.f32 $5.000000070e-02, v12;
	vm6 =	vgt.f32 v10, $0.0e+00;
	v6 =	vcvt.f32.s32 v6  }
0x239: {  	v10 =	vsel vm6, v0, v2;
	v8 =	vtrunc.f32 v8;
	vm5 =	vlt.s32 v4, $0x1F  }
0x23a: {  	v8 =	vcvt.f32.s32 v8;
	v13 =	vld [tilespmem:s24+$0x40];
	vm7 =	vlt.s32 v6, $0x17;
	v4 =	vnsel vm5, $0x1F, v4  }
0x23b: {  	v6 =	vnsel vm7, $0x17, v6;
	v7 =	vmul.f32 $5.000000070e-02, v7;
	v11 =	vmul.f32 $5.000000070e-02, v11  }
0x23c: {  	v9 =	vmul.f32 $5.000000070e-02, v9;
	v6 =	vshll.u32 v6, $0x5;
	v4 =	vadd.s32 v4, v10  }
0x23d: {  	v4 =	vadd.s32 v6, v4;
	v6 =	vtrunc.f32 v7;
	v7 =	vtrunc.f32 v11  }
0x23e: {  	v10 =	vld [tilespmem:s0+$0xFFFFFF80];
	v6 =	vcvt.f32.s32 v6;
	v7 =	vcvt.f32.s32 v7  }
0x23f: {  	vm11 =	vlt.s32 v8, $0x17;
	vm10 =	vgt.f32 v13, $0.0e+00;
	v11 =	vtrunc.f32 v12  }
0x240: {  	v11 =	vcvt.f32.s32 v11;
	vm8 =	vlt.s32 v6, $0x1F;
	vm9 =	vlt.s32 v7, $0x17  }
0x241: {  	v13 =	vsel vm10, v0, v2;
	v12 =	vld [tilespmem:s24+$0xFFFFFFB0];
	v6 =	vnsel vm8, $0x1F, v6;
	v7 =	vnsel vm9, $0x17, v7  }
0x242: {  	vm13 =	vlt.s32 v11, $0x1F;
	[tilespmem:v4+s21+$0x0] =	vst.idx.add.f32.msk $0xffff, v3;
	v4 =	vshll.u32 v7, $0x5;
	v6 =	vadd.s32 v6, v13  }
0x243: {  	vm12 =	vgt.f32 v10, $0.0e+00;
	v7 =	vtrunc.f32 v9;
	v9 =	vld [tilespmem:s16+$0x10];
	v4 =	vadd.s32 v4, v6  }
0x244: {  	v8 =	vnsel vm11, $0x17, v8;
	v11 =	vnsel vm13, $0x1F, v11;
	v10 =	vsel vm12, v0, v2;
	v6 =	vld [tilespmem:s16+$0x90]  }
0x245: {  	v8 =	vshll.u32 v8, $0x5;
	v5 =	vtrunc.f32 v5;
	v10 =	vadd.s32 v11, v10  }
0x246: {  	v5 =	vcvt.f32.s32 v5;
	v8 =	vadd.s32 v8, v10  }
0x247: {  	v7 =	vcvt.f32.s32 v7;
	v10 =	vld [tilespmem:s0+$0x10]  }
0x248: {  	vm4 =	vlt.s32 v5, $0x1F;
	vm14 =	vgt.f32 v12, $0.0e+00;
	[tilespmem:v4+s21+$0x0] =	vst.idx.add.f32.msk $0xffff, v3  }
0x249: {  	vm15 =	vlt.s32 v7, $0x17;
	v4 =	vmul.f32 $5.000000070e-02, v9;
	v6 =	vmul.f32 $5.000000070e-02, v6;
	v9 =	vld [tilespmem:s25+$0x50]  }
0x24a: {  	v5 =	vnsel vm4, $0x1F, v5;
	v11 =	vsel vm14, v0, v2;
	v7 =	vnsel vm15, $0x17, v7;
	v12 =	vld [tilespmem:s25+$0xD0]  }
0x24b: {  	v5 =	vadd.s32 v5, v11;
	v7 =	vshll.u32 v7, $0x5;
	[tilespmem:v8+s21+$0x0] =	vst.idx.add.f32.msk $0xffff, v3;
	v6 =	vtrunc.f32 v6  }
0x24c: {  	v5 =	vadd.s32 v7, v5;
	v4 =	vtrunc.f32 v4;
	v7 =	vld [tilespmem:s16+$0xFFFFFF10];
	v6 =	vcvt.f32.s32 v6  }
0x24d: {  	v4 =	vcvt.f32.s32 v4  }
0x24e: {  	vm7 =	vgt.f32 v10, $0.0e+00;
	v10 =	vld [tilespmem:s24+$0x50];
	vm6 =	vlt.s32 v6, $0x17  }
0x24f: {  	v8 =	vld [tilespmem:s16+$0xFFFFFF90];
	vm5 =	vlt.s32 v4, $0x1F;
	v9 =	vmul.f32 $5.000000070e-02, v9;
	v6 =	vnsel vm6, $0x17, v6  }
0x250: {  	v11 =	vmul.f32 $5.000000070e-02, v12;
	v4 =	vnsel vm5, $0x1F, v4;
	v12 =	vsel vm7, v0, v2  }
0x251: {  	[tilespmem:v5+s21+$0x0] =	vst.idx.add.f32.msk $0xffff, v3;
	v6 =	vshll.u32 v6, $0x5;
	v4 =	vadd.s32 v4, v12;
	v7 =	vmul.f32 $5.000000070e-02, v7  }
0x252: {  	v12 =	vld [tilespmem:s0+$0xFFFFFF90];
	v9 =	vtrunc.f32 v9;
	v5 =	vtrunc.f32 v11;
	v4 =	vadd.s32 v6, v4  }
0x253: {  	vm10 =	vgt.f32 v10, $0.0e+00;
	v11 =	vld [tilespmem:s25+$0xFFFFFF40];
	v9 =	vcvt.f32.s32 v9;
	v5 =	vcvt.f32.s32 v5  }
0x254: {  	v8 =	vmul.f32 $5.000000070e-02, v8;
	v10 =	vsel vm10, v0, v2;
	v6 =	vld [tilespmem:s25+$0xFFFFFFC0]  }
0x255: {  	v7 =	vtrunc.f32 v7;
	vm8 =	vlt.s32 v9, $0x1F;
	vm9 =	vlt.s32 v5, $0x17  }
0x256: {  	v13 =	vld [tilespmem:s24+$0xFFFFFFC0];
	v8 =	vtrunc.f32 v8;
	v9 =	vnsel vm8, $0x1F, v9;
	v5 =	vnsel vm9, $0x17, v5  }
0x257: {  	v7 =	vcvt.f32.s32 v7;
	v5 =	vshll.u32 v5, $0x5;
	v9 =	vadd.s32 v9, v10;
	[tilespmem:v4+s21+$0x0] =	vst.idx.add.f32.msk $0xffff, v3  }
0x258: {  	vm11 =	vgt.f32 v12, $0.0e+00;
	v4 =	vadd.s32 v5, v9;
	v5 =	vcvt.f32.s32 v8;
	v9 =	vld [tilespmem:s16+$0x20]  }
0x259: {  	vm12 =	vlt.s32 v7, $0x1F;
	v6 =	vmul.f32 $5.000000070e-02, v6;
	v8 =	vmul.f32 $5.000000070e-02, v11;
	v10 =	vld [tilespmem:s16+$0xA0]  }
0x25a: {  	v7 =	vnsel vm12, $0x1F, v7;
	v11 =	vsel vm11, v0, v2;
	vm13 =	vlt.s32 v5, $0x17  }
0x25b: {  	v7 =	vadd.s32 v7, v11;
	v8 =	vtrunc.f32 v8;
	v5 =	vnsel vm13, $0x17, v5  }
0x25c: {  	v11 =	vld [tilespmem:s0+$0x20];
	v6 =	vtrunc.f32 v6;
	v8 =	vcvt.f32.s32 v8;
	v5 =	vshll.u32 v5, $0x5  }
0x25d: {  	vm14 =	vgt.f32 v13, $0.0e+00;
	[tilespmem:v4+s21+$0x0] =	vst.idx.add.f32.msk $0xffff, v3;
	v4 =	vadd.s32 v5, v7;
	v5 =	vcvt.f32.s32 v6  }
0x25e: {  	v6 =	vmul.f32 $5.000000070e-02, v9;
	vm15 =	vlt.s32 v8, $0x1F;
	v10 =	vmul.f32 $5.000000070e-02, v10;
	v7 =	vld [tilespmem:s25+$0x60]  }
0x25f: {  	v9 =	vsel vm14, v0, v2;
	v12 =	vld [tilespmem:s25+$0xE0];
	v8 =	vnsel vm15, $0x1F, v8;
	vm4 =	vlt.s32 v5, $0x17  }
0x260: {  	v6 =	vtrunc.f32 v6;
	v10 =	vtrunc.f32 v10;
	v5 =	vnsel vm4, $0x17, v5  }
0x261: {  	v8 =	vadd.s32 v8, v9;
	v6 =	vcvt.f32.s32 v6;
	v5 =	vshll.u32 v5, $0x5  }
0x262: {  	v9 =	vcvt.f32.s32 v10;
	[tilespmem:v4+s21+$0x0] =	vst.idx.add.f32.msk $0xffff, v3;
	v4 =	vadd.s32 v5, v8  }
0x263: {  	vm6 =	vgt.f32 v11, $0.0e+00;
	vm5 =	vlt.s32 v6, $0x1F;
	v5 =	vld [tilespmem:s24+$0x60]  }
0x264: {  	vm7 =	vlt.s32 v9, $0x17;
	v7 =	vmul.f32 $5.000000070e-02, v7;
	v8 =	vmul.f32 $5.000000070e-02, v12;
	v10 =	vld [tilespmem:s16+$0xFFFFFF20]  }
0x265: {  	v11 =	vsel vm6, v0, v2;
	v6 =	vnsel vm5, $0x1F, v6;
	v9 =	vnsel vm7, $0x17, v9;
	v12 =	vld [tilespmem:s16+$0xFFFFFFA0]  }
0x266: {  	v9 =	vshll.u32 v9, $0x5;
	v7 =	vtrunc.f32 v7;
	v8 =	vtrunc.f32 v8  }
0x267: {  	v6 =	vadd.s32 v6, v11;
	v7 =	vcvt.f32.s32 v7;
	v8 =	vcvt.f32.s32 v8;
	[tilespmem:v4+s21+$0x0] =	vst.idx.add.f32.msk $0xffff, v3  }
0x268: {  	v4 =	vadd.s32 v9, v6;
	vm10 =	vgt.f32 v5, $0.0e+00;
	v5 =	vld [tilespmem:s0+$0xFFFFFFA0]  }
0x269: {  	s30 =	simm.s32 $0x8500;
	v6 =	vld [tilespmem:s25+$0xFFFFFF50];
	vm8 =	vlt.s32 v7, $0x1F;
	vm9 =	vlt.s32 v8, $0x17  }
0x26a: {  	v16 =	vld [tilespmem:s30+$0xFFFFFF00];
	v9 =	vmul.f32 $5.000000070e-02, v10;
	v10 =	vmul.f32 $5.000000070e-02, v12;
	v8 =	vnsel vm9, $0x17, v8  }
0x26b: {  	v11 =	vsel vm10, v0, v2;
	v12 =	vld [tilespmem:s25+$0xFFFFFFD0];
	v7 =	vnsel vm8, $0x1F, v7;
	v8 =	vshll.u32 v8, $0x5  }
0x26c: {  	v7 =	vadd.s32 v7, v11;
	v9 =	vtrunc.f32 v9;
	v10 =	vtrunc.f32 v10;
	v11 =	vld [tilespmem:s24+$0xFFFFFFD0]  }
0x26d: {  	v7 =	vadd.s32 v8, v7;
	v8 =	vcvt.f32.s32 v9;
	v9 =	vcvt.f32.s32 v10;
	[tilespmem:v4+s21+$0x0] =	vst.idx.add.f32.msk $0xffff, v3  }
0x26e: {  	vm11 =	vgt.f32 v5, $0.0e+00;
	v6 =	vmul.f32 $5.000000070e-02, v6;
	v4 =	vld [tilespmem:s16+$0x30]  }
0x26f: {  	vm12 =	vlt.s32 v8, $0x1F;
	vm13 =	vlt.s32 v9, $0x17;
	v5 =	vsel vm11, v0, v2;
	v10 =	vld [tilespmem:s16+$0xB0]  }
0x270: {  	v12 =	vmul.f32 $5.000000070e-02, v12;
	v13 =	vld [tilespmem:s0+$0x30];
	v8 =	vnsel vm12, $0x1F, v8;
	v9 =	vnsel vm13, $0x17, v9  }
0x271: {  	v5 =	vadd.s32 v8, v5;
	v8 =	vshll.u32 v9, $0x5;
	v6 =	vtrunc.f32 v6  }
0x272: {  	[tilespmem:v7+s21+$0x0] =	vst.idx.add.f32.msk $0xffff, v3;
	v5 =	vadd.s32 v8, v5;
	v7 =	vtrunc.f32 v12;
	v6 =	vcvt.f32.s32 v6  }
0x273: {  	v16 =	vmul.f32 $5.000000070e-02, v16;
	vm14 =	vgt.f32 v11, $0.0e+00;
	v8 =	vld [tilespmem:s25+$0x70];
	v7 =	vcvt.f32.s32 v7  }
0x274: {  	v11 =	vsel vm14, v0, v2;
	v9 =	vld [tilespmem:s25+$0xF0];
	vm15 =	vlt.s32 v6, $0x1F;
	v4 =	vmul.f32 $5.000000070e-02, v4  }
0x275: {  	v10 =	vmul.f32 $5.000000070e-02, v10;
	vm5 =	vgt.f32 v13, $0.0e+00;
	v13 =	vld [tilespmem:s24+$0x70];
	vm4 =	vlt.s32 v7, $0x17  }
0x276: {  	v6 =	vnsel vm15, $0x1F, v6;
	v12 =	vsel vm5, v0, v2;
	v7 =	vnsel vm4, $0x17, v7  }
0x277: {  	v4 =	vtrunc.f32 v4;
	v10 =	vtrunc.f32 v10;
	[tilespmem:v5+s21+$0x0] =	vst.idx.add.f32.msk $0xffff, v3;
	v5 =	vadd.s32 v6, v11  }
0x278: {  	v4 =	vcvt.f32.s32 v4;
	v6 =	vcvt.f32.s32 v10;
	v7 =	vshll.u32 v7, $0x5;
	v10 =	vld [tilespmem:s16+$0xFFFFFF30]  }
0x279: {  	v8 =	vmul.f32 $5.000000070e-02, v8;
	v9 =	vmul.f32 $5.000000070e-02, v9;
	v11 =	vld [tilespmem:s16+$0xFFFFFFB0];
	v5 =	vadd.s32 v7, v5  }
0x27a: {  	v14 =	vld [tilespmem:s0+$0xFFFFFFB0];
	vm6 =	vlt.s32 v4, $0x1F;
	vm7 =	vlt.s32 v6, $0x17;
	vm10 =	vgt.f32 v13, $0.0e+00  }
0x27b: {  	s31 =	simm.s32 $0x14280;
	v7 =	vld [tilespmem:s30+$0xFFFFFF80];
	v4 =	vnsel vm6, $0x1F, v4;
	v8 =	vtrunc.f32 v8;
	v6 =	vnsel vm7, $0x17, v6  }
0x27c: {  	v13 =	vld [tilespmem:s31+$0x0];
	v9 =	vtrunc.f32 v9;
	v6 =	vshll.u32 v6, $0x5;
	v4 =	vadd.s32 v4, v12  }
0x27d: {  	v8 =	vcvt.f32.s32 v8;
	v9 =	vcvt.f32.s32 v9;
	v4 =	vadd.s32 v6, v4;
	v6 =	vld [tilespmem:s30+$0x0]  }
0x27e: {  	v12 =	vld [tilespmem:s30+$0x80];
	v10 =	vmul.f32 $5.000000070e-02, v10;
	v11 =	vmul.f32 $5.000000070e-02, v11  }
0x27f: {  	vm8 =	vlt.s32 v8, $0x1F;
	vm9 =	vlt.s32 v9, $0x17;
	vm3 =	vgt.f32 v14, $0.0e+00  }
0x280: {  	v7 =	vmul.f32 $5.000000070e-02, v7;
	v8 =	vnsel vm8, $0x1F, v8;
	v10 =	vtrunc.f32 v10  }
0x281: {  	v14 =	vsel vm3, v0, v2;
	v11 =	vtrunc.f32 v11;
	v10 =	vcvt.f32.s32 v10  }
0x282: {  	vm14 =	vgt.f32 v13, $0.0e+00;
	v11 =	vcvt.f32.s32 v11;
	[tilespmem:v4+s21+$0x0] =	vst.idx.add.f32.msk $0xffff, v3;
	v4 =	vmul.f32 $5.000000070e-02, v6  }
0x283: {  	v9 =	vnsel vm9, $0x17, v9;
	v6 =	vmul.f32 $5.000000070e-02, v12;
	vm11 =	vlt.s32 v10, $0x1F;
	v12 =	vld [tilespmem:s16+$0x40]  }
0x284: {  	vm12 =	vlt.s32 v11, $0x17;
	v15 =	vld [tilespmem:s16+$0xC0];
	v10 =	vnsel vm11, $0x1F, v10;
	v4 =	vtrunc.f32 v4  }
0x285: {  	v11 =	vnsel vm12, $0x17, v11;
	v6 =	vtrunc.f32 v6;
	v4 =	vcvt.f32.s32 v4  }
0x286: {  	[tilespmem:v5+s21+$0x0] =	vst.idx.add.f32.msk $0xffff, v3;
	v5 =	vshll.u32 v11, $0x5;
	v10 =	vadd.s32 v10, v14;
	v6 =	vcvt.f32.s32 v6  }
0x287: {  	v13 =	vsel vm14, v0, v2;
	v5 =	vadd.s32 v5, v10;
	vm13 =	vlt.s32 v4, $0x1F  }
0x288: {  	v7 =	vtrunc.f32 v7;
	v11 =	vld [tilespmem:s25+$0xFFFFFF60];
	vm15 =	vlt.s32 v6, $0x17;
	v4 =	vnsel vm13, $0x1F, v4  }
0x289: {  	v14 =	vld [tilespmem:s0+$0x40];
	v6 =	vnsel vm15, $0x17, v6;
	v12 =	vmul.f32 $5.000000070e-02, v12;
	v15 =	vmul.f32 $5.000000070e-02, v15  }
0x28a: {  	v7 =	vcvt.f32.s32 v7;
	v10 =	vld [tilespmem:s25+$0xFFFFFFE0];
	v6 =	vshll.u32 v6, $0x5;
	v4 =	vadd.s32 v4, v13  }
0x28b: {  	v13 =	vld [tilespmem:s31+$0xFFFFFF80];
	v6 =	vadd.s32 v6, v4;
	v4 =	vtrunc.f32 v12;
	v12 =	vtrunc.f32 v15  }
0x28c: {  	vm7 =	vlt.s32 v7, $0x17;
	[tilespmem:v5+s21+$0x0] =	vst.idx.add.f32.msk $0xffff, v3;
	v5 =	vcvt.f32.s32 v4;
	v12 =	vcvt.f32.s32 v12  }
0x28d: {  	v7 =	vnsel vm7, $0x17, v7;
	v15 =	vsel vm10, v0, v2;
	v4 =	vshll.u32 v9, $0x5;
	v9 =	vld [tilespmem:s16+$0xFFFFFF40]  }
0x28e: {  	vm6 =	vgt.f32 v14, $0.0e+00;
	v17 =	vld [tilespmem:s16+$0xFFFFFFC0];
	vm4 =	vlt.s32 v5, $0x1F;
	vm5 =	vlt.s32 v12, $0x17  }
0x28f: {  	v18 =	vsel vm6, v0, v2;
	v14 =	vld [tilespmem:s0+$0xFFFFFFC0];
	v5 =	vnsel vm4, $0x1F, v5;
	v12 =	vnsel vm5, $0x17, v12  }
0x290: {  	v10 =	vmul.f32 $5.000000070e-02, v10;
	[tilespmem:v6+s21+$0x0] =	vst.idx.add.f32.msk $0xffff, v3;
	v6 =	vshll.u32 v12, $0x5;
	v12 =	vadd.s32 v5, v18  }
0x291: {  	v5 =	vadd.s32 v8, v15;
	v8 =	vmul.f32 $5.000000070e-02, v11;
	v11 =	vld [tilespmem:s30+$0x10];
	v6 =	vadd.s32 v6, v12  }
0x292: {  	v7 =	vshll.u32 v7, $0x5;
	v10 =	vtrunc.f32 v10;
	v15 =	vld [tilespmem:s30+$0x90]  }
0x293: {  	vm8 =	vgt.f32 v13, $0.0e+00;
	v10 =	vcvt.f32.s32 v10;
	v12 =	vtrunc.f32 v16  }
0x294: {  	v13 =	vsel vm8, v0, v2;
	v12 =	vcvt.f32.s32 v12;
	v9 =	vmul.f32 $5.000000070e-02, v9  }
0x295: {  	v16 =	vmul.f32 $5.000000070e-02, v17;
	v8 =	vtrunc.f32 v8;
	v17 =	vld [tilespmem:s31+$0x10];
	vm10 =	vgt.f32 v14, $0.0e+00  }
0x296: {  	v8 =	vcvt.f32.s32 v8;
	vm9 =	vlt.s32 v12, $0x1F;
	v9 =	vtrunc.f32 v9;
	[tilespmem:v6+s21+$0x0] =	vst.idx.add.f32.msk $0xffff, v3  }
0x297: {  	v12 =	vnsel vm9, $0x1F, v12;
	v6 =	vmul.f32 $5.000000070e-02, v11;
	v11 =	vmul.f32 $5.000000070e-02, v15;
	v14 =	vld [tilespmem:s16+$0x50]  }
0x298: {  	v16 =	vtrunc.f32 v16;
	v9 =	vcvt.f32.s32 v9;
	v12 =	vadd.s32 v12, v13;
	v15 =	vld [tilespmem:s16+$0xD0]  }
0x299: {  	v7 =	vadd.s32 v7, v12;
	v6 =	vtrunc.f32 v6;
	v11 =	vtrunc.f32 v11  }
0x29a: {  	v6 =	vcvt.f32.s32 v6;
	v11 =	vcvt.f32.s32 v11  }
0x29b: {  	vm9 =	vlt.s32 v8, $0x1F;
	v13 =	vcvt.f32.s32 v16;
	vm11 =	vlt.s32 v9, $0x1F  }
0x29c: {  	vm14 =	vgt.f32 v17, $0.0e+00;
	vm12 =	vlt.s32 v6, $0x1F;
	vm13 =	vlt.s32 v11, $0x17  }
0x29d: {  	v16 =	vld [tilespmem:s0+$0x50];
	v11 =	vnsel vm13, $0x17, v11;
	v14 =	vmul.f32 $5.000000070e-02, v14;
	v15 =	vmul.f32 $5.000000070e-02, v15  }
0x29e: {  	[tilespmem:v7+s21+$0x0] =	vst.idx.add.f32.msk $0xffff, v3;
	v6 =	vnsel vm12, $0x1F, v6;
	v7 =	vsel vm14, v0, v2;
	v11 =	vshll.u32 v11, $0x5  }
0x29f: {  	v17 =	vld [tilespmem:s30+$0xFFFFFF10];
	v6 =	vadd.s32 v6, v7;
	v7 =	vtrunc.f32 v14;
	v14 =	vtrunc.f32 v15  }
0x2a0: {  	v15 =	vld [tilespmem:s30+$0xFFFFFF90];
	v6 =	vadd.s32 v11, v6;
	v7 =	vcvt.f32.s32 v7;
	v11 =	vcvt.f32.s32 v14  }
0x2a1: {  	v8 =	vnsel vm9, $0x1F, v8;
	v12 =	vsel vm10, v0, v2;
	v9 =	vnsel vm11, $0x1F, v9  }
0x2a2: {  	vm8 =	vgt.f32 v16, $0.0e+00;
	vm6 =	vlt.s32 v7, $0x1F;
	vm7 =	vlt.s32 v11, $0x17  }
0x2a3: {  	v16 =	vsel vm8, v0, v2;
	v18 =	vld [tilespmem:s31+$0xFFFFFF90];
	v7 =	vnsel vm6, $0x1F, v7;
	v11 =	vnsel vm7, $0x17, v11  }
0x2a4: {  	vm15 =	vlt.s32 v13, $0x17;
	v14 =	vld [tilespmem:s24+$0xFFFFFFE0];
	v11 =	vshll.u32 v11, $0x5;
	v7 =	vadd.s32 v7, v16  }
0x2a5: {  	v17 =	vmul.f32 $5.000000070e-02, v17;
	v15 =	vmul.f32 $5.000000070e-02, v15;
	[tilespmem:v6+s21+$0x0] =	vst.idx.add.f32.msk $0xffff, v3;
	v6 =	vadd.s32 v11, v7  }
0x2a6: {  	vm10 =	vlt.s32 v10, $0x17;
	v13 =	vnsel vm15, $0x17, v13;
	v9 =	vadd.s32 v9, v12;
	v12 =	vld [tilespmem:s30+$0x20]  }
0x2a7: {  	v7 =	vshll.u32 v13, $0x5;
	v11 =	vtrunc.f32 v17;
	v13 =	vtrunc.f32 v15;
	v15 =	vld [tilespmem:s30+$0xA0]  }
0x2a8: {  	v11 =	vcvt.f32.s32 v11;
	v7 =	vadd.s32 v7, v9;
	v9 =	vcvt.f32.s32 v13  }
0x2a9: {  	v10 =	vnsel vm10, $0x17, v10;
	vm11 =	vgt.f32 v18, $0.0e+00;
	vm12 =	vgt.f32 v14, $0.0e+00;
	v13 =	vld [tilespmem:s31+$0x20]  }
0x2aa: {  	v14 =	vsel vm11, v0, v2;
	vm4 =	vlt.s32 v11, $0x1F;
	vm13 =	vlt.s32 v9, $0x17;
	[tilespmem:v6+s21+$0x0] =	vst.idx.add.f32.msk $0xffff, v3  }
0x2ab: {  	v6 =	vnsel vm4, $0x1F, v11;
	v9 =	vnsel vm13, $0x17, v9;
	v11 =	vmul.f32 $5.000000070e-02, v12;
	v12 =	vld [tilespmem:s16+$0x60]  }
0x2ac: {  	v6 =	vadd.s32 v6, v14;
	v9 =	vshll.u32 v9, $0x5;
	v14 =	vmul.f32 $5.000000070e-02, v15;
	v15 =	vld [tilespmem:s16+$0xE0]  }
0x2ad: {  	v10 =	vshll.u32 v10, $0x5;
	[tilespmem:v7+s21+$0x0] =	vst.idx.add.f32.msk $0xffff, v3;
	v7 =	vsel vm12, v0, v2;
	v6 =	vadd.s32 v9, v6  }
0x2ae: {  	v9 =	vtrunc.f32 v11;
	v7 =	vadd.s32 v8, v7;
	v8 =	vld [tilespmem:s16+$0xFFFFFF50];
	v11 =	vtrunc.f32 v14  }
0x2af: {  	vm15 =	vgt.f32 v13, $0.0e+00;
	v13 =	vld [tilespmem:s0+$0x60];
	v9 =	vcvt.f32.s32 v9;
	v11 =	vcvt.f32.s32 v11  }
0x2b0: {  	v7 =	vadd.s32 v10, v7;
	v10 =	vld [tilespmem:s16+$0xFFFFFFD0]  }
0x2b1: {  	vm14 =	vlt.s32 v9, $0x1F;
	vm4 =	vlt.s32 v11, $0x17  }
0x2b2: {  	v12 =	vmul.f32 $5.000000070e-02, v12;
	v14 =	vmul.f32 $5.000000070e-02, v15;
	[tilespmem:v6+s21+$0x0] =	vst.idx.add.f32.msk $0xffff, v3;
	v6 =	vnsel vm14, $0x1F, v9  }
0x2b3: {  	v9 =	vnsel vm4, $0x17, v11;
	v11 =	vsel vm15, v0, v2;
	v8 =	vmul.f32 $5.000000070e-02, v8  }
0x2b4: {  	vm7 =	vgt.f32 v13, $0.0e+00;
	v15 =	vld [tilespmem:s30+$0xFFFFFF20];
	v9 =	vshll.u32 v9, $0x5;
	v12 =	vtrunc.f32 v12  }
0x2b5: {  	v14 =	vtrunc.f32 v14;
	v16 =	vld [tilespmem:s30+$0xFFFFFFA0];
	v11 =	vadd.s32 v6, v11;
	v10 =	vmul.f32 $5.000000070e-02, v10  }
0x2b6: {  	v6 =	vadd.s32 v4, v5;
	v4 =	vld [tilespmem:s31+$0xFFFFFFA0];
	v12 =	vcvt.f32.s32 v12;
	v14 =	vcvt.f32.s32 v14  }
0x2b7: {  	v13 =	vsel vm7, v0, v2;
	v5 =	vadd.s32 v9, v11;
	v9 =	vld [tilespmem:s0+$0xFFFFFFD0];
	v10 =	vtrunc.f32 v10  }
0x2b8: {  	vm5 =	vlt.s32 v12, $0x1F;
	vm6 =	vlt.s32 v14, $0x17;
	v10 =	vcvt.f32.s32 v10  }
0x2b9: {  	s1 =	simm.s32 $0x8700;
	[tilespmem:v7+s21+$0x0] =	vst.idx.add.f32.msk $0xffff, v3;
	v11 =	vnsel vm5, $0x1F, v12;
	v12 =	vnsel vm6, $0x17, v14;
	v7 =	vmul.f32 $5.000000070e-02, v15  }
0x2ba: {  	v19 =	vld [tilespmem:s1+$0xFFFFFF00];
	v12 =	vshll.u32 v12, $0x5;
	v11 =	vadd.s32 v11, v13;
	v14 =	vmul.f32 $5.000000070e-02, v16  }
0x2bb: {  	v13 =	vld [tilespmem:s25+$0xFFFFFF70];
	vm8 =	vgt.f32 v4, $0.0e+00;
	vm13 =	vlt.s32 v10, $0x17;
	v11 =	vadd.s32 v12, v11  }
0x2bc: {  	[tilespmem:v5+s21+$0x0] =	vst.idx.add.f32.msk $0xffff, v3;
	v5 =	vtrunc.f32 v8;
	vm9 =	vgt.f32 v9, $0.0e+00;
	v4 =	vtrunc.f32 v7  }
0x2bd: {  	v10 =	vnsel vm13, $0x17, v10;
	v8 =	vtrunc.f32 v14;
	v9 =	vld [tilespmem:s30+$0xB0];
	v4 =	vcvt.f32.s32 v4  }
0x2be: {  	v7 =	vsel vm8, v0, v2;
	v12 =	vld [tilespmem:s30+$0x30];
	v5 =	vcvt.f32.s32 v5;
	v8 =	vcvt.f32.s32 v8  }
0x2bf: {  	v14 =	vsel vm9, v0, v2;
	v15 =	vld [tilespmem:s31+$0x30];
	v10 =	vshll.u32 v10, $0x5;
	vm10 =	vlt.s32 v4, $0x1F  }
0x2c0: {  	vm12 =	vlt.s32 v5, $0x1F;
	vm11 =	vlt.s32 v8, $0x17;
	v4 =	vnsel vm10, $0x1F, v4;
	[tilespmem:v11+s21+$0x0] =	vst.idx.add.f32.msk $0xffff, v3  }
0x2c1: {  	v5 =	vnsel vm12, $0x1F, v5;
	v8 =	vnsel vm11, $0x17, v8;
	v4 =	vadd.s32 v4, v7;
	v7 =	vld [tilespmem:s16+$0x70]  }
0x2c2: {  	v5 =	vadd.s32 v5, v14;
	v8 =	vshll.u32 v8, $0x5;
	v11 =	vld [tilespmem:s16+$0xF0];
	v9 =	vmul.f32 $5.000000070e-02, v9  }
0x2c3: {  	v5 =	vadd.s32 v10, v5;
	v10 =	vld [tilespmem:s0+$0x70];
	v4 =	vadd.s32 v8, v4;
	v8 =	vmul.f32 $5.000000070e-02, v12  }
0x2c4: {  	v19 =	vmul.f32 $5.000000070e-02, v19;
	v12 =	vmul.f32 $5.000000070e-02, v13  }
0x2c5: {  	v9 =	vtrunc.f32 v9;
	v8 =	vtrunc.f32 v8  }
0x2c6: {  	v13 =	vld [tilespmem:s25+$0xFFFFFFF0];
	v9 =	vcvt.f32.s32 v9;
	v8 =	vcvt.f32.s32 v8  }
0x2c7: {  	vm14 =	vgt.f32 v15, $0.0e+00;
	v7 =	vmul.f32 $5.000000070e-02, v7;
	v11 =	vmul.f32 $5.000000070e-02, v11  }
0x2c8: {  	vm4 =	vlt.s32 v9, $0x17;
	vm7 =	vgt.f32 v10, $0.0e+00;
	[tilespmem:v4+s21+$0x0] =	vst.idx.add.f32.msk $0xffff, v3;
	vm15 =	vlt.s32 v8, $0x1F  }
0x2c9: {  	v4 =	vsel vm14, v0, v2;
	v14 =	vld [tilespmem:s30+$0xFFFFFF30];
	v7 =	vtrunc.f32 v7;
	v11 =	vtrunc.f32 v11  }
0x2ca: {  	s25 =	simm.s32 $0x14380;
	v8 =	vnsel vm15, $0x1F, v8;
	v15 =	vld [tilespmem:s30+$0xFFFFFFB0];
	v7 =	vcvt.f32.s32 v7;
	v11 =	vcvt.f32.s32 v11  }
0x2cb: {  	v17 =	vld [tilespmem:s25+$0x0];
	v9 =	vnsel vm4, $0x17, v9;
	v13 =	vmul.f32 $5.000000070e-02, v13;
	v4 =	vadd.s32 v8, v4  }
0x2cc: {  	v8 =	vtrunc.f32 v12;
	v12 =	vld [tilespmem:s1+$0x0];
	vm5 =	vlt.s32 v7, $0x1F;
	vm6 =	vlt.s32 v11, $0x17  }
0x2cd: {  	[tilespmem:v5+s21+$0x0] =	vst.idx.add.f32.msk $0xffff, v3;
	v9 =	vshll.u32 v9, $0x5;
	v5 =	vnsel vm5, $0x1F, v7;
	v7 =	vnsel vm6, $0x17, v11  }
0x2ce: {  	v16 =	vld [tilespmem:s31+$0xFFFFFFB0];
	v9 =	vadd.s32 v9, v4;
	v11 =	vsel vm7, v0, v2;
	v4 =	vshll.u32 v7, $0x5  }
0x2cf: {  	v10 =	vld [tilespmem:s16+$0xFFFFFF60];
	v5 =	vadd.s32 v5, v11;
	v11 =	vmul.f32 $5.000000070e-02, v14;
	v14 =	vmul.f32 $5.000000070e-02, v15  }
0x2d0: {  	v15 =	vld [tilespmem:s1+$0x80];
	v7 =	vadd.s32 v4, v5;
	v4 =	vcvt.f32.s32 v8;
	v5 =	vtrunc.f32 v13  }
0x2d1: {  	v8 =	vld [tilespmem:s1+$0xFFFFFF80];
	v12 =	vmul.f32 $5.000000070e-02, v12;
	v11 =	vtrunc.f32 v11  }
0x2d2: {  	vm12 =	vgt.f32 v17, $0.0e+00;
	v13 =	vtrunc.f32 v14;
	v11 =	vcvt.f32.s32 v11  }
0x2d3: {  	vm8 =	vgt.f32 v16, $0.0e+00;
	v13 =	vcvt.f32.s32 v13;
	v12 =	vtrunc.f32 v12  }
0x2d4: {  	v10 =	vmul.f32 $5.000000070e-02, v10;
	v16 =	vsel vm8, v0, v2;
	[tilespmem:v9+s21+$0x0] =	vst.idx.add.f32.msk $0xffff, v3;
	v12 =	vcvt.f32.s32 v12  }
0x2d5: {  	v18 =	vld [tilespmem:s30+$0xC0];
	vm9 =	vlt.s32 v11, $0x1F;
	vm10 =	vlt.s32 v13, $0x17;
	v9 =	vmul.f32 $5.000000070e-02, v15  }
0x2d6: {  	v15 =	vld [tilespmem:s30+$0x40];
	v11 =	vnsel vm9, $0x1F, v11;
	v13 =	vnsel vm10, $0x17, v13;
	v8 =	vmul.f32 $5.000000070e-02, v8  }
0x2d7: {  	v13 =	vshll.u32 v13, $0x5;
	v9 =	vtrunc.f32 v9;
	v11 =	vadd.s32 v11, v16  }
0x2d8: {  	vm11 =	vlt.s32 v12, $0x1F;
	v16 =	vld [tilespmem:s25+$0xFFFFFF80];
	v9 =	vcvt.f32.s32 v9;
	v11 =	vadd.s32 v13, v11  }
0x2d9: {  	v17 =	vsel vm12, v0, v2;
	v10 =	vtrunc.f32 v10;
	v12 =	vnsel vm11, $0x1F, v12;
	v13 =	vld [tilespmem:s24+$0xFFFFFFF0]  }
0x2da: {  	v8 =	vtrunc.f32 v8;
	v12 =	vadd.s32 v12, v17;
	v17 =	vld [tilespmem:s31+$0x40];
	vm13 =	vlt.s32 v9, $0x17  }
0x2db: {  	v18 =	vmul.f32 $5.000000070e-02, v18;
	v15 =	vmul.f32 $5.000000070e-02, v15;
	v9 =	vnsel vm13, $0x17, v9  }
0x2dc: {  	v10 =	vcvt.f32.s32 v10;
	v8 =	vcvt.f32.s32 v8;
	v9 =	vshll.u32 v9, $0x5  }
0x2dd: {  	v9 =	vadd.s32 v9, v12;
	[tilespmem:v11+s21+$0x0] =	vst.idx.add.f32.msk $0xffff, v3;
	v11 =	vtrunc.f32 v15;
	v12 =	vtrunc.f32 v18  }
0x2de: {  	vm15 =	vgt.f32 v16, $0.0e+00;
	v11 =	vcvt.f32.s32 v11;
	v12 =	vcvt.f32.s32 v12  }
0x2df: {  	vm1 =	vgt.f32 v13, $0.0e+00;
	v15 =	vtrunc.f32 v19;
	vm6 =	vgt.f32 v17, $0.0e+00;
	v13 =	vld [tilespmem:s30+$0xFFFFFF40]  }
0x2e0: {  	v16 =	vld [tilespmem:s30+$0xFFFFFFC0];
	v17 =	vsel vm6, v0, v2;
	vm9 =	vlt.s32 v11, $0x1F;
	vm5 =	vlt.s32 v12, $0x17  }
0x2e1: {  	v18 =	vld [tilespmem:s31+$0xFFFFFFC0];
	v15 =	vcvt.f32.s32 v15;
	v11 =	vnsel vm9, $0x1F, v11;
	v12 =	vnsel vm5, $0x17, v12  }
0x2e2: {  	v5 =	vcvt.f32.s32 v5;
	[tilespmem:v9+s21+$0x0] =	vst.idx.add.f32.msk $0xffff, v3;
	v9 =	vshll.u32 v12, $0x5;
	v11 =	vadd.s32 v11, v17  }
0x2e3: {  	vm14 =	vlt.s32 v8, $0x17;
	vm10 =	vlt.s32 v15, $0x1F;
	v17 =	vld [tilespmem:s1+$0x10];
	v9 =	vadd.s32 v9, v11  }
0x2e4: {  	vm0 =	vlt.s32 v4, $0x1F;
	v8 =	vnsel vm14, $0x17, v8;
	v15 =	vnsel vm10, $0x1F, v15;
	v11 =	vld [tilespmem:s1+$0x90]  }
0x2e5: {  	v14 =	vld [tilespmem:s16+$0xFFFFFFE0];
	v12 =	vsel vm15, v0, v2;
	v13 =	vmul.f32 $5.000000070e-02, v13;
	v16 =	vmul.f32 $5.000000070e-02, v16  }
0x2e6: {  	vm2 =	vlt.s32 v10, $0x1F;
	v8 =	vshll.u32 v8, $0x5;
	v12 =	vadd.s32 v15, v12  }
0x2e7: {  	v8 =	vadd.s32 v8, v12;
	v12 =	vld [tilespmem:s25+$0x10];
	v13 =	vtrunc.f32 v13;
	v15 =	vtrunc.f32 v16  }
0x2e8: {  	v4 =	vnsel vm0, $0x1F, v4;
	v13 =	vcvt.f32.s32 v13;
	v15 =	vcvt.f32.s32 v15;
	[tilespmem:v9+s21+$0x0] =	vst.idx.add.f32.msk $0xffff, v3  }
0x2e9: {  	vm11 =	vgt.f32 v18, $0.0e+00;
	v9 =	vmul.f32 $5.000000070e-02, v17;
	v11 =	vmul.f32 $5.000000070e-02, v11;
	v17 =	vld [tilespmem:s30+$0x50]  }
0x2ea: {  	v14 =	vmul.f32 $5.000000070e-02, v14;
	v16 =	vsel vm11, v0, v2;
	vm12 =	vlt.s32 v13, $0x1F;
	v18 =	vld [tilespmem:s30+$0xD0]  }
0x2eb: {  	vm13 =	vlt.s32 v15, $0x17;
	v9 =	vtrunc.f32 v9;
	v11 =	vtrunc.f32 v11  }
0x2ec: {  	v15 =	vnsel vm13, $0x17, v15;
	[tilespmem:v8+s21+$0x0] =	vst.idx.add.f32.msk $0xffff, v3;
	v9 =	vcvt.f32.s32 v9;
	v11 =	vcvt.f32.s32 v11  }
0x2ed: {  	v13 =	vnsel vm12, $0x1F, v13;
	vm8 =	vgt.f32 v12, $0.0e+00;
	v8 =	vshll.u32 v15, $0x5;
	v15 =	vld [tilespmem:s1+$0xFFFFFF10]  }
0x2ee: {  	v13 =	vadd.s32 v13, v16;
	v16 =	vld [tilespmem:s31+$0x50];
	vm14 =	vlt.s32 v9, $0x1F;
	vm15 =	vlt.s32 v11, $0x17  }
0x2ef: {  	v12 =	vmul.f32 $5.000000070e-02, v17;
	v11 =	vnsel vm15, $0x17, v11;
	v17 =	vmul.f32 $5.000000070e-02, v18;
	v18 =	vld [tilespmem:s1+$0xFFFFFF90]  }
0x2f0: {  	v19 =	vsel vm8, v0, v2;
	v9 =	vnsel vm14, $0x1F, v9;
	v11 =	vshll.u32 v11, $0x5  }
0x2f1: {  	v9 =	vadd.s32 v9, v19;
	v12 =	vtrunc.f32 v12;
	v17 =	vtrunc.f32 v17  }
0x2f2: {  	v9 =	vadd.s32 v11, v9;
	v12 =	vcvt.f32.s32 v12;
	v11 =	vcvt.f32.s32 v17  }
0x2f3: {  	v8 =	vadd.s32 v8, v13;
	v15 =	vmul.f32 $5.000000070e-02, v15;
	vm12 =	vgt.f32 v16, $0.0e+00  }
0x2f4: {  	v17 =	vld [tilespmem:s25+$0xFFFFFF90];
	vm10 =	vlt.s32 v12, $0x1F;
	vm11 =	vlt.s32 v11, $0x17;
	v16 =	vmul.f32 $5.000000070e-02, v18  }
0x2f5: {  	v18 =	vsel vm12, v0, v2;
	v12 =	vnsel vm10, $0x1F, v12;
	v11 =	vnsel vm11, $0x17, v11  }
0x2f6: {  	v19 =	vld [tilespmem:s0+$0xFFFFFFE0];
	v15 =	vtrunc.f32 v15;
	v11 =	vshll.u32 v11, $0x5;
	v12 =	vadd.s32 v12, v18  }
0x2f7: {  	v15 =	vcvt.f32.s32 v15;
	v16 =	vtrunc.f32 v16;
	[tilespmem:v9+s21+$0x0] =	vst.idx.add.f32.msk $0xffff, v3;
	v9 =	vadd.s32 v11, v12  }
0x2f8: {  	v10 =	vnsel vm2, $0x1F, v10;
	v14 =	vtrunc.f32 v14;
	v11 =	vcvt.f32.s32 v16;
	v12 =	vld [tilespmem:s1+$0x20]  }
0x2f9: {  	v14 =	vcvt.f32.s32 v14;
	[tilespmem:v8+s21+$0x0] =	vst.idx.add.f32.msk $0xffff, v3;
	vm15 =	vlt.s32 v15, $0x1F;
	vm13 =	vgt.f32 v17, $0.0e+00  }
0x2fa: {  	v15 =	vnsel vm15, $0x1F, v15;
	v16 =	vld [tilespmem:s1+$0xA0];
	v13 =	vsel vm13, v0, v2;
	vm8 =	vlt.s32 v11, $0x17  }
0x2fb: {  	vm9 =	vlt.s32 v14, $0x17;
	v13 =	vadd.s32 v15, v13;
	v15 =	vld [tilespmem:s25+$0x20];
	v11 =	vnsel vm8, $0x17, v11  }
0x2fc: {  	v14 =	vnsel vm9, $0x17, v14;
	vm14 =	vgt.f32 v19, $0.0e+00;
	v11 =	vshll.u32 v11, $0x5;
	[tilespmem:v9+s21+$0x0] =	vst.idx.add.f32.msk $0xffff, v3  }
0x2fd: {  	v17 =	vsel vm14, v0, v2;
	v11 =	vadd.s32 v11, v13;
	v12 =	vmul.f32 $5.000000070e-02, v12;
	v13 =	vld [tilespmem:s30+$0x60]  }
0x2fe: {  	vm9 =	vlt.s32 v5, $0x17;
	v10 =	vadd.s32 v10, v17;
	v9 =	vshll.u32 v14, $0x5;
	v14 =	vld [tilespmem:s30+$0xE0]  }
0x2ff: {  	v17 =	vld [tilespmem:s30+$0xFFFFFFD0];
	v9 =	vadd.s32 v9, v10;
	v10 =	vmul.f32 $5.000000070e-02, v16;
	v8 =	vtrunc.f32 v12  }
0x300: {  	v5 =	vnsel vm9, $0x17, v5;
	v12 =	vsel vm1, v0, v2;
	v8 =	vcvt.f32.s32 v8  }
0x301: {  	v16 =	vld [tilespmem:s30+$0xFFFFFF50];
	vm11 =	vgt.f32 v15, $0.0e+00;
	v10 =	vtrunc.f32 v10;
	v4 =	vadd.s32 v4, v12  }
0x302: {  	v15 =	vsel vm11, v0, v2;
	v10 =	vcvt.f32.s32 v10;
	[tilespmem:v11+s21+$0x0] =	vst.idx.add.f32.msk $0xffff, v3;
	vm10 =	vlt.s32 v8, $0x1F  }
0x303: {  	v11 =	vld [tilespmem:s31+$0x60];
	v12 =	vmul.f32 $5.000000070e-02, v13;
	v13 =	vmul.f32 $5.000000070e-02, v14;
	v8 =	vnsel vm10, $0x1F, v8  }
0x304: {  	vm12 =	vlt.s32 v10, $0x17;
	v8 =	vadd.s32 v8, v15;
	v15 =	vmul.f32 $5.000000070e-02, v17  }
0x305: {  	v14 =	vld [tilespmem:s1+$0xFFFFFF20];
	v10 =	vnsel vm12, $0x17, v10;
	v12 =	vtrunc.f32 v12;
	v13 =	vtrunc.f32 v13  }
0x306: {  	v18 =	vld [tilespmem:s1+$0xFFFFFFA0];
	v10 =	vshll.u32 v10, $0x5;
	v12 =	vcvt.f32.s32 v12;
	v13 =	vcvt.f32.s32 v13  }
0x307: {  	v19 =	vld [tilespmem:s25+$0xFFFFFFA0];
	v8 =	vadd.s32 v10, v8;
	v10 =	vmul.f32 $5.000000070e-02, v16;
	v15 =	vtrunc.f32 v15  }
0x308: {  	[tilespmem:v9+s21+$0x0] =	vst.idx.add.f32.msk $0xffff, v3;
	vm15 =	vgt.f32 v11, $0.0e+00;
	vm13 =	vlt.s32 v12, $0x1F;
	vm14 =	vlt.s32 v13, $0x17  }
0x309: {  	v16 =	vld [tilespmem:s31+$0xFFFFFFD0];
	v9 =	vnsel vm13, $0x1F, v12;
	v11 =	vnsel vm14, $0x17, v13;
	v12 =	vsel vm15, v0, v2  }
0x30a: {  	v14 =	vmul.f32 $5.000000070e-02, v14;
	v13 =	vld [tilespmem:s16+$0xFFFFFF70];
	v11 =	vshll.u32 v11, $0x5;
	v9 =	vadd.s32 v9, v12  }
0x30b: {  	v15 =	vcvt.f32.s32 v15;
	v17 =	vmul.f32 $5.000000070e-02, v18;
	v12 =	vld [tilespmem:s16+$0xFFFFFFF0];
	v9 =	vadd.s32 v11, v9  }
0x30c: {  	v5 =	vshll.u32 v5, $0x5;
	v11 =	vtrunc.f32 v14;
	[tilespmem:v8+s21+$0x0] =	vst.idx.add.f32.msk $0xffff, v3;
	v8 =	vtrunc.f32 v10  }
0x30d: {  	vm4 =	vgt.f32 v19, $0.0e+00;
	v10 =	vcvt.f32.s32 v11;
	v11 =	vtrunc.f32 v17;
	v17 =	vld [tilespmem:s1+$0x30]  }
0x30e: {  	vm5 =	vgt.f32 v16, $0.0e+00;
	v16 =	vld [tilespmem:s1+$0xB0];
	v8 =	vcvt.f32.s32 v8;
	v11 =	vcvt.f32.s32 v11  }
0x30f: {  	vm9 =	vlt.s32 v15, $0x17;
	v14 =	vsel vm4, v0, v2;
	v18 =	vsel vm5, v0, v2;
	v19 =	vld [tilespmem:s25+$0x30]  }
0x310: {  	vm6 =	vlt.s32 v10, $0x1F;
	vm8 =	vlt.s32 v8, $0x1F;
	vm7 =	vlt.s32 v11, $0x17;
	[tilespmem:v9+s21+$0x0] =	vst.idx.add.f32.msk $0xffff, v3  }
0x311: {  	v10 =	vnsel vm6, $0x1F, v10;
	v9 =	vmul.f32 $5.000000070e-02, v13;
	v11 =	vnsel vm7, $0x17, v11;
	v13 =	vld [tilespmem:s30+$0x70]  }
0x312: {  	v8 =	vnsel vm8, $0x1F, v8;
	v10 =	vadd.s32 v10, v14;
	v11 =	vshll.u32 v11, $0x5;
	v14 =	vld [tilespmem:s30+$0xF0]  }
0x313: {  	v16 =	vmul.f32 $5.000000070e-02, v16;
	v10 =	vadd.s32 v11, v10;
	v11 =	vmul.f32 $5.000000070e-02, v17  }
0x314: {  	[tilespmem:v6+s21+$0x0] =	vst.idx.add.f32.msk $0xffff, v3;
	v6 =	vnsel vm9, $0x17, v15;
	v15 =	vadd.s32 v8, v18;
	v8 =	vmul.f32 $5.000000070e-02, v12  }
0x315: {  	[tilespmem:v7+s21+$0x0] =	vst.idx.add.f32.msk $0xffff, v3;
	v12 =	vshll.u32 v6, $0x5;
	v7 =	vtrunc.f32 v11;
	v11 =	vtrunc.f32 v16  }
0x316: {  	v6 =	vld [tilespmem:s0+$0xFFFFFFF0];
	v12 =	vadd.s32 v12, v15;
	v7 =	vcvt.f32.s32 v7;
	v11 =	vcvt.f32.s32 v11  }
0x317: {  	vm10 =	vgt.f32 v19, $0.0e+00;
	v16 =	vld [tilespmem:s31+$0x70];
	v15 =	vmul.f32 $5.000000070e-02, v13;
	v14 =	vmul.f32 $5.000000070e-02, v14  }
0x318: {  	[tilespmem:v10+s21+$0x0] =	vst.idx.add.f32.msk $0xffff, v3;
	vm11 =	vlt.s32 v7, $0x1F;
	vm12 =	vlt.s32 v11, $0x17;
	v10 =	vsel vm10, v0, v2  }
0x319: {  	v13 =	vld [tilespmem:s1+$0xFFFFFF30];
	v7 =	vnsel vm11, $0x1F, v7;
	v17 =	vtrunc.f32 v15;
	v14 =	vtrunc.f32 v14  }
0x31a: {  	v15 =	vld [tilespmem:s1+$0xFFFFFFB0];
	v11 =	vnsel vm12, $0x17, v11;
	v17 =	vcvt.f32.s32 v17;
	v18 =	vcvt.f32.s32 v14  }
0x31b: {  	v14 =	vld [tilespmem:s25+$0xFFFFFFB0];
	v19 =	vshll.u32 v11, $0x5;
	v10 =	vadd.s32 v7, v10;
	v7 =	vtrunc.f32 v9  }
0x31c: {  	[tilespmem:v12+s21+$0x0] =	vst.idx.add.f32.msk $0xffff, v3;
	vm15 =	vgt.f32 v16, $0.0e+00;
	vm13 =	vlt.s32 v17, $0x1F;
	vm14 =	vlt.s32 v18, $0x17  }
0x31d: {  	v12 =	vld [tilespmem:s30+$0xFFFFFFE0];
	v17 =	vnsel vm13, $0x1F, v17;
	v9 =	vnsel vm14, $0x17, v18;
	v18 =	vsel vm15, v0, v2  }
0x31e: {  	s24 =	simm.s32 $0x8900;
	s16 =	simm.s32 $0x6;
	s0 =	simm.s32 $0x14380;
	v11 =	vld [tilespmem:s30+$0xFFFFFF60];
	v16 =	vadd.s32 v19, v10;
	v9 =	vshll.u32 v9, $0x5;
	v10 =	vadd.s32 v17, v18  }
.LBB2_7:
0x31f: {  	v17 =	vld [tilespmem:s24+$0x0];
	v13 =	vmul.f32 $5.000000070e-02, v13;
	v15 =	vmul.f32 $5.000000070e-02, v15;
	v9 =	vadd.s32 v9, v10  }
0x320: {  	v7 =	vcvt.f32.s32 v7;
	v8 =	vtrunc.f32 v8;
	v10 =	vld [tilespmem:s24+$0x80];
	vm0 =	vgt.f32 v14, $0.0e+00  }
0x321: {  	s25 =	sadd.s32 $0x100, s25;
	v14 =	vld [tilespmem:s24+$0xFFFFFF80];
	v13 =	vtrunc.f32 v13;
	v15 =	vtrunc.f32 v15;
	v18 =	vsel vm0, v0, v2  }
0x322: {  	vm0 =	vlt.s32 v7, $0x1F;
	v19 =	vld [tilespmem:s25+$0x0];
	v13 =	vcvt.f32.s32 v13;
	v15 =	vcvt.f32.s32 v15  }
0x323: {  	vm1 =	vgt.f32 v6, $0.0e+00;
	v11 =	vmul.f32 $5.000000070e-02, v11;
	[tilespmem:v16+s21+$0x0] =	vst.idx.add.f32.msk $0xffff, v3;
	v12 =	vmul.f32 $5.000000070e-02, v12  }
0x324: {  	v6 =	vmul.f32 $5.000000070e-02, v17;
	vm2 =	vlt.s32 v13, $0x1F;
	vm3 =	vlt.s32 v15, $0x17;
	[tilespmem:v9+s21+$0x0] =	vst.idx.add.f32.msk $0xffff, v3  }
0x325: {  	v9 =	vmul.f32 $5.000000070e-02, v10;
	v10 =	vnsel vm2, $0x1F, v13;
	v13 =	vnsel vm3, $0x17, v15;
	v15 =	vld [tilespmem:s1+$0x40]  }
0x326: {  	v14 =	vmul.f32 $5.000000070e-02, v14;
	v6 =	vtrunc.f32 v6;
	v13 =	vshll.u32 v13, $0x5;
	v16 =	vld [tilespmem:s1+$0xC0]  }
0x327: {  	v17 =	vld [tilespmem:s24+$0xFFFFFF00];
	v20 =	vcvt.f32.s32 v6;
	v6 =	vtrunc.f32 v9;
	v9 =	vadd.s32 v10, v18  }
0x328: {  	v10 =	vld [tilespmem:s25+$0xFFFFFF80];
	v14 =	vtrunc.f32 v14;
	v18 =	vcvt.f32.s32 v6;
	v9 =	vadd.s32 v13, v9  }
0x329: {  	vm3 =	vgt.f32 v19, $0.0e+00;
	v13 =	vcvt.f32.s32 v14;
	vm2 =	vlt.s32 v20, $0x1F;
	v6 =	vld [tilespmem:s31+$0xFFFFFFE0]  }
0x32a: {  	v19 =	vsel vm3, v0, v2;
	v14 =	vnsel vm2, $0x1F, v20;
	vm2 =	vlt.s32 v18, $0x17  }
0x32b: {  	v15 =	vmul.f32 $5.000000070e-02, v15;
	v18 =	vnsel vm2, $0x17, v18;
	v20 =	vld [tilespmem:s0+$0x40];
	v16 =	vmul.f32 $5.000000070e-02, v16  }
0x32c: {  	v14 =	vadd.s32 v14, v19;
	v17 =	vmul.f32 $5.000000070e-02, v17;
	v18 =	vshll.u32 v18, $0x5  }
0x32d: {  	s16 =	sadd.s32 $0x2, s16;
	v14 =	vadd.s32 v18, v14;
	[tilespmem:v9+s21+$0x0] =	vst.idx.add.f32.msk $0xffff, v3;
	v9 =	vtrunc.f32 v15;
	v15 =	vtrunc.f32 v16  }
0x32e: {  	p1 =	slt.u32 s16, $0x7E;
	vm2 =	vlt.s32 v13, $0x17;
	v16 =	vld [tilespmem:s1+$0xFFFFFF40];
	v9 =	vcvt.f32.s32 v9;
	v15 =	vcvt.f32.s32 v15  }
0x32f: {  	v13 =	vnsel vm2, $0x17, v13;
	vm2 =	vgt.f32 v10, $0.0e+00;
	v17 =	vtrunc.f32 v17;
	v10 =	vld [tilespmem:s1+$0xFFFFFFC0]  }
0x330: {  	v18 =	vld [tilespmem:s0+$0xFFFFFFC0];
	vm3 =	vlt.s32 v9, $0x1F;
	vm4 =	vlt.s32 v15, $0x17;
	vm5 =	vgt.f32 v20, $0.0e+00  }
0x331: {  	v9 =	vnsel vm3, $0x1F, v9;
	v15 =	vnsel vm4, $0x17, v15;
	v19 =	vsel vm5, v0, v2  }
0x332: {  	v17 =	vcvt.f32.s32 v17;
	[tilespmem:v14+s21+$0x0] =	vst.idx.add.f32.msk $0xffff, v3;
	v14 =	vshll.u32 v15, $0x5;
	v9 =	vadd.s32 v9, v19  }
0x333: {  	v13 =	vshll.u32 v13, $0x5;
	v15 =	vsel vm2, v0, v2;
	v19 =	vld [tilespmem:s24+$0x10];
	v9 =	vadd.s32 v14, v9  }
0x334: {  	vm2 =	vlt.s32 v17, $0x1F;
	v16 =	vmul.f32 $5.000000070e-02, v16;
	v14 =	vld [tilespmem:s24+$0x90];
	v10 =	vmul.f32 $5.000000070e-02, v10  }
0x335: {  	v11 =	vtrunc.f32 v11;
	v17 =	vnsel vm2, $0x1F, v17;
	vm2 =	vgt.f32 v18, $0.0e+00  }
0x336: {  	v15 =	vadd.s32 v17, v15;
	v16 =	vtrunc.f32 v16;
	v10 =	vtrunc.f32 v10  }
0x337: {  	v13 =	vadd.s32 v13, v15;
	v16 =	vcvt.f32.s32 v16;
	v15 =	vld [tilespmem:s25+$0x10];
	v10 =	vcvt.f32.s32 v10  }
0x338: {  	v17 =	vsel vm2, v0, v2;
	[tilespmem:v9+s21+$0x0] =	vst.idx.add.f32.msk $0xffff, v3;
	v9 =	vcvt.f32.s32 v11;
	v11 =	vtrunc.f32 v12  }
0x339: {  	v12 =	vmul.f32 $5.000000070e-02, v19;
	vm2 =	vlt.s32 v16, $0x1F;
	v14 =	vmul.f32 $5.000000070e-02, v14;
	v18 =	vld [tilespmem:s1+$0x50]  }
0x33a: {  	v16 =	vnsel vm2, $0x1F, v16;
	vm2 =	vlt.s32 v10, $0x17;
	v11 =	vcvt.f32.s32 v11;
	v19 =	vld [tilespmem:s1+$0xD0]  }
0x33b: {  	v12 =	vtrunc.f32 v12;
	v10 =	vnsel vm2, $0x17, v10;
	v14 =	vtrunc.f32 v14  }
0x33c: {  	v12 =	vcvt.f32.s32 v12;
	v10 =	vshll.u32 v10, $0x5;
	[tilespmem:v13+s21+$0x0] =	vst.idx.add.f32.msk $0xffff, v3;
	v13 =	vcvt.f32.s32 v14  }
0x33d: {  	v16 =	vadd.s32 v16, v17;
	vm3 =	vlt.s32 v9, $0x1F;
	vm2 =	vlt.s32 v11, $0x17;
	v14 =	vld [tilespmem:s24+$0xFFFFFF10]  }
0x33e: {  	vm6 =	vgt.f32 v15, $0.0e+00;
	vm4 =	vlt.s32 v12, $0x1F;
	v17 =	vld [tilespmem:s24+$0xFFFFFF90];
	vm5 =	vlt.s32 v13, $0x17  }
0x33f: {  	v18 =	vmul.f32 $5.000000070e-02, v18;
	v13 =	vnsel vm5, $0x17, v13;
	v15 =	vld [tilespmem:s0+$0x50];
	v19 =	vmul.f32 $5.000000070e-02, v19  }
0x340: {  	v21 =	vsel vm6, v0, v2;
	v12 =	vnsel vm4, $0x1F, v12;
	v20 =	vld [tilespmem:s25+$0xFFFFFF90];
	v13 =	vshll.u32 v13, $0x5  }
0x341: {  	v12 =	vadd.s32 v12, v21;
	v18 =	vtrunc.f32 v18;
	v19 =	vtrunc.f32 v19  }
0x342: {  	v12 =	vadd.s32 v13, v12;
	v13 =	vcvt.f32.s32 v18;
	v18 =	vcvt.f32.s32 v19  }
0x343: {  	v10 =	vadd.s32 v10, v16;
	v14 =	vmul.f32 $5.000000070e-02, v14;
	v17 =	vmul.f32 $5.000000070e-02, v17  }
0x344: {  	vm4 =	vlt.s32 v13, $0x1F;
	vm5 =	vlt.s32 v18, $0x17;
	vm6 =	vgt.f32 v15, $0.0e+00  }
0x345: {  	v13 =	vnsel vm4, $0x1F, v13;
	v15 =	vnsel vm5, $0x17, v18;
	v16 =	vsel vm6, v0, v2  }
0x346: {  	v14 =	vtrunc.f32 v14;
	v15 =	vshll.u32 v15, $0x5;
	v13 =	vadd.s32 v13, v16  }
0x347: {  	v14 =	vcvt.f32.s32 v14;
	v16 =	vtrunc.f32 v17;
	[tilespmem:v12+s21+$0x0] =	vst.idx.add.f32.msk $0xffff, v3;
	v12 =	vadd.s32 v15, v13  }
0x348: {  	vm4 =	vgt.f32 v20, $0.0e+00;
	vm5 =	vgt.f32 v6, $0.0e+00;
	v13 =	vcvt.f32.s32 v16;
	v15 =	vld [tilespmem:s24+$0x20]  }
0x349: {  	v9 =	vnsel vm3, $0x1F, v9;
	v6 =	vsel vm4, v0, v2;
	vm6 =	vlt.s32 v14, $0x1F;
	v16 =	vld [tilespmem:s24+$0xA0]  }
0x34a: {  	v14 =	vnsel vm6, $0x1F, v14;
	vm3 =	vlt.s32 v13, $0x17;
	[tilespmem:v10+s21+$0x0] =	vst.idx.add.f32.msk $0xffff, v3;
	v10 =	vnsel vm2, $0x17, v11  }
0x34b: {  	v6 =	vadd.s32 v14, v6;
	v14 =	vsel vm5, v0, v2;
	v11 =	vnsel vm3, $0x17, v13;
	v13 =	vld [tilespmem:s25+$0x20]  }
0x34c: {  	v9 =	vadd.s32 v9, v14;
	v11 =	vshll.u32 v11, $0x5;
	v10 =	vshll.u32 v10, $0x5;
	[tilespmem:v12+s21+$0x0] =	vst.idx.add.f32.msk $0xffff, v3  }
0x34d: {  	v6 =	vadd.s32 v11, v6;
	v9 =	vadd.s32 v10, v9;
	v11 =	vmul.f32 $5.000000070e-02, v15;
	v12 =	vld [tilespmem:s1+$0x60]  }
0x34e: {  	v8 =	vcvt.f32.s32 v8;
	v7 =	vnsel vm0, $0x1F, v7;
	v10 =	vmul.f32 $5.000000070e-02, v16;
	v14 =	vld [tilespmem:s1+$0xE0]  }
0x34f: {  	v17 =	vadd.s32 v5, v4;
	v16 =	vsel vm1, v0, v2;
	v11 =	vtrunc.f32 v11;
	v15 =	vld [tilespmem:s1+$0xFFFFFF50]  }
0x350: {  	vm0 =	vlt.s32 v8, $0x17;
	v11 =	vcvt.f32.s32 v11;
	v4 =	vtrunc.f32 v10;
	v10 =	vld [tilespmem:s1+$0xFFFFFFD0]  }
0x351: {  	v5 =	vnsel vm0, $0x17, v8;
	v18 =	vcvt.f32.s32 v4;
	v19 =	vld [tilespmem:s0+$0xFFFFFFD0];
	v4 =	vadd.s32 v7, v16  }
0x352: {  	v5 =	vshll.u32 v5, $0x5;
	vm1 =	vgt.f32 v13, $0.0e+00;
	[tilespmem:v6+s21+$0x0] =	vst.idx.add.f32.msk $0xffff, v3;
	vm0 =	vlt.s32 v11, $0x1F  }
0x353: {  	v7 =	vmul.f32 $5.000000070e-02, v12;
	vm2 =	vlt.s32 v18, $0x17;
	v6 =	vld [tilespmem:s0+$0x60];
	v8 =	vmul.f32 $5.000000070e-02, v14  }
0x354: {  	v11 =	vnsel vm0, $0x1F, v11;
	v14 =	vsel vm1, v0, v2;
	v12 =	vld [tilespmem:s24+$0xFFFFFF20];
	v13 =	vnsel vm2, $0x17, v18  }
0x355: {  	v7 =	vtrunc.f32 v7;
	v16 =	vld [tilespmem:s24+$0xFFFFFFA0];
	v13 =	vshll.u32 v13, $0x5;
	v8 =	vtrunc.f32 v8  }
0x356: {  	v11 =	vadd.s32 v11, v14;
	v7 =	vcvt.f32.s32 v7;
	v18 =	vld [tilespmem:s25+$0xFFFFFFA0];
	v8 =	vcvt.f32.s32 v8  }
0x357: {  	v10 =	vmul.f32 $5.000000070e-02, v10;
	v11 =	vadd.s32 v13, v11;
	v13 =	vmul.f32 $5.000000070e-02, v15;
	[tilespmem:v9+s21+$0x0] =	vst.idx.add.f32.msk $0xffff, v3  }
0x358: {  	vm0 =	vlt.s32 v7, $0x1F;
	vm1 =	vlt.s32 v8, $0x17;
	vm2 =	vgt.f32 v6, $0.0e+00;
	v9 =	vld [tilespmem:s30+$0xFFFFFF70]  }
0x359: {  	v6 =	vnsel vm0, $0x1F, v7;
	v7 =	vnsel vm1, $0x17, v8;
	v8 =	vsel vm2, v0, v2;
	v14 =	vld [tilespmem:s30+$0xFFFFFFF0];
	s30 =	smov.u32 s1;
	s1 =	smov.u32 s24  }
0x35a: {  	v12 =	vmul.f32 $5.000000070e-02, v12;
	v7 =	vshll.u32 v7, $0x5;
	v8 =	vadd.s32 v6, v8;
	v6 =	vld [tilespmem:s31+$0xFFFFFFF0];
	s31 =	smov.u32 s0;
	s0 =	smov.u32 s25  }
0x35b: {  	v15 =	vmul.f32 $5.000000070e-02, v16;
	vm0 =	vgt.f32 v18, $0.0e+00;
	v7 =	vadd.s32 v7, v8;
	[tilespmem:v17+s21+$0x0] =	vst.idx.add.f32.msk $0xffff, v3  }
0x35c: {  	v8 =	vtrunc.f32 v12;
	v12 =	vsel vm0, v0, v2;
	[tilespmem:v11+s21+$0x0] =	vst.idx.add.f32.msk $0xffff, v3;
	v11 =	vtrunc.f32 v13  }
0x35d: {  	v8 =	vcvt.f32.s32 v8;
	v13 =	vtrunc.f32 v15;
	vm0 =	vgt.f32 v19, $0.0e+00;
	v15 =	vld [tilespmem:s24+$0x30]  }
0x35e: {  	v10 =	vtrunc.f32 v10;
	v13 =	vcvt.f32.s32 v13;
	v17 =	vsel vm0, v0, v2;
	v16 =	vld [tilespmem:s24+$0xB0]  }
0x35f: {  	v10 =	vcvt.f32.s32 v10;
	v11 =	vcvt.f32.s32 v11;
	vm0 =	vlt.s32 v8, $0x1F;
	v18 =	vld [tilespmem:s25+$0x30]  }
0x360: {  	v8 =	vnsel vm0, $0x1F, v8;
	vm0 =	vlt.s32 v13, $0x17;
	[tilespmem:v7+s21+$0x0] =	vst.idx.add.f32.msk $0xffff, v3;
	v7 =	vmul.f32 $5.000000070e-02, v9  }
0x361: {  	v9 =	vnsel vm0, $0x17, v13;
	v8 =	vadd.s32 v8, v12;
	vm0 =	vlt.s32 v11, $0x1F;
	v12 =	vld [tilespmem:s30+$0x70]  }
0x362: {  	v9 =	vshll.u32 v9, $0x5;
	v11 =	vnsel vm0, $0x1F, v11;
	vm0 =	vlt.s32 v10, $0x17;
	v13 =	vld [tilespmem:s30+$0xF0]  }
0x363: {  	v9 =	vadd.s32 v9, v8;
	v15 =	vmul.f32 $5.000000070e-02, v15;
	v16 =	vmul.f32 $5.000000070e-02, v16  }
0x364: {  	v10 =	vnsel vm0, $0x17, v10;
	v11 =	vadd.s32 v11, v17;
	v8 =	vmul.f32 $5.000000070e-02, v14  }
0x365: {  	v10 =	vshll.u32 v10, $0x5;
	v14 =	vtrunc.f32 v15;
	v15 =	vtrunc.f32 v16  }
0x366: {  	v10 =	vadd.s32 v10, v11;
	v14 =	vcvt.f32.s32 v14;
	v16 =	vcvt.f32.s32 v15  }
0x367: {  	vm0 =	vgt.f32 v18, $0.0e+00;
	v12 =	vmul.f32 $5.000000070e-02, v12;
	v11 =	vld [tilespmem:s31+$0x70];
	v15 =	vmul.f32 $5.000000070e-02, v13  }
0x368: {  	vm1 =	vlt.s32 v14, $0x1F;
	[tilespmem:v9+s21+$0x0] =	vst.idx.add.f32.msk $0xffff, v3;
	vm2 =	vlt.s32 v16, $0x17;
	v9 =	vsel vm0, v0, v2  }
0x369: {  	v17 =	vnsel vm1, $0x1F, v14;
	v12 =	vtrunc.f32 v12;
	v13 =	vld [tilespmem:s24+$0xFFFFFF30];
	v14 =	vtrunc.f32 v15  }
.Ltmp2:
0x36a: {  	v16 =	vnsel vm2, $0x17, v16;
	v12 =	vcvt.f32.s32 v12;
	v15 =	vld [tilespmem:s24+$0xFFFFFFB0];
	v18 =	vcvt.f32.s32 v14;
	(pc) =	sbr.rel @p1 .LBB2_7-.Ltmp2, $4  }
0x36b: {  	v7 =	vtrunc.f32 v7;
	v9 =	vadd.s32 v17, v9;
	v16 =	vshll.u32 v16, $0x5;
	v14 =	vld [tilespmem:s25+$0xFFFFFFB0]  }
0x36c: {  	vm0 =	vlt.s32 v12, $0x1F;
	[tilespmem:v10+s21+$0x0] =	vst.idx.add.f32.msk $0xffff, v3;
	vm1 =	vlt.s32 v18, $0x17;
	vm2 =	vgt.f32 v11, $0.0e+00  }
0x36d: {  	v10 =	vnsel vm0, $0x1F, v12;
	v11 =	vld [tilespmem:s30+$0xFFFFFF60];
	v17 =	vnsel vm1, $0x17, v18;
	v18 =	vsel vm2, v0, v2  }
0x36e: {  	s24 =	sadd.s32 $0x200, s24;
	v16 =	vadd.s32 v16, v9;
	v12 =	vld [tilespmem:s30+$0xFFFFFFE0];
	v9 =	vshll.u32 v17, $0x5;
	v10 =	vadd.s32 v10, v18  }
0x36f: {  	v13 =	vmul.f32 $5.000000070e-02, v13;
	v15 =	vmul.f32 $5.000000070e-02, v15;
	_ =	sdelay $0x1  }
0x370: {  	v13 =	vtrunc.f32 v13;
	v15 =	vtrunc.f32 v15  }
0x371: {  	v13 =	vcvt.f32.s32 v13;
	v15 =	vcvt.f32.s32 v15;
	_ =	sdelay $0x1  }
0x372: {  	vm0 =	vgt.f32 v14, $0.0e+00;
	vm1 =	vlt.s32 v13, $0x1F;
	vm2 =	vlt.s32 v15, $0x17  }
0x373: {  	v54 =	vsel vm0, v0, v2;
	v13 =	vnsel vm1, $0x1F, v13;
	v15 =	vnsel vm2, $0x17, v15  }
0x374: {  	[tilespmem:v16+s21+$0x0] =	vst.idx.add.f32.msk $0xffff, v3;
	v15 =	vshll.u32 v15, $0x5;
	v13 =	vadd.s32 v13, v54  }
0x375: {  	v17 =	vld [tilespmem:s1+$0xC0];
	v13 =	vadd.s32 v15, v13  }
0x376: {  	v53 =	vld [tilespmem:s1+$0x40];
	_ =	sdelay $0x2  }
0x377: {  	v55 =	vld [tilespmem:s0+$0x40]  }
0x378: {  	v56 =	vmul.f32 $5.000000070e-02, v17;
	[tilespmem:v13+s21+$0x0] =	vst.idx.add.f32.msk $0xffff, v3  }
0x379: {  	v14 =	vmul.f32 $5.000000070e-02, v53;
	v59 =	vld [tilespmem:s1+$0xFFFFFF40]  }
0x37a: {  	v58 =	vtrunc.f32 v56;
	v60 =	vld [tilespmem:s1+$0xFFFFFFC0]  }
0x37b: {  	v57 =	vtrunc.f32 v14;
	v14 =	vcvt.f32.s32 v58  }
0x37c: {  	v13 =	vcvt.f32.s32 v57  }
0x37d: {  	vm9 =	vgt.f32 v55, $0.0e+00;
	vm8 =	vlt.s32 v14, $0x17  }
0x37e: {  	v15 =	vsel vm9, v0, v2;
	v14 =	vnsel vm8, $0x17, v14;
	vm7 =	vlt.s32 v13, $0x1F  }
0x37f: {  	v61 =	vld [tilespmem:s0+$0xFFFFFFC0];
	v13 =	vnsel vm7, $0x1F, v13;
	v62 =	vmul.f32 $5.000000070e-02, v59;
	v63 =	vmul.f32 $5.000000070e-02, v60  }
0x380: {  	v14 =	vshll.u32 v14, $0x5;
	v13 =	vadd.s32 v13, v15  }
0x381: {  	v13 =	vadd.s32 v14, v13;
	v15 =	vtrunc.f32 v62;
	v16 =	vtrunc.f32 v63  }
0x382: {  	v15 =	vcvt.f32.s32 v15;
	v16 =	vcvt.f32.s32 v16;
	_ =	sdelay $0x1  }
0x383: {  	vm10 =	vgt.f32 v61, $0.0e+00;
	vm11 =	vlt.s32 v15, $0x1F;
	vm12 =	vlt.s32 v16, $0x17  }
0x384: {  	v14 =	vsel vm10, v0, v2;
	v15 =	vnsel vm11, $0x1F, v15;
	v16 =	vnsel vm12, $0x17, v16  }
0x385: {  	[tilespmem:v13+s21+$0x0] =	vst.idx.add.f32.msk $0xffff, v3;
	v16 =	vshll.u32 v16, $0x5;
	v14 =	vadd.s32 v15, v14  }
0x386: {  	v13 =	vld [tilespmem:s1+$0x50];
	v14 =	vadd.s32 v16, v14  }
0x387: {  	v20 =	vld [tilespmem:s1+$0xD0];
	_ =	sdelay $0x2  }
0x388: {  	v21 =	vld [tilespmem:s0+$0x50]  }
0x389: {  	v13 =	vmul.f32 $5.000000070e-02, v13;
	[tilespmem:v14+s21+$0x0] =	vst.idx.add.f32.msk $0xffff, v3  }
0x38a: {  	v22 =	vmul.f32 $5.000000070e-02, v20;
	v24 =	vld [tilespmem:s1+$0xFFFFFF50]  }
0x38b: {  	v13 =	vtrunc.f32 v13;
	v25 =	vld [tilespmem:s1+$0xFFFFFFD0]  }
0x38c: {  	v16 =	vtrunc.f32 v22;
	v13 =	vcvt.f32.s32 v13  }
0x38d: {  	v23 =	vcvt.f32.s32 v16  }
0x38e: {  	vm15 =	vgt.f32 v21, $0.0e+00;
	vm13 =	vlt.s32 v13, $0x1F  }
0x38f: {  	v15 =	vsel vm15, v0, v2;
	vm14 =	vlt.s32 v23, $0x17;
	v13 =	vnsel vm13, $0x1F, v13  }
0x390: {  	v26 =	vld [tilespmem:s0+$0xFFFFFFD0];
	v14 =	vnsel vm14, $0x17, v23;
	v27 =	vmul.f32 $5.000000070e-02, v24;
	v28 =	vmul.f32 $5.000000070e-02, v25  }
0x391: {  	v14 =	vshll.u32 v14, $0x5;
	v13 =	vadd.s32 v13, v15  }
0x392: {  	v13 =	vadd.s32 v14, v13;
	v15 =	vtrunc.f32 v27;
	v16 =	vtrunc.f32 v28  }
0x393: {  	v15 =	vcvt.f32.s32 v15;
	v16 =	vcvt.f32.s32 v16;
	_ =	sdelay $0x1  }
0x394: {  	vm4 =	vgt.f32 v26, $0.0e+00;
	vm5 =	vlt.s32 v15, $0x1F;
	vm6 =	vlt.s32 v16, $0x17  }
0x395: {  	v31 =	vld [tilespmem:s31+$0xFFFFFFE0];
	v30 =	vsel vm4, v0, v2;
	v15 =	vnsel vm5, $0x1F, v15;
	v16 =	vnsel vm6, $0x17, v16  }
0x396: {  	[tilespmem:v13+s21+$0x0] =	vst.idx.add.f32.msk $0xffff, v3;
	v15 =	vadd.s32 v15, v30;
	v16 =	vshll.u32 v16, $0x5  }
0x397: {  	v11 =	vmul.f32 $5.000000070e-02, v11;
	v12 =	vmul.f32 $5.000000070e-02, v12;
	v13 =	vld [tilespmem:s1+$0x60];
	v15 =	vadd.s32 v16, v15  }
0x398: {  	v29 =	vld [tilespmem:s1+$0xE0]  }
0x399: {  	v11 =	vtrunc.f32 v11;
	v12 =	vtrunc.f32 v12  }
0x39a: {  	v11 =	vcvt.f32.s32 v11;
	v12 =	vcvt.f32.s32 v12;
	vm9 =	vgt.f32 v31, $0.0e+00  }
0x39b: {  	v33 =	vsel vm9, v0, v2;
	v32 =	vld [tilespmem:s0+$0x60]  }
0x39c: {  	vm8 =	vlt.s32 v12, $0x17;
	vm7 =	vlt.s32 v11, $0x1F;
	v13 =	vmul.f32 $5.000000070e-02, v13;
	[tilespmem:v15+s21+$0x0] =	vst.idx.add.f32.msk $0xffff, v3  }
0x39d: {  	v12 =	vnsel vm8, $0x17, v12;
	v11 =	vnsel vm7, $0x1F, v11;
	v14 =	vmul.f32 $5.000000070e-02, v29;
	v34 =	vld [tilespmem:s1+$0xFFFFFF60]  }
0x39e: {  	v12 =	vshll.u32 v12, $0x5;
	v11 =	vadd.s32 v11, v33;
	v13 =	vtrunc.f32 v13;
	v35 =	vld [tilespmem:s1+$0xFFFFFFE0]  }
0x39f: {  	v11 =	vadd.s32 v12, v11;
	v14 =	vtrunc.f32 v14;
	v13 =	vcvt.f32.s32 v13  }
0x3a0: {  	v14 =	vcvt.f32.s32 v14  }
0x3a1: {  	vm12 =	vgt.f32 v32, $0.0e+00;
	vm10 =	vlt.s32 v13, $0x1F  }
0x3a2: {  	v16 =	vsel vm12, v0, v2;
	vm11 =	vlt.s32 v14, $0x17;
	v13 =	vnsel vm10, $0x1F, v13  }
0x3a3: {  	v39 =	vld [tilespmem:s0+$0xFFFFFFE0];
	v14 =	vnsel vm11, $0x17, v14;
	v37 =	vmul.f32 $5.000000070e-02, v34;
	v38 =	vmul.f32 $5.000000070e-02, v35  }
0x3a4: {  	[tilespmem:v11+s21+$0x0] =	vst.idx.add.f32.msk $0xffff, v3;
	v36 =	vshll.u32 v14, $0x5;
	v13 =	vadd.s32 v13, v16  }
0x3a5: {  	v43 =	vld [tilespmem:s30+$0xFFFFFF70];
	v12 =	vadd.s32 v36, v13;
	v13 =	vtrunc.f32 v37;
	v14 =	vtrunc.f32 v38  }
0x3a6: {  	v46 =	vld [tilespmem:s30+$0xFFFFFFF0];
	v40 =	vcvt.f32.s32 v13;
	v41 =	vcvt.f32.s32 v14  }
0x3a7: {  	v8 =	vtrunc.f32 v8;
	v4 =	vadd.s32 v5, v4  }
0x3a8: {  	vm15 =	vgt.f32 v39, $0.0e+00;
	vm13 =	vlt.s32 v40, $0x1F;
	vm14 =	vlt.s32 v41, $0x17  }
0x3a9: {  	v15 =	vsel vm15, v0, v2;
	v11 =	vnsel vm13, $0x1F, v40;
	v13 =	vnsel vm14, $0x17, v41  }
0x3aa: {  	v45 =	vcvt.f32.s32 v8;
	v13 =	vshll.u32 v13, $0x5;
	v11 =	vadd.s32 v11, v15  }
0x3ab: {  	v5 =	vld [tilespmem:s31+$0xFFFFFFF0];
	v49 =	vmul.f32 $5.000000070e-02, v43;
	v8 =	vmul.f32 $5.000000070e-02, v46;
	v11 =	vadd.s32 v13, v11  }
0x3ac: {  	v7 =	vcvt.f32.s32 v7;
	[tilespmem:v12+s21+$0x0] =	vst.idx.add.f32.msk $0xffff, v3  }
0x3ad: {  	v53 =	vtrunc.f32 v49;
	v8 =	vtrunc.f32 v8;
	v12 =	vld [tilespmem:s1+$0x70]  }
0x3ae: {  	v55 =	vcvt.f32.s32 v53;
	v8 =	vcvt.f32.s32 v8;
	v42 =	vld [tilespmem:s1+$0xF0]  }
0x3af: {  	vm4 =	vlt.s32 v7, $0x1F;
	vm5 =	vgt.f32 v6, $0.0e+00;
	vm6 =	vlt.s32 v45, $0x17;
	v48 =	vld [tilespmem:s0+$0x70]  }
0x3b0: {  	v44 =	vnsel vm4, $0x1F, v7;
	v47 =	vsel vm5, v0, v2;
	v7 =	vnsel vm6, $0x17, v45;
	[tilespmem:v11+s21+$0x0] =	vst.idx.add.f32.msk $0xffff, v3  }
0x3b1: {  	v6 =	vadd.s32 v44, v47;
	v7 =	vshll.u32 v7, $0x5;
	vm12 =	vlt.s32 v8, $0x17;
	v52 =	vld [tilespmem:s1+$0xFFFFFF70]  }
0x3b2: {  	v9 =	vadd.s32 v9, v10;
	v6 =	vadd.s32 v7, v6;
	v8 =	vnsel vm12, $0x17, v8;
	v54 =	vld [tilespmem:s1+$0xFFFFFFF0]  }
0x3b3: {  	vm10 =	vlt.s32 v55, $0x1F;
	v12 =	vmul.f32 $5.000000070e-02, v12;
	v14 =	vmul.f32 $5.000000070e-02, v42  }
0x3b4: {  	v8 =	vshll.u32 v8, $0x5;
	vm11 =	vgt.f32 v5, $0.0e+00;
	v58 =	vnsel vm10, $0x1F, v55  }
0x3b5: {  	v59 =	vsel vm11, v0, v2;
	v12 =	vtrunc.f32 v12;
	v14 =	vtrunc.f32 v14  }
0x3b6: {  	v60 =	vadd.s32 v58, v59;
	v50 =	vcvt.f32.s32 v12;
	v51 =	vcvt.f32.s32 v14  }
0x3b7: {  	vm9 =	vgt.f32 v48, $0.0e+00;
	v5 =	vld [tilespmem:s0+$0xFFFFFFF0];
	v12 =	vmul.f32 $5.000000070e-02, v52;
	v57 =	vmul.f32 $5.000000070e-02, v54  }
0x3b8: {  	v56 =	vsel vm9, v0, v2;
	vm7 =	vlt.s32 v50, $0x1F;
	vm8 =	vlt.s32 v51, $0x17  }
0x3b9: {  	v10 =	vnsel vm7, $0x1F, v50;
	v12 =	vtrunc.f32 v12;
	v14 =	vtrunc.f32 v57  }
0x3ba: {  	v11 =	vnsel vm8, $0x17, v51;
	v12 =	vcvt.f32.s32 v12;
	v14 =	vcvt.f32.s32 v14  }
0x3bb: {  	v7 =	vadd.s32 v8, v60;
	v11 =	vshll.u32 v11, $0x5;
	v10 =	vadd.s32 v10, v56  }
0x3bc: {  	vm14 =	vgt.f32 v5, $0.0e+00;
	vm13 =	vlt.s32 v12, $0x1F;
	vm15 =	vlt.s32 v14, $0x17  }
0x3bd: {  	v61 =	vsel vm14, v0, v2;
	v5 =	vnsel vm13, $0x1F, v12;
	v62 =	vnsel vm15, $0x17, v14  }
0x3be: {  	v10 =	vadd.s32 v11, v10;
	v5 =	vadd.s32 v5, v61;
	v63 =	vshll.u32 v62, $0x5  }
0x3bf: {  	[tilespmem:v9+s21+$0x0] =	vst.idx.add.f32.msk $0xffff, v3;
	v5 =	vadd.s32 v63, v5  }
.Ltmp3:
0x3c0: {  	[tilespmem:v4+s21+$0x0] =	vst.idx.add.f32.msk $0xffff, v3;
	(pc) =	sbr.rel @p0 .LBB2_9-.Ltmp3, $4  }
0x3c1: {  	[tilespmem:v6+s21+$0x0] =	vst.idx.add.f32.msk $0xffff, v3  }
0x3c2: {  	[tilespmem:v7+s21+$0x0] =	vst.idx.add.f32.msk $0xffff, v3  }
0x3c3: {  	[tilespmem:v10+s21+$0x0] =	vst.idx.add.f32.msk $0xffff, v3  }
0x3c4: {  	[tilespmem:v5+s21+$0x0] =	vst.idx.add.f32.msk $0xffff, v3  }
0x3c5: {  	s0 =	sadd.s32 s29, s10  }
.Ltmp4:
0x3c6: {  	s0 =	sshrl.u32 s0, $0x3;
	(pc) =	sbr.rel .LBB2_4-.Ltmp4, $4  }
0x3c7: {  	s1 =	sadd.s32 s2, s0  }
0x3c8: {  	[tilespmem:s17], [sflag:$0x2] =	stream.strided.gather [hbm4b:s1+s13], $0x8000, s14, s13, $0x38;
	[tilespmem:$0x1E600] =	vst v63  }
0x3c9: {  	s28 =	sadd.s32 $0x1, s28;
	s0 =	sadd.s32 s0, s5  }
0x3ca: {  	[tilespmem:s18], [sflag:$0x4] =	stream.strided.gather [hbm4b:s0+s15], $0x4000, s14, s15, $0x38;
	[tilespmem:$0x1E600] =	vst v63  }
.LBB2_9:
0x3cb: {  	s16 =	simm.s32 $0x18000  }
0x3cc: {  	s1 =	simm.s32 $0x0;
	v4 =	vld [tilespmem:s16+$0x0]  }
0x3cd: {  	s1 =	sand.u32 $0x7F0, s1  }
0x3ce: {  	v5 =	vld [tilespmem:s1+$0x18600];
	_ =	sdelay $0x1  }
0x3cf: {  	v6 =	vld [tilespmem:s1+$0x18C00]  }
0x3d0: {  	v4 =	vadd.f32 $0.0e+00, v4  }
0x3d1: {  	v7 =	vld [tilespmem:s1+$0x19200]  }
0x3d2: {  	v4 =	vadd.f32 v5, v4  }
0x3d3: {  	v5 =	vld [tilespmem:s1+$0x19800]  }
0x3d4: {  	v4 =	vadd.f32 v6, v4  }
0x3d5: {  	v6 =	vld [tilespmem:s1+$0x19E00]  }
0x3d6: {  	v4 =	vadd.f32 v7, v4  }
0x3d7: {  	v7 =	vld [tilespmem:s1+$0x1A400]  }
0x3d8: {  	v4 =	vadd.f32 v5, v4  }
0x3d9: {  	v5 =	vld [tilespmem:s1+$0x1AA00]  }
0x3da: {  	v4 =	vadd.f32 v6, v4  }
0x3db: {  	v6 =	vld [tilespmem:s1+$0x1B000]  }
0x3dc: {  	v4 =	vadd.f32 v7, v4  }
0x3dd: {  	v7 =	vld [tilespmem:s1+$0x1B600]  }
0x3de: {  	v4 =	vadd.f32 v5, v4  }
0x3df: {  	v5 =	vld [tilespmem:s1+$0x1BC00]  }
0x3e0: {  	v4 =	vadd.f32 v6, v4  }
0x3e1: {  	v6 =	vld [tilespmem:s1+$0x1C200]  }
0x3e2: {  	v4 =	vadd.f32 v7, v4  }
0x3e3: {  	v7 =	vld [tilespmem:s1+$0x1C800]  }
0x3e4: {  	v4 =	vadd.f32 v5, v4  }
0x3e5: {  	v5 =	vld [tilespmem:s1+$0x1CE00]  }
0x3e6: {  	v4 =	vadd.f32 v6, v4  }
0x3e7: {  	v6 =	vld [tilespmem:s1+$0x1D400]  }
0x3e8: {  	v4 =	vadd.f32 v7, v4  }
0x3e9: {  	v7 =	vld [tilespmem:s1+$0x1DA00]  }
0x3ea: {  	v4 =	vadd.f32 v5, v4;
	_ =	sdelay $0x1  }
0x3eb: {  	v4 =	vadd.f32 v6, v4;
	_ =	sdelay $0x1  }
0x3ec: {  	v4 =	vadd.f32 v7, v4  }
0x3ed: {  	s0 =	simm.s32 $0x1E000  }
0x3ee: {  	s1 =	simm.s32 $0x18010;
	[tilespmem:s0+$0x0] =	vst v4  }
0x3ef: {  	s24 =	simm.s32 $0x20;
	s16 =	simm.s32 $0x10;
	v4 =	vld [tilespmem:s1+$0x0]  }
.LBB2_10:
0x3f0: {  	p0 =	sne.s32 s24, $0x5F0;
	s25 =	sand.u32 $0x7F0, s16;
	s16 =	smov.u32 s24  }
0x3f1: {  	v5 =	vld [tilespmem:s25+$0x18600];
	_ =	sdelay $0x1  }
0x3f2: {  	v6 =	vld [tilespmem:s25+$0x18C00]  }
0x3f3: {  	v4 =	vadd.f32 $0.0e+00, v4  }
0x3f4: {  	v7 =	vld [tilespmem:s25+$0x19200]  }
0x3f5: {  	v4 =	vadd.f32 v5, v4  }
0x3f6: {  	v5 =	vld [tilespmem:s25+$0x19800]  }
0x3f7: {  	v4 =	vadd.f32 v6, v4  }
0x3f8: {  	v6 =	vld [tilespmem:s25+$0x19E00]  }
0x3f9: {  	v4 =	vadd.f32 v7, v4  }
0x3fa: {  	v7 =	vld [tilespmem:s25+$0x1A400]  }
0x3fb: {  	v4 =	vadd.f32 v5, v4  }
0x3fc: {  	v5 =	vld [tilespmem:s25+$0x1AA00]  }
0x3fd: {  	v4 =	vadd.f32 v6, v4  }
0x3fe: {  	v6 =	vld [tilespmem:s25+$0x1B000]  }
0x3ff: {  	v4 =	vadd.f32 v7, v4  }
0x400: {  	v7 =	vld [tilespmem:s25+$0x1B600]  }
0x401: {  	v4 =	vadd.f32 v5, v4  }
0x402: {  	v5 =	vld [tilespmem:s25+$0x1BC00]  }
0x403: {  	v4 =	vadd.f32 v6, v4  }
0x404: {  	v6 =	vld [tilespmem:s25+$0x1C200]  }
0x405: {  	v4 =	vadd.f32 v7, v4  }
0x406: {  	v7 =	vld [tilespmem:s25+$0x1C800]  }
0x407: {  	v4 =	vadd.f32 v5, v4  }
0x408: {  	v5 =	vld [tilespmem:s25+$0x1CE00]  }
0x409: {  	v4 =	vadd.f32 v6, v4  }
0x40a: {  	v6 =	vld [tilespmem:s25+$0x1D400]  }
0x40b: {  	v4 =	vadd.f32 v7, v4  }
0x40c: {  	v7 =	vld [tilespmem:s25+$0x1DA00]  }
0x40d: {  	v4 =	vadd.f32 v5, v4;
	_ =	sdelay $0x1  }
0x40e: {  	v4 =	vadd.f32 v6, v4  }
.Ltmp5:
0x40f: {  	(pc) =	sbr.rel @p0 .LBB2_10-.Ltmp5, $4  }
0x410: {  	v4 =	vadd.f32 v7, v4  }
0x411: {  	s0 =	sadd.s32 $0x10, s0  }
0x412: {  	s1 =	sadd.s32 $0x10, s1;
	[tilespmem:s0+$0x0] =	vst v4  }
0x413: {  	s24 =	sadd.s32 $0x10, s24;
	v4 =	vld [tilespmem:s1+$0x0]  }
0x414: {  	s1 =	sand.u32 $0x7F0, s16  }
0x415: {  	v5 =	vld [tilespmem:s1+$0x18600];
	_ =	sdelay $0x1  }
0x416: {  	v6 =	vld [tilespmem:s1+$0x18C00]  }
0x417: {  	v4 =	vadd.f32 $0.0e+00, v4  }
0x418: {  	v7 =	vld [tilespmem:s1+$0x19200]  }
0x419: {  	v4 =	vadd.f32 v5, v4  }
0x41a: {  	v5 =	vld [tilespmem:s1+$0x19800]  }
0x41b: {  	v4 =	vadd.f32 v6, v4  }
0x41c: {  	v56 =	vld [tilespmem:s1+$0x19E00]  }
0x41d: {  	v4 =	vadd.f32 v7, v4  }
0x41e: {  	v57 =	vld [tilespmem:s1+$0x1A400]  }
0x41f: {  	v4 =	vadd.f32 v5, v4  }
0x420: {  	v5 =	vld [tilespmem:s1+$0x1AA00]  }
0x421: {  	v4 =	vadd.f32 v56, v4  }
0x422: {  	v58 =	vld [tilespmem:s1+$0x1B000]  }
0x423: {  	v4 =	vadd.f32 v57, v4  }
0x424: {  	v59 =	vld [tilespmem:s1+$0x1B600]  }
0x425: {  	v4 =	vadd.f32 v5, v4  }
0x426: {  	v5 =	vld [tilespmem:s1+$0x1BC00]  }
0x427: {  	v4 =	vadd.f32 v58, v4  }
0x428: {  	v60 =	vld [tilespmem:s1+$0x1C200]  }
0x429: {  	v4 =	vadd.f32 v59, v4  }
0x42a: {  	v61 =	vld [tilespmem:s1+$0x1C800]  }
0x42b: {  	v4 =	vadd.f32 v5, v4  }
0x42c: {  	v5 =	vld [tilespmem:s1+$0x1CE00]  }
0x42d: {  	v4 =	vadd.f32 v60, v4  }
0x42e: {  	v62 =	vld [tilespmem:s1+$0x1D400]  }
0x42f: {  	v4 =	vadd.f32 v61, v4  }
0x430: {  	v63 =	vld [tilespmem:s1+$0x1DA00]  }
0x431: {  	v4 =	vadd.f32 v5, v4;
	_ =	sdelay $0x1  }
0x432: {  	v4 =	vadd.f32 v62, v4;
	_ =	sdelay $0x1  }
0x433: {  	s3 =	sadd.s32 $0x1, s3;
	v4 =	vadd.f32 v63, v4  }
0x434: {  	s0 =	sadd.s32 $0x10, s0;
	p0 =	sne.s32 s3, s12  }
.Ltmp6:
0x435: {  	s30 =	simm.s32 $0x400;
	s31 =	simm.s32 $0x1E000;
	[tilespmem:s0+$0x0] =	vst v4;
	(pc) =	sbr.rel @p0 .LBB2_1-.Ltmp6, $4  }
0x436: {  	[hbm4b:s11+s15] =	stream.strided.scatter [tilespmem:s31], [sflag:$0x5], $0x600, s30, s15, $0x38;
	[tilespmem:$0x1E600] =	vst v63  }
0x437: {  	_ =	swait.ge [sflag:s26], $0x600  }
0x438: {  	[sflag:s26] =	ssyncset.done $0x0  }
0x439: {  	[sflag:s26] =	ssyncadd.s32 $0xFFFFFA00  }
0x43a: {  	_ =	sfence.sel $0x180000  }
0x43b: {  	[bflag:$0x0] =	sbarrier.arrive $0xFFFF  }
0x43c: {  	_ =	strace $0x90000047  }
0x43d: {  	s0 =	stileid.u32;
	[bflag:$0x2] =	sbarrier.arrive $0xFFFF  }
0x43e: {  	p0 =	sne.s32 s0, $0x0;
	s0 =	rddreg [dreg:$0x2]  }
0x43f: {  	s0 =	sadd.s32 @!p0 $0x100000, s0  }
0x440: {  	[sflag:s0] =	ssyncadd.tile.s32 @!p0 $0x1;
	_ =	shalt  }
.Lfunc_end2:
_tile_overlayer_lowered:
.L_overlay_start_2:
0x441: {  	(tag) =	ssettag $0x2  }
0x442: {  	s0 =	rddreg [dreg:$0x0];
	s2 =	stileid.u32  }
0x443: {  	s1 =	rddreg [dreg:$0x1];
	p0 =	sne.s32 s2, $0x0  }
0x444: {  	s3 =	rddreg [dreg:$0x2];
	[bflag:$0x3] =	sbarrier.arrive $0xFFFF;
	s2 =	simm.s32 @!p0 $0x1C05  }
0x445: {  	[timem:s3], [sflag:s2] =	dma.local @!p0 [hbm:s0], s1  }
0x446: {  	s0 =	simm.s32 @!p0 $0x5  }
0x447: {  	_ =	swait.ge @!p0 [sflag:s0], s1  }
0x448: {  	s1 =	ssub.s32 @!p0 $0x0, s1;
	[sflag:s0] =	ssyncset.done @!p0 $0x0  }
0x449: {  	[sflag:s0] =	ssyncadd.s32 @!p0 s1  }
0x44a: {  	[bflag:$0x3] =	sbarrier.arrive $0xFFFF  }
0x44b: {  	_ =	shalt  }

</sc_bundles>
